<compile_context>
chip_gen: v7x
topology: tpu7x:2x2x1
jax: 0.10.2.dev20260603
libtpu: 0.0.44.dev20260713+nightly
codegen_flags: <defaults>
</compile_context>

<pallas_src>
import functools

import jax
import jax.numpy as jnp
from jax import lax
from jax.experimental import pallas as pl
from jax.experimental.pallas import tpu as pltpu
from jax.experimental.pallas import tpu_sc as plsc

B, N, C = 16, 8192, 256
S, K = 64, 8
RAD2 = 16.0

NW = 32
SPW = (B * S) // NW
RPW = SPW * K


def _fps_kernel(cx_ref, cy_ref, cz_ref, sflat_ref, scx_ref, scy_ref,
                scz_ref, cm_ref, dist_ref, idxf_ref, cxs_ref, cys_ref, czs_ref):
    cols = lax.broadcasted_iota(jnp.int32, (B, N), 1).astype(jnp.float32)
    dist_ref[...] = jnp.full((B, N), 1e10, dtype=jnp.float32)
    idxf_ref[...] = jnp.zeros((B, S * 128), dtype=jnp.float32)
    cxs_ref[...] = jnp.full((B, S * 128), -1e30, dtype=jnp.float32)
    cys_ref[...] = jnp.full((B, S * 128), -1e30, dtype=jnp.float32)
    czs_ref[...] = jnp.full((B, S * 128), -1e30, dtype=jnp.float32)

    def step(t, far):
        cx = cx_ref[...]
        cy = cy_ref[...]
        cz = cz_ref[...]
        sel = cols == far
        cxc = jnp.sum(jnp.where(sel, cx, 0.0), axis=1, keepdims=True)
        cyc = jnp.sum(jnp.where(sel, cy, 0.0), axis=1, keepdims=True)
        czc = jnp.sum(jnp.where(sel, cz, 0.0), axis=1, keepdims=True)
        d = (cx - cxc) ** 2 + (cy - cyc) ** 2 + (cz - czc) ** 2
        dist = jnp.minimum(dist_ref[...], d)
        dist_ref[...] = dist
        m2 = jnp.max(dist.reshape(B, S, 128), axis=2)
        m = jnp.max(m2, axis=1, keepdims=True)
        farn = jnp.min(jnp.where(dist == m, cols, float(N)), axis=1, keepdims=True)
        slot = pl.ds(pl.multiple_of(t * 128, 128), 1)
        idxf_ref[:, slot] = far
        cxs_ref[:, slot] = cxc
        cys_ref[:, slot] = cyc
        czs_ref[:, slot] = czc
        return farn

    far0 = jnp.zeros((B, 1), dtype=jnp.float32)
    lax.fori_loop(0, S, step, far0)
    idx = jnp.max(idxf_ref[...].reshape(B, S, 128), axis=2)
    bi = lax.broadcasted_iota(jnp.int32, (B, S), 0)
    sflat_ref[...] = idx.astype(jnp.int32) + bi * N
    scx_ref[...] = jnp.max(cxs_ref[...].reshape(B, S, 128), axis=2)
    scy_ref[...] = jnp.max(cys_ref[...].reshape(B, S, 128), axis=2)
    scz_ref[...] = jnp.max(czs_ref[...].reshape(B, S, 128), axis=2)
    cm_ref[:, 0, :] = cx_ref[...]
    cm_ref[:, 1, :] = cy_ref[...]
    cm_ref[:, 2, :] = cz_ref[...]
    cm_ref[:, 3, :] = jnp.ones((B, N), dtype=jnp.float32)


BPP = 4


def _bq_kernel(cx_ref, cy_ref, cz_ref, sx_ref, sy_ref, sz_ref, cm_ref,
               gidx_ref, coords_ref, gsc_ref, csc_ref):
    cols = lax.broadcasted_iota(jnp.int32, (S, N), 1).astype(jnp.float32)
    nf = float(N)
    for i in range(BPP):
        b = pl.program_id(0) * BPP + i
        cx = cx_ref[i]
        cy = cy_ref[i]
        cz = cz_ref[i]
        scx = sx_ref[i]
        scy = sy_ref[i]
        scz = sz_ref[i]

        sqr = (scx - cx) ** 2 + (scy - cy) ** 2 + (scz - cz) ** 2
        mask = jnp.logical_not(sqr > RAD2)

        gsc_ref[...] = jnp.zeros((S, K * 128), dtype=jnp.float32)
        v = jnp.where(mask, cols, nf)
        g0 = None
        for k in range(K):
            gk = jnp.min(v, axis=1, keepdims=True)
            if k == 0:
                g0 = gk
            gsc_ref[:, k * 128:k * 128 + 1] = jnp.where(gk == nf, g0, gk)
            v = jnp.where(v == gk, nf, v)
        gidx8 = jnp.max(gsc_ref[...].reshape(S, K, 128), axis=2)
        gidx_ref[i] = gidx8.astype(jnp.int32) + b * N

        selmf = jnp.where(jnp.logical_and(mask, v == nf), 1.0, 0.0)
        fself = jnp.where(cols == g0, 1.0, 0.0)
        lhs = jnp.concatenate([selmf, fself], axis=0)
        res = lax.dot_general(lhs, cm_ref[i], (((1,), (1,)), ((), ())),
                              preferred_element_type=jnp.float32)
        sums = res[0:S]
        firsts = res[S:2 * S]
        nsel = sums[:, 3:4]
        csc_ref[...] = jnp.full((S, 8 * 128), -1e30, dtype=jnp.float32)
        csc_ref[:, 0:1] = scx
        csc_ref[:, 128:129] = scy
        csc_ref[:, 256:257] = scz
        csc_ref[:, 384:385] = (sums[:, 0:1] + (8.0 - nsel) * firsts[:, 0:1]) * 0.125 - scx
        csc_ref[:, 512:513] = (sums[:, 1:2] + (8.0 - nsel) * firsts[:, 1:2]) * 0.125 - scy
        csc_ref[:, 640:641] = (sums[:, 2:3] + (8.0 - nsel) * firsts[:, 2:3]) * 0.125 - scz
        coords_ref[i] = jnp.max(csc_ref[...].reshape(S, 8, 128), axis=2)


def _sc_gather_body(xf_hbm, gflat_hbm, sflat_hbm, gx_hbm, sx_hbm,
                    gidx_v, sidx_v, rows_v, srows_v, gmax_v, sem1, sem2):
    w = lax.axis_index("s") * 2 + lax.axis_index("c")
    pltpu.sync_copy(gflat_hbm.at[w], gidx_v)
    pltpu.sync_copy(sflat_hbm.at[w], sidx_v)
    cp1 = pltpu.async_copy(xf_hbm.at[gidx_v.at[0]], rows_v.at[pl.ds(0, 128)], sem1)
    cp2 = pltpu.async_copy(xf_hbm.at[gidx_v.at[1]], rows_v.at[pl.ds(128, 128)], sem1)
    cp3 = pltpu.async_copy(xf_hbm.at[sidx_v], srows_v, sem2)
    def pool_range(lo, hi):
        def per_sample(s, _):
            def per_chunk(c, _2):
                acc = rows_v[s * K, pl.ds(c * 16, 16)]
                for j in range(1, K):
                    acc = jnp.maximum(acc, rows_v[s * K + j, pl.ds(c * 16, 16)])
                gmax_v[s, pl.ds(c * 16, 16)] = acc
                return 0
            return lax.fori_loop(0, C // 16, per_chunk, 0)
        lax.fori_loop(lo, hi, per_sample, 0)

    cp1.wait()
    pool_range(0, SPW // 2)
    cp2.wait()
    pool_range(SPW // 2, SPW)
    cp3.wait()
    pltpu.sync_copy(gmax_v, gx_hbm.at[pl.ds(w * SPW, SPW)])
    pltpu.sync_copy(srows_v, sx_hbm.at[pl.ds(w * SPW, SPW)])


def _sc_gather_call(xf, gflat, sflat):
    mesh = plsc.VectorSubcoreMesh(core_axis_name="c", subcore_axis_name="s")
    fn = functools.partial(
        pl.kernel,
        out_type=[jax.ShapeDtypeStruct((B * S, C), jnp.float32),
                  jax.ShapeDtypeStruct((B * S, C), jnp.float32)],
        mesh=mesh,
        scratch_types=[
            pltpu.VMEM((2, 128), jnp.int32),
            pltpu.VMEM((SPW,), jnp.int32),
            pltpu.VMEM((RPW, C), jnp.float32),
            pltpu.VMEM((SPW, C), jnp.float32),
            pltpu.VMEM((SPW, C), jnp.float32),
            pltpu.SemaphoreType.DMA,
            pltpu.SemaphoreType.DMA,
        ],
    )(_sc_gather_body)
    return fn(xf, gflat, sflat)


def _attn_kernel(sx_ref, gx_ref, wq_ref, wk_ref, lnp_ref, vpad_ref, scpad_ref,
                 out1_ref, out2_ref):
    def ln(v, w_, b_):
        mu = jnp.mean(v, axis=1, keepdims=True)
        var = jnp.mean((v - mu) ** 2, axis=1, keepdims=True)
        return (v - mu) / jnp.sqrt(var + 1e-5) * w_ + b_

    nt = (((1,), (1,)), ((), ()))
    for i in range(BPP):
        sx = sx_ref[i]
        gx = gx_ref[i]
        dx = gx - sx
        out1_ref[i] = sx + dx
        nq = ln(dx, lnp_ref[0:1, :], lnp_ref[1:2, :])
        nk = ln(sx, lnp_ref[2:3, :], lnp_ref[3:4, :])
        q = lax.dot_general(nq, wq_ref[...], nt, preferred_element_type=jnp.float32)
        k = lax.dot_general(nk, wk_ref[...], nt, preferred_element_type=jnp.float32)
        attn = lax.dot_general(q, k, nt, preferred_element_type=jnp.float32) * 0.0625
        attn = attn - jnp.max(attn, axis=1, keepdims=True)
        attn = jnp.exp(attn)
        attn = attn / jnp.sum(attn, axis=1, keepdims=True)
        c2 = jnp.dot(attn, vpad_ref[i], preferred_element_type=jnp.float32)
        out2_ref[i] = scpad_ref[i] + c2


def kernel(x, coor, Wq, Wk, ln_q_w, ln_q_b, ln_k_w, ln_k_b):
    cx = coor[:, :, 0]
    cy = coor[:, :, 1]
    cz = coor[:, :, 2]

    sflat_o, scxo, scyo, sczo, cm8 = pl.pallas_call(
        _fps_kernel,
        out_shape=[
            jax.ShapeDtypeStruct((B, S), jnp.int32),
            jax.ShapeDtypeStruct((B, S), jnp.float32),
            jax.ShapeDtypeStruct((B, S), jnp.float32),
            jax.ShapeDtypeStruct((B, S), jnp.float32),
            jax.ShapeDtypeStruct((B, 4, N), jnp.float32),
        ],
        scratch_shapes=[pltpu.VMEM((B, N), jnp.float32),
                        pltpu.VMEM((B, S * 128), jnp.float32),
                        pltpu.VMEM((B, S * 128), jnp.float32),
                        pltpu.VMEM((B, S * 128), jnp.float32),
                        pltpu.VMEM((B, S * 128), jnp.float32)],
    )(cx, cy, cz)

    gidxf, coords = pl.pallas_call(
        _bq_kernel,
        grid=(B // BPP,),
        in_specs=[
            pl.BlockSpec((BPP, 1, N), lambda b: (b, 0, 0)),
            pl.BlockSpec((BPP, 1, N), lambda b: (b, 0, 0)),
            pl.BlockSpec((BPP, 1, N), lambda b: (b, 0, 0)),
            pl.BlockSpec((BPP, S, 1), lambda b: (b, 0, 0)),
            pl.BlockSpec((BPP, S, 1), lambda b: (b, 0, 0)),
            pl.BlockSpec((BPP, S, 1), lambda b: (b, 0, 0)),
            pl.BlockSpec((BPP, 4, N), lambda b: (b, 0, 0)),
        ],
        out_specs=[
            pl.BlockSpec((BPP, S, K), lambda b: (b, 0, 0)),
            pl.BlockSpec((BPP, S, 8), lambda b: (b, 0, 0)),
        ],
        out_shape=[
            jax.ShapeDtypeStruct((B, S, K), jnp.int32),
            jax.ShapeDtypeStruct((B, S, 8), jnp.float32),
        ],
        scratch_shapes=[pltpu.VMEM((S, K * 128), jnp.float32),
                        pltpu.VMEM((S, 8 * 128), jnp.float32)],
    )(cx.reshape(B, 1, N), cy.reshape(B, 1, N), cz.reshape(B, 1, N),
      scxo.reshape(B, S, 1), scyo.reshape(B, S, 1), sczo.reshape(B, S, 1),
      cm8)

    gflat = gidxf.reshape(NW, 2, 128)
    sflat = sflat_o.reshape(NW, SPW)
    gx_flat, sx_flat = _sc_gather_call(x.reshape(B * N, C), gflat, sflat)

    sxr = sx_flat.reshape(B, S, C)
    gxr = gx_flat.reshape(B, S, C)
    sample_coor = coords[:, :, 0:3]
    diff_coor = coords[:, :, 3:6]
    v2d = jnp.transpose(diff_coor, (0, 2, 1)).reshape(B, S, 3)
    vpad = jnp.pad(v2d, ((0, 0), (0, 0), (0, 5)))
    scpad = jnp.pad(sample_coor, ((0, 0), (0, 0), (0, 5)))
    lnp = jnp.concatenate([ln_q_w.reshape(1, C), ln_q_b.reshape(1, C),
                           ln_k_w.reshape(1, C), ln_k_b.reshape(1, C)], axis=0)

    out1, out2pad = pl.pallas_call(
        _attn_kernel,
        grid=(B // BPP,),
        in_specs=[
            pl.BlockSpec((BPP, S, C), lambda b: (b, 0, 0)),
            pl.BlockSpec((BPP, S, C), lambda b: (b, 0, 0)),
            pl.BlockSpec((C, C), lambda b: (0, 0)),
            pl.BlockSpec((C, C), lambda b: (0, 0)),
            pl.BlockSpec((4, C), lambda b: (0, 0)),
            pl.BlockSpec((BPP, S, 8), lambda b: (b, 0, 0)),
            pl.BlockSpec((BPP, S, 8), lambda b: (b, 0, 0)),
        ],
        out_specs=[
            pl.BlockSpec((BPP, S, C), lambda b: (b, 0, 0)),
            pl.BlockSpec((BPP, S, 8), lambda b: (b, 0, 0)),
        ],
        out_shape=[
            jax.ShapeDtypeStruct((B, S, C), jnp.float32),
            jax.ShapeDtypeStruct((B, S, 8), jnp.float32),
        ],
    )(sxr, gxr, Wq, Wk, lnp, vpad, scpad)

    return (out1, out2pad[:, :, 0:3])

# --- scband reference (transcript-rebuilt; emitter-appended) ---
"""Pipeline reference for scband-encoder-block-7859790152260 (READ-ONLY COPY).

The authoritative reference and input builder live on the scoring server;
editing this copy changes nothing except your own understanding.
"""

import jax, jax.numpy as jnp
import numpy as np

DIM = 256
NSAMPLE = 8
NPOINT = 64
RADIUS = 4.0


def layernorm(x, w, b, eps=1e-5):
    mu = jnp.mean(x, axis=-1, keepdims=True)
    var = jnp.var(x, axis=-1, keepdims=True)
    return (x - mu) / jnp.sqrt(var + eps) * w + b


def fps_single(pts):
    # furthest point sampling: returns NPOINT int32 indices (non-differentiable, like the CUDA op)
    pts = jax.lax.stop_gradient(pts)
    N = pts.shape[0]

    def step(carry, _):
        dist, far = carry
        centroid = pts[far]
        d = jnp.sum((pts - centroid) ** 2, axis=-1)
        dist = jnp.minimum(dist, d)
        nxt = jnp.argmax(dist).astype(jnp.int32)
        return (dist, nxt), far

    init = (jnp.full((N,), 1e10, dtype=jnp.float32), jnp.int32(0))
    _, idxs = jax.lax.scan(step, init, None, length=NPOINT)
    return idxs


def ball_query(new_xyz, xyz):
    # new_xyz [S,3], xyz [N,3]; pointnet2-style ball query (indices only, non-diff)
    N = xyz.shape[0]
    a = jax.lax.stop_gradient(new_xyz)
    b = jax.lax.stop_gradient(xyz)
    sqr = jnp.sum((a[:, None, :] - b[None, :, :]) ** 2, axis=-1)
    gidx = jnp.where(sqr > RADIUS ** 2, N, jnp.arange(N, dtype=jnp.int32)[None, :])
    gidx = jnp.sort(gidx, axis=-1)[:, :NSAMPLE]
    first = gidx[:, 0:1]
    gidx = jnp.where(gidx == N, first, gidx)
    return gidx


def setup_inputs(seed: int = 0):
    key = jax.random.key(seed)
    k1, k2, k3, k4 = jax.random.split(key, 4)
    x = jax.random.normal(k1, (16, 8192, 256), dtype=jnp.float32)
    coor = jax.random.normal(k2, (16, 8192, 3), dtype=jnp.float32)
    Wq = jax.random.normal(k3, (256, 256), dtype=jnp.float32) * 0.02
    Wk = jax.random.normal(k4, (256, 256), dtype=jnp.float32) * 0.02
    ln_q_w = jnp.ones((256,), dtype=jnp.float32)
    ln_q_b = jnp.zeros((256,), dtype=jnp.float32)
    ln_k_w = jnp.ones((256,), dtype=jnp.float32)
    ln_k_b = jnp.zeros((256,), dtype=jnp.float32)
    return {"x": x, "coor": coor, "Wq": Wq, "Wk": Wk, "ln_q_w": ln_q_w, "ln_q_b": ln_q_b, "ln_k_w": ln_k_w, "ln_k_b": ln_k_b}


def reference(x, coor, Wq, Wk, ln_q_w, ln_q_b, ln_k_w, ln_k_b):
    B, N, C = x.shape
    idx = jax.vmap(fps_single)(coor)  # [B, 64] int32
    sample_coor = jnp.take_along_axis(coor, idx[:, :, None], axis=1)  # [B,64,3]
    sample_x = jnp.take_along_axis(x, idx[:, :, None], axis=1)  # [B,64,256]
    gidx = jax.vmap(ball_query)(sample_coor, coor)  # [B,64,8]
    grouped_xyz = jax.vmap(lambda p, i: p[i])(coor, gidx)  # [B,64,8,3]
    grouped_xyz = grouped_xyz - sample_coor[:, :, None, :]
    grouped_feat = jax.vmap(lambda p, i: p[i])(x, gidx)  # [B,64,8,256]
    global_x = jnp.max(grouped_feat, axis=2)  # [B,64,256]
    diff_x = global_x - sample_x  # == x_2 in [B,64,256] layout
    diff_coor = jnp.mean(grouped_xyz, axis=2)  # [B,64,3]
    norm_k = layernorm(sample_x, ln_k_w, ln_k_b)
    norm_q = layernorm(diff_x, ln_q_w, ln_q_b)
    scale = float(C) ** (-0.5)  # head_dim = out_dim // 1 = 256, qk_scale=None
    q = (norm_q @ Wq.T)[:, None, :, :]  # [B,1,64,256]
    k = (norm_k @ Wk.T)[:, None, :, :]
    # faithful to torch: v = diff_coor(in [B,3,64] contiguous layout).view(B, 64, 1, -1).permute(0,2,1,3)
    v = jnp.transpose(diff_coor, (0, 2, 1)).reshape(B, NPOINT, 1, 3)
    v = jnp.transpose(v, (0, 2, 1, 3))  # [B,1,64,3]
    attn = (q @ jnp.swapaxes(k, -2, -1)) * scale
    attn = jax.nn.softmax(attn, axis=-1)
    coor_2 = attn @ v  # [B,1,64,3]
    coor_2 = jnp.transpose(coor_2, (0, 2, 1, 3)).reshape(B, NPOINT, 3)
    return (sample_x + diff_x, sample_coor + coor_2)

if __name__ == "__main__":
    import jax
    _d = setup_inputs()
    print(jax.jit(kernel)(*tuple(_d.values())))

</pallas_src>

<mosaic_0001>
#map = affine_map<(d0, d1) -> (0, 0)>
#map1 = affine_map<(d0, d1) -> (0, 0, 0)>
module attributes {stable_mosaic.version = 14 : i64} {
  func.func @_sc_gather_body(%arg0: i32, %arg1: i32, %arg2: memref<131072x256xf32, #tpu.memory_space<hbm>>, %arg3: memref<32x2x128xi32, #tpu.memory_space<hbm>>, %arg4: memref<32x32xi32, #tpu.memory_space<hbm>>, %arg5: memref<1024x256xf32, #tpu.memory_space<hbm>>, %arg6: memref<1024x256xf32, #tpu.memory_space<hbm>>, %arg7: memref<2x128xi32, #tpu.memory_space<vmem>>, %arg8: memref<32xi32, #tpu.memory_space<vmem>>, %arg9: memref<256x256xf32, #tpu.memory_space<vmem>>, %arg10: memref<32x256xf32, #tpu.memory_space<vmem>>, %arg11: memref<32x256xf32, #tpu.memory_space<vmem>>, %arg12: memref<!tpu.dma_semaphore, #tpu.memory_space<semaphore_mem>>, %arg13: memref<!tpu.dma_semaphore, #tpu.memory_space<semaphore_mem>>) attributes {dimension_semantics = [#tpu.dimension_semantics<core_parallel>, #tpu.dimension_semantics<subcore_parallel>], iteration_bounds = array<i64: 2, 16>, scalar_prefetch = 0 : i64, scratch_operands = 7 : i64, tpu.core_type = #tpu.core_type<sc_vector_subcore>, window_params = [{transform_indices = #map}, {transform_indices = #map1}, {transform_indices = #map}, {transform_indices = #map}, {transform_indices = #map}]} {
    %mul3A = arith.constant 2 : i32
    %mul3A_0 = arith.muli %arg1, %mul3A : i32
    %add3A = arith.addi %mul3A_0, %arg0 : i32
    "tpu.region"() ({
      %run_scoped3A = tpu.sem_alloc : memref<!tpu.dma_semaphore, #tpu.memory_space<semaphore_mem>>
      %dma_start3A_62 = arith.constant 0 : i32
      %dma_start3A_63 = arith.constant 0 : i32
      %dma_start3A_64 = tpu.memref_slice %arg3[%add3A, %dma_start3A_62, %dma_start3A_63] : memref<32x2x128xi32, #tpu.memory_space<hbm>> -> memref<1x2x128xi32, #tpu.memory_space<hbm>>
      %dma_start3A_65 = tpu.memref_squeeze %dma_start3A_64 : memref<1x2x128xi32, #tpu.memory_space<hbm>> -> memref<2x128xi32, #tpu.memory_space<hbm>>
      %dma_start3A_66 = arith.constant 0 : i32
      %dma_start3A_67 = arith.constant 0 : i32
      %dma_start3A_68 = tpu.memref_slice %arg3[%add3A, %dma_start3A_66, %dma_start3A_67] : memref<32x2x128xi32, #tpu.memory_space<hbm>> -> memref<1x2x128xi32, #tpu.memory_space<hbm>>
      %dma_start3A_69 = tpu.memref_squeeze %dma_start3A_68 : memref<1x2x128xi32, #tpu.memory_space<hbm>> -> memref<2x128xi32, #tpu.memory_space<hbm>>
      tpu.enqueue_dma source(%dma_start3A_69 : memref<2x128xi32, #tpu.memory_space<hbm>>) target(%arg7 : memref<2x128xi32, #tpu.memory_space<vmem>>) target_semaphore(%run_scoped3A : memref<!tpu.dma_semaphore, #tpu.memory_space<semaphore_mem>>)
      %dma_wait3A_70 = arith.constant 0 : i32
      %dma_wait3A_71 = arith.constant 0 : i32
      %dma_wait3A_72 = tpu.memref_slice %arg3[%add3A, %dma_wait3A_70, %dma_wait3A_71] : memref<32x2x128xi32, #tpu.memory_space<hbm>> -> memref<1x2x128xi32, #tpu.memory_space<hbm>>
      %dma_wait3A_73 = tpu.memref_squeeze %dma_wait3A_72 : memref<1x2x128xi32, #tpu.memory_space<hbm>> -> memref<2x128xi32, #tpu.memory_space<hbm>>
      %dma_wait3A_74 = arith.constant 0 : i32
      %dma_wait3A_75 = arith.constant 0 : i32
      %dma_wait3A_76 = tpu.memref_slice %arg3[%add3A, %dma_wait3A_74, %dma_wait3A_75] : memref<32x2x128xi32, #tpu.memory_space<hbm>> -> memref<1x2x128xi32, #tpu.memory_space<hbm>>
      %dma_wait3A_77 = tpu.memref_squeeze %dma_wait3A_76 : memref<1x2x128xi32, #tpu.memory_space<hbm>> -> memref<2x128xi32, #tpu.memory_space<hbm>>
      tpu.wait_dma2 semaphore(%run_scoped3A : memref<!tpu.dma_semaphore, #tpu.memory_space<semaphore_mem>>) src(%dma_wait3A_77 : memref<2x128xi32, #tpu.memory_space<hbm>>) dst(%arg7 : memref<2x128xi32, #tpu.memory_space<vmem>>)
      tpu.yield
    }) : () -> ()
    "tpu.region"() ({
      %run_scoped3A = tpu.sem_alloc : memref<!tpu.dma_semaphore, #tpu.memory_space<semaphore_mem>>
      %dma_start3A_62 = arith.constant 0 : i32
      %dma_start3A_63 = tpu.memref_slice %arg4[%add3A, %dma_start3A_62] : memref<32x32xi32, #tpu.memory_space<hbm>> -> memref<1x32xi32, #tpu.memory_space<hbm>>
      %dma_start3A_64 = tpu.memref_squeeze %dma_start3A_63 : memref<1x32xi32, #tpu.memory_space<hbm>> -> memref<32xi32, #tpu.memory_space<hbm>>
      %dma_start3A_65 = arith.constant 0 : i32
      %dma_start3A_66 = tpu.memref_slice %arg4[%add3A, %dma_start3A_65] : memref<32x32xi32, #tpu.memory_space<hbm>> -> memref<1x32xi32, #tpu.memory_space<hbm>>
      %dma_start3A_67 = tpu.memref_squeeze %dma_start3A_66 : memref<1x32xi32, #tpu.memory_space<hbm>> -> memref<32xi32, #tpu.memory_space<hbm>>
      tpu.enqueue_dma source(%dma_start3A_67 : memref<32xi32, #tpu.memory_space<hbm>>) target(%arg8 : memref<32xi32, #tpu.memory_space<vmem>>) target_semaphore(%run_scoped3A : memref<!tpu.dma_semaphore, #tpu.memory_space<semaphore_mem>>)
      %dma_wait3A_68 = arith.constant 0 : i32
      %dma_wait3A_69 = tpu.memref_slice %arg4[%add3A, %dma_wait3A_68] : memref<32x32xi32, #tpu.memory_space<hbm>> -> memref<1x32xi32, #tpu.memory_space<hbm>>
      %dma_wait3A_70 = tpu.memref_squeeze %dma_wait3A_69 : memref<1x32xi32, #tpu.memory_space<hbm>> -> memref<32xi32, #tpu.memory_space<hbm>>
      %dma_wait3A_71 = arith.constant 0 : i32
      %dma_wait3A_72 = tpu.memref_slice %arg4[%add3A, %dma_wait3A_71] : memref<32x32xi32, #tpu.memory_space<hbm>> -> memref<1x32xi32, #tpu.memory_space<hbm>>
      %dma_wait3A_73 = tpu.memref_squeeze %dma_wait3A_72 : memref<1x32xi32, #tpu.memory_space<hbm>> -> memref<32xi32, #tpu.memory_space<hbm>>
      tpu.wait_dma2 semaphore(%run_scoped3A : memref<!tpu.dma_semaphore, #tpu.memory_space<semaphore_mem>>) src(%dma_wait3A_73 : memref<32xi32, #tpu.memory_space<hbm>>) dst(%arg8 : memref<32xi32, #tpu.memory_space<vmem>>)
      tpu.yield
    }) : () -> ()
    %dma_start3A = arith.constant 0 : i32
    %dma_start3A_1 = arith.constant 0 : i32
    %dma_start3A_2 = arith.constant 0 : i32
    %dma_start3A_3 = tpu.memref_slice %arg9[%dma_start3A_1, %dma_start3A_2] : memref<256x256xf32, #tpu.memory_space<vmem>> -> memref<128x256xf32, #tpu.memory_space<vmem>>
    %dma_start3A_4 = arith.constant 0 : i32
    %dma_start3A_5 = tpu.memref_slice %arg7[%dma_start3A, %dma_start3A_4] : memref<2x128xi32, #tpu.memory_space<vmem>> -> memref<1x128xi32, #tpu.memory_space<vmem>>
    %dma_start3A_6 = tpu.memref_squeeze %dma_start3A_5 : memref<1x128xi32, #tpu.memory_space<vmem>> -> memref<128xi32, #tpu.memory_space<vmem>>
    %dma_start3A_7 = arith.constant 0 : i32
    %dma_start3A_8 = arith.constant 0 : i32
    %dma_start3A_9 = tpu.memref_slice %arg2[%dma_start3A_7, %dma_start3A_8] : memref<131072x256xf32, #tpu.memory_space<hbm>> -> memref<131072x256xf32, #tpu.memory_space<hbm>>
    tpu.enqueue_indirect_dma source(%dma_start3A_9 : memref<131072x256xf32, #tpu.memory_space<hbm>>) target(%dma_start3A_3 : memref<128x256xf32, #tpu.memory_space<vmem>>) offsets(%dma_start3A_6 : memref<128xi32, #tpu.memory_space<vmem>>) semaphore(%arg12 : memref<!tpu.dma_semaphore, #tpu.memory_space<semaphore_mem>>)
    %dma_start3A_10 = arith.constant 1 : i32
    %dma_start3A_11 = arith.constant 128 : i32
    %dma_start3A_12 = arith.constant 0 : i32
    %dma_start3A_13 = tpu.memref_slice %arg9[%dma_start3A_11, %dma_start3A_12] : memref<256x256xf32, #tpu.memory_space<vmem>> -> memref<128x256xf32, #tpu.memory_space<vmem>>
    %dma_start3A_14 = arith.constant 0 : i32
    %dma_start3A_15 = tpu.memref_slice %arg7[%dma_start3A_10, %dma_start3A_14] : memref<2x128xi32, #tpu.memory_space<vmem>> -> memref<1x128xi32, #tpu.memory_space<vmem>>
    %dma_start3A_16 = tpu.memref_squeeze %dma_start3A_15 : memref<1x128xi32, #tpu.memory_space<vmem>> -> memref<128xi32, #tpu.memory_space<vmem>>
    %dma_start3A_17 = arith.constant 0 : i32
    %dma_start3A_18 = arith.constant 0 : i32
    %dma_start3A_19 = tpu.memref_slice %arg2[%dma_start3A_17, %dma_start3A_18] : memref<131072x256xf32, #tpu.memory_space<hbm>> -> memref<131072x256xf32, #tpu.memory_space<hbm>>
    tpu.enqueue_indirect_dma source(%dma_start3A_19 : memref<131072x256xf32, #tpu.memory_space<hbm>>) target(%dma_start3A_13 : memref<128x256xf32, #tpu.memory_space<vmem>>) offsets(%dma_start3A_16 : memref<128xi32, #tpu.memory_space<vmem>>) semaphore(%arg12 : memref<!tpu.dma_semaphore, #tpu.memory_space<semaphore_mem>>)
    %dma_start3A_20 = arith.constant 0 : i32
    %dma_start3A_21 = arith.constant 0 : i32
    %dma_start3A_22 = tpu.memref_slice %arg2[%dma_start3A_20, %dma_start3A_21] : memref<131072x256xf32, #tpu.memory_space<hbm>> -> memref<131072x256xf32, #tpu.memory_space<hbm>>
    tpu.enqueue_indirect_dma source(%dma_start3A_22 : memref<131072x256xf32, #tpu.memory_space<hbm>>) target(%arg10 : memref<32x256xf32, #tpu.memory_space<vmem>>) offsets(%arg8 : memref<32xi32, #tpu.memory_space<vmem>>) semaphore(%arg13 : memref<!tpu.dma_semaphore, #tpu.memory_space<semaphore_mem>>)
    %dma_wait3A = arith.constant 0 : i32
    %dma_wait3A_23 = arith.constant 0 : i32
    %dma_wait3A_24 = arith.constant 0 : i32
    %dma_wait3A_25 = tpu.memref_slice %arg9[%dma_wait3A_23, %dma_wait3A_24] : memref<256x256xf32, #tpu.memory_space<vmem>> -> memref<128x256xf32, #tpu.memory_space<vmem>>
    %dma_wait3A_26 = arith.constant 0 : i32
    %dma_wait3A_27 = tpu.memref_slice %arg7[%dma_wait3A, %dma_wait3A_26] : memref<2x128xi32, #tpu.memory_space<vmem>> -> memref<1x128xi32, #tpu.memory_space<vmem>>
    %dma_wait3A_28 = tpu.memref_squeeze %dma_wait3A_27 : memref<1x128xi32, #tpu.memory_space<vmem>> -> memref<128xi32, #tpu.memory_space<vmem>>
    %dma_wait3A_29 = arith.constant 0 : i32
    %dma_wait3A_30 = arith.constant 0 : i32
    %dma_wait3A_31 = tpu.memref_slice %arg2[%dma_wait3A_29, %dma_wait3A_30] : memref<131072x256xf32, #tpu.memory_space<hbm>> -> memref<131072x256xf32, #tpu.memory_space<hbm>>
    tpu.wait_indirect_dma semaphore(%arg12 : memref<!tpu.dma_semaphore, #tpu.memory_space<semaphore_mem>>) src(%dma_wait3A_31 : memref<131072x256xf32, #tpu.memory_space<hbm>>) dst(%dma_wait3A_25 : memref<128x256xf32, #tpu.memory_space<vmem>>)
    %scan3A = arith.constant 0 : i32
    %scan3A_32 = arith.constant 0 : i32
    %scan3A_33 = arith.constant 16 : i32
    %scan3A_34 = arith.addi %scan3A_32, %scan3A_33 : i32
    %scan3A_35 = arith.constant 1 : i32
    %scan3A_36 = scf.for %scan3A_62 = %scan3A_32 to %scan3A_34 step %scan3A_35 iter_args(%scan3A_63 = %scan3A) -> (i32)  : i32 {
      %scan3A_64 = arith.constant 0 : i32
      %scan3A_65 = arith.constant 0 : i32
      %scan3A_66 = arith.constant 16 : i32
      %scan3A_67 = arith.addi %scan3A_65, %scan3A_66 : i32
      %scan3A_68 = arith.constant 1 : i32
      %scan3A_69 = scf.for %scan3A_71 = %scan3A_65 to %scan3A_67 step %scan3A_68 iter_args(%scan3A_72 = %scan3A_64) -> (i32)  : i32 {
        %mul3A_73 = arith.constant 8 : i32
        %mul3A_74 = arith.muli %scan3A_62, %mul3A_73 : i32
        %mul3A_75 = arith.constant 16 : i32
        %mul3A_76 = arith.muli %scan3A_71, %mul3A_75 : i32
        %get3A = arith.index_cast %mul3A_74 : i32 to index
        %get3A_77 = arith.index_cast %mul3A_76 : i32 to index
        %get3A_78 = tpu.vector_load %arg9[%get3A, %get3A_77] {strides = array<i32>} : memref<256x256xf32, #tpu.memory_space<vmem>>, vector<1x16xf32>,
        %get3A_79 = vector.shape_cast %get3A_78 : vector<1x16xf32> to vector<16xf32>
        %mul3A_80 = arith.constant 8 : i32
        %mul3A_81 = arith.muli %scan3A_62, %mul3A_80 : i32
        %add3A_82 = arith.constant 1 : i32
        %add3A_83 = arith.addi %mul3A_81, %add3A_82 : i32
        %mul3A_84 = arith.constant 16 : i32
        %mul3A_85 = arith.muli %scan3A_71, %mul3A_84 : i32
        %get3A_86 = arith.index_cast %add3A_83 : i32 to index
        %get3A_87 = arith.index_cast %mul3A_85 : i32 to index
        %get3A_88 = tpu.vector_load %arg9[%get3A_86, %get3A_87] {strides = array<i32>} : memref<256x256xf32, #tpu.memory_space<vmem>>, vector<1x16xf32>,
        %get3A_89 = vector.shape_cast %get3A_88 : vector<1x16xf32> to vector<16xf32>
        %max3A = arith.maximumf %get3A_79, %get3A_89 : vector<16xf32>
        %mul3A_90 = arith.constant 8 : i32
        %mul3A_91 = arith.muli %scan3A_62, %mul3A_90 : i32
        %add3A_92 = arith.constant 2 : i32
        %add3A_93 = arith.addi %mul3A_91, %add3A_92 : i32
        %mul3A_94 = arith.constant 16 : i32
        %mul3A_95 = arith.muli %scan3A_71, %mul3A_94 : i32
        %get3A_96 = arith.index_cast %add3A_93 : i32 to index
        %get3A_97 = arith.index_cast %mul3A_95 : i32 to index
        %get3A_98 = tpu.vector_load %arg9[%get3A_96, %get3A_97] {strides = array<i32>} : memref<256x256xf32, #tpu.memory_space<vmem>>, vector<1x16xf32>,
        %get3A_99 = vector.shape_cast %get3A_98 : vector<1x16xf32> to vector<16xf32>
        %max3A_100 = arith.maximumf %max3A, %get3A_99 : vector<16xf32>
        %mul3A_101 = arith.constant 8 : i32
        %mul3A_102 = arith.muli %scan3A_62, %mul3A_101 : i32
        %add3A_103 = arith.constant 3 : i32
        %add3A_104 = arith.addi %mul3A_102, %add3A_103 : i32
        %mul3A_105 = arith.constant 16 : i32
        %mul3A_106 = arith.muli %scan3A_71, %mul3A_105 : i32
        %get3A_107 = arith.index_cast %add3A_104 : i32 to index
        %get3A_108 = arith.index_cast %mul3A_106 : i32 to index
        %get3A_109 = tpu.vector_load %arg9[%get3A_107, %get3A_108] {strides = array<i32>} : memref<256x256xf32, #tpu.memory_space<vmem>>, vector<1x16xf32>,
        %get3A_110 = vector.shape_cast %get3A_109 : vector<1x16xf32> to vector<16xf32>
        %max3A_111 = arith.maximumf %max3A_100, %get3A_110 : vector<16xf32>
        %mul3A_112 = arith.constant 8 : i32
        %mul3A_113 = arith.muli %scan3A_62, %mul3A_112 : i32
        %add3A_114 = arith.constant 4 : i32
        %add3A_115 = arith.addi %mul3A_113, %add3A_114 : i32
        %mul3A_116 = arith.constant 16 : i32
        %mul3A_117 = arith.muli %scan3A_71, %mul3A_116 : i32
        %get3A_118 = arith.index_cast %add3A_115 : i32 to index
        %get3A_119 = arith.index_cast %mul3A_117 : i32 to index
        %get3A_120 = tpu.vector_load %arg9[%get3A_118, %get3A_119] {strides = array<i32>} : memref<256x256xf32, #tpu.memory_space<vmem>>, vector<1x16xf32>,
        %get3A_121 = vector.shape_cast %get3A_120 : vector<1x16xf32> to vector<16xf32>
        %max3A_122 = arith.maximumf %max3A_111, %get3A_121 : vector<16xf32>
        %mul3A_123 = arith.constant 8 : i32
        %mul3A_124 = arith.muli %scan3A_62, %mul3A_123 : i32
        %add3A_125 = arith.constant 5 : i32
        %add3A_126 = arith.addi %mul3A_124, %add3A_125 : i32
        %mul3A_127 = arith.constant 16 : i32
        %mul3A_128 = arith.muli %scan3A_71, %mul3A_127 : i32
        %get3A_129 = arith.index_cast %add3A_126 : i32 to index
        %get3A_130 = arith.index_cast %mul3A_128 : i32 to index
        %get3A_131 = tpu.vector_load %arg9[%get3A_129, %get3A_130] {strides = array<i32>} : memref<256x256xf32, #tpu.memory_space<vmem>>, vector<1x16xf32>,
        %get3A_132 = vector.shape_cast %get3A_131 : vector<1x16xf32> to vector<16xf32>
        %max3A_133 = arith.maximumf %max3A_122, %get3A_132 : vector<16xf32>
        %mul3A_134 = arith.constant 8 : i32
        %mul3A_135 = arith.muli %scan3A_62, %mul3A_134 : i32
        %add3A_136 = arith.constant 6 : i32
        %add3A_137 = arith.addi %mul3A_135, %add3A_136 : i32
        %mul3A_138 = arith.constant 16 : i32
        %mul3A_139 = arith.muli %scan3A_71, %mul3A_138 : i32
        %get3A_140 = arith.index_cast %add3A_137 : i32 to index
        %get3A_141 = arith.index_cast %mul3A_139 : i32 to index
        %get3A_142 = tpu.vector_load %arg9[%get3A_140, %get3A_141] {strides = array<i32>} : memref<256x256xf32, #tpu.memory_space<vmem>>, vector<1x16xf32>,
        %get3A_143 = vector.shape_cast %get3A_142 : vector<1x16xf32> to vector<16xf32>
        %max3A_144 = arith.maximumf %max3A_133, %get3A_143 : vector<16xf32>
        %mul3A_145 = arith.constant 8 : i32
        %mul3A_146 = arith.muli %scan3A_62, %mul3A_145 : i32
        %add3A_147 = arith.constant 7 : i32
        %add3A_148 = arith.addi %mul3A_146, %add3A_147 : i32
        %mul3A_149 = arith.constant 16 : i32
        %mul3A_150 = arith.muli %scan3A_71, %mul3A_149 : i32
        %get3A_151 = arith.index_cast %add3A_148 : i32 to index
        %get3A_152 = arith.index_cast %mul3A_150 : i32 to index
        %get3A_153 = tpu.vector_load %arg9[%get3A_151, %get3A_152] {strides = array<i32>} : memref<256x256xf32, #tpu.memory_space<vmem>>, vector<1x16xf32>,
        %get3A_154 = vector.shape_cast %get3A_153 : vector<1x16xf32> to vector<16xf32>
        %max3A_155 = arith.maximumf %max3A_144, %get3A_154 : vector<16xf32>
        %mul3A_156 = arith.constant 16 : i32
        %mul3A_157 = arith.muli %scan3A_71, %mul3A_156 : i32
        %swap3A = arith.index_cast %scan3A_62 : i32 to index
        %swap3A_158 = arith.index_cast %mul3A_157 : i32 to index
        %swap3A_159 = tpu.vector_load %arg11[%swap3A, %swap3A_158] {strides = array<i32>} : memref<32x256xf32, #tpu.memory_space<vmem>>, vector<1x16xf32>,
        %swap3A_160 = vector.shape_cast %swap3A_159 : vector<1x16xf32> to vector<16xf32>
        %swap3A_161 = vector.shape_cast %max3A_155 : vector<16xf32> to vector<1x16xf32>
        tpu.vector_store %arg11[%swap3A, %swap3A_158], %swap3A_161 {strides = array<i32>} : memref<32x256xf32, #tpu.memory_space<vmem>>, vector<1x16xf32>,
        %scan3A_162 = arith.constant 0 : i32
        scf.yield %scan3A_162 : i32
      }
      %scan3A_70 = arith.constant 16 : i32
      scf.yield %scan3A_69 : i32
    }
    %scan3A_37 = arith.constant 16 : i32
    %dma_wait3A_38 = arith.constant 1 : i32
    %dma_wait3A_39 = arith.constant 128 : i32
    %dma_wait3A_40 = arith.constant 0 : i32
    %dma_wait3A_41 = tpu.memref_slice %arg9[%dma_wait3A_39, %dma_wait3A_40] : memref<256x256xf32, #tpu.memory_space<vmem>> -> memref<128x256xf32, #tpu.memory_space<vmem>>
    %dma_wait3A_42 = arith.constant 0 : i32
    %dma_wait3A_43 = tpu.memref_slice %arg7[%dma_wait3A_38, %dma_wait3A_42] : memref<2x128xi32, #tpu.memory_space<vmem>> -> memref<1x128xi32, #tpu.memory_space<vmem>>
    %dma_wait3A_44 = tpu.memref_squeeze %dma_wait3A_43 : memref<1x128xi32, #tpu.memory_space<vmem>> -> memref<128xi32, #tpu.memory_space<vmem>>
    %dma_wait3A_45 = arith.constant 0 : i32
    %dma_wait3A_46 = arith.constant 0 : i32
    %dma_wait3A_47 = tpu.memref_slice %arg2[%dma_wait3A_45, %dma_wait3A_46] : memref<131072x256xf32, #tpu.memory_space<hbm>> -> memref<131072x256xf32, #tpu.memory_space<hbm>>
    tpu.wait_indirect_dma semaphore(%arg12 : memref<!tpu.dma_semaphore, #tpu.memory_space<semaphore_mem>>) src(%dma_wait3A_47 : memref<131072x256xf32, #tpu.memory_space<hbm>>) dst(%dma_wait3A_41 : memref<128x256xf32, #tpu.memory_space<vmem>>)
    %scan3A_48 = arith.constant 0 : i32
    %scan3A_49 = arith.constant 16 : i32
    %scan3A_50 = arith.constant 16 : i32
    %scan3A_51 = arith.addi %scan3A_49, %scan3A_50 : i32
    %scan3A_52 = arith.constant 1 : i32
    %scan3A_53 = scf.for %scan3A_62 = %scan3A_49 to %scan3A_51 step %scan3A_52 iter_args(%scan3A_63 = %scan3A_48) -> (i32)  : i32 {
      %scan3A_64 = arith.constant 0 : i32
      %scan3A_65 = arith.constant 0 : i32
      %scan3A_66 = arith.constant 16 : i32
      %scan3A_67 = arith.addi %scan3A_65, %scan3A_66 : i32
      %scan3A_68 = arith.constant 1 : i32
      %scan3A_69 = scf.for %scan3A_71 = %scan3A_65 to %scan3A_67 step %scan3A_68 iter_args(%scan3A_72 = %scan3A_64) -> (i32)  : i32 {
        %mul3A_73 = arith.constant 8 : i32
        %mul3A_74 = arith.muli %scan3A_62, %mul3A_73 : i32
        %mul3A_75 = arith.constant 16 : i32
        %mul3A_76 = arith.muli %scan3A_71, %mul3A_75 : i32
        %get3A = arith.index_cast %mul3A_74 : i32 to index
        %get3A_77 = arith.index_cast %mul3A_76 : i32 to index
        %get3A_78 = tpu.vector_load %arg9[%get3A, %get3A_77] {strides = array<i32>} : memref<256x256xf32, #tpu.memory_space<vmem>>, vector<1x16xf32>,
        %get3A_79 = vector.shape_cast %get3A_78 : vector<1x16xf32> to vector<16xf32>
        %mul3A_80 = arith.constant 8 : i32
        %mul3A_81 = arith.muli %scan3A_62, %mul3A_80 : i32
        %add3A_82 = arith.constant 1 : i32
        %add3A_83 = arith.addi %mul3A_81, %add3A_82 : i32
        %mul3A_84 = arith.constant 16 : i32
        %mul3A_85 = arith.muli %scan3A_71, %mul3A_84 : i32
        %get3A_86 = arith.index_cast %add3A_83 : i32 to index
        %get3A_87 = arith.index_cast %mul3A_85 : i32 to index
        %get3A_88 = tpu.vector_load %arg9[%get3A_86, %get3A_87] {strides = array<i32>} : memref<256x256xf32, #tpu.memory_space<vmem>>, vector<1x16xf32>,
        %get3A_89 = vector.shape_cast %get3A_88 : vector<1x16xf32> to vector<16xf32>
        %max3A = arith.maximumf %get3A_79, %get3A_89 : vector<16xf32>
        %mul3A_90 = arith.constant 8 : i32
        %mul3A_91 = arith.muli %scan3A_62, %mul3A_90 : i32
        %add3A_92 = arith.constant 2 : i32
        %add3A_93 = arith.addi %mul3A_91, %add3A_92 : i32
        %mul3A_94 = arith.constant 16 : i32
        %mul3A_95 = arith.muli %scan3A_71, %mul3A_94 : i32
        %get3A_96 = arith.index_cast %add3A_93 : i32 to index
        %get3A_97 = arith.index_cast %mul3A_95 : i32 to index
        %get3A_98 = tpu.vector_load %arg9[%get3A_96, %get3A_97] {strides = array<i32>} : memref<256x256xf32, #tpu.memory_space<vmem>>, vector<1x16xf32>,
        %get3A_99 = vector.shape_cast %get3A_98 : vector<1x16xf32> to vector<16xf32>
        %max3A_100 = arith.maximumf %max3A, %get3A_99 : vector<16xf32>
        %mul3A_101 = arith.constant 8 : i32
        %mul3A_102 = arith.muli %scan3A_62, %mul3A_101 : i32
        %add3A_103 = arith.constant 3 : i32
        %add3A_104 = arith.addi %mul3A_102, %add3A_103 : i32
        %mul3A_105 = arith.constant 16 : i32
        %mul3A_106 = arith.muli %scan3A_71, %mul3A_105 : i32
        %get3A_107 = arith.index_cast %add3A_104 : i32 to index
        %get3A_108 = arith.index_cast %mul3A_106 : i32 to index
        %get3A_109 = tpu.vector_load %arg9[%get3A_107, %get3A_108] {strides = array<i32>} : memref<256x256xf32, #tpu.memory_space<vmem>>, vector<1x16xf32>,
        %get3A_110 = vector.shape_cast %get3A_109 : vector<1x16xf32> to vector<16xf32>
        %max3A_111 = arith.maximumf %max3A_100, %get3A_110 : vector<16xf32>
        %mul3A_112 = arith.constant 8 : i32
        %mul3A_113 = arith.muli %scan3A_62, %mul3A_112 : i32
        %add3A_114 = arith.constant 4 : i32
        %add3A_115 = arith.addi %mul3A_113, %add3A_114 : i32
        %mul3A_116 = arith.constant 16 : i32
        %mul3A_117 = arith.muli %scan3A_71, %mul3A_116 : i32
        %get3A_118 = arith.index_cast %add3A_115 : i32 to index
        %get3A_119 = arith.index_cast %mul3A_117 : i32 to index
        %get3A_120 = tpu.vector_load %arg9[%get3A_118, %get3A_119] {strides = array<i32>} : memref<256x256xf32, #tpu.memory_space<vmem>>, vector<1x16xf32>,
        %get3A_121 = vector.shape_cast %get3A_120 : vector<1x16xf32> to vector<16xf32>
        %max3A_122 = arith.maximumf %max3A_111, %get3A_121 : vector<16xf32>
        %mul3A_123 = arith.constant 8 : i32
        %mul3A_124 = arith.muli %scan3A_62, %mul3A_123 : i32
        %add3A_125 = arith.constant 5 : i32
        %add3A_126 = arith.addi %mul3A_124, %add3A_125 : i32
        %mul3A_127 = arith.constant 16 : i32
        %mul3A_128 = arith.muli %scan3A_71, %mul3A_127 : i32
        %get3A_129 = arith.index_cast %add3A_126 : i32 to index
        %get3A_130 = arith.index_cast %mul3A_128 : i32 to index
        %get3A_131 = tpu.vector_load %arg9[%get3A_129, %get3A_130] {strides = array<i32>} : memref<256x256xf32, #tpu.memory_space<vmem>>, vector<1x16xf32>,
        %get3A_132 = vector.shape_cast %get3A_131 : vector<1x16xf32> to vector<16xf32>
        %max3A_133 = arith.maximumf %max3A_122, %get3A_132 : vector<16xf32>
        %mul3A_134 = arith.constant 8 : i32
        %mul3A_135 = arith.muli %scan3A_62, %mul3A_134 : i32
        %add3A_136 = arith.constant 6 : i32
        %add3A_137 = arith.addi %mul3A_135, %add3A_136 : i32
        %mul3A_138 = arith.constant 16 : i32
        %mul3A_139 = arith.muli %scan3A_71, %mul3A_138 : i32
        %get3A_140 = arith.index_cast %add3A_137 : i32 to index
        %get3A_141 = arith.index_cast %mul3A_139 : i32 to index
        %get3A_142 = tpu.vector_load %arg9[%get3A_140, %get3A_141] {strides = array<i32>} : memref<256x256xf32, #tpu.memory_space<vmem>>, vector<1x16xf32>,
        %get3A_143 = vector.shape_cast %get3A_142 : vector<1x16xf32> to vector<16xf32>
        %max3A_144 = arith.maximumf %max3A_133, %get3A_143 : vector<16xf32>
        %mul3A_145 = arith.constant 8 : i32
        %mul3A_146 = arith.muli %scan3A_62, %mul3A_145 : i32
        %add3A_147 = arith.constant 7 : i32
        %add3A_148 = arith.addi %mul3A_146, %add3A_147 : i32
        %mul3A_149 = arith.constant 16 : i32
        %mul3A_150 = arith.muli %scan3A_71, %mul3A_149 : i32
        %get3A_151 = arith.index_cast %add3A_148 : i32 to index
        %get3A_152 = arith.index_cast %mul3A_150 : i32 to index
        %get3A_153 = tpu.vector_load %arg9[%get3A_151, %get3A_152] {strides = array<i32>} : memref<256x256xf32, #tpu.memory_space<vmem>>, vector<1x16xf32>,
        %get3A_154 = vector.shape_cast %get3A_153 : vector<1x16xf32> to vector<16xf32>
        %max3A_155 = arith.maximumf %max3A_144, %get3A_154 : vector<16xf32>
        %mul3A_156 = arith.constant 16 : i32
        %mul3A_157 = arith.muli %scan3A_71, %mul3A_156 : i32
        %swap3A = arith.index_cast %scan3A_62 : i32 to index
        %swap3A_158 = arith.index_cast %mul3A_157 : i32 to index
        %swap3A_159 = tpu.vector_load %arg11[%swap3A, %swap3A_158] {strides = array<i32>} : memref<32x256xf32, #tpu.memory_space<vmem>>, vector<1x16xf32>,
        %swap3A_160 = vector.shape_cast %swap3A_159 : vector<1x16xf32> to vector<16xf32>
        %swap3A_161 = vector.shape_cast %max3A_155 : vector<16xf32> to vector<1x16xf32>
        tpu.vector_store %arg11[%swap3A, %swap3A_158], %swap3A_161 {strides = array<i32>} : memref<32x256xf32, #tpu.memory_space<vmem>>, vector<1x16xf32>,
        %scan3A_162 = arith.constant 0 : i32
        scf.yield %scan3A_162 : i32
      }
      %scan3A_70 = arith.constant 16 : i32
      scf.yield %scan3A_69 : i32
    }
    %scan3A_54 = arith.constant 16 : i32
    %dma_wait3A_55 = arith.constant 0 : i32
    %dma_wait3A_56 = arith.constant 0 : i32
    %dma_wait3A_57 = tpu.memref_slice %arg2[%dma_wait3A_55, %dma_wait3A_56] : memref<131072x256xf32, #tpu.memory_space<hbm>> -> memref<131072x256xf32, #tpu.memory_space<hbm>>
    tpu.wait_indirect_dma semaphore(%arg13 : memref<!tpu.dma_semaphore, #tpu.memory_space<semaphore_mem>>) src(%dma_wait3A_57 : memref<131072x256xf32, #tpu.memory_space<hbm>>) dst(%arg10 : memref<32x256xf32, #tpu.memory_space<vmem>>)
    %mul3A_58 = arith.constant 32 : i32
    %mul3A_59 = arith.muli %add3A, %mul3A_58 : i32
    "tpu.region"() ({
      %run_scoped3A = tpu.sem_alloc : memref<!tpu.dma_semaphore, #tpu.memory_space<semaphore_mem>>
      %dma_start3A_62 = arith.constant 0 : i32
      %dma_start3A_63 = tpu.memref_slice %arg5[%mul3A_59, %dma_start3A_62] : memref<1024x256xf32, #tpu.memory_space<hbm>> -> memref<32x256xf32, #tpu.memory_space<hbm>>
      %dma_start3A_64 = arith.constant 0 : i32
      %dma_start3A_65 = tpu.memref_slice %arg5[%mul3A_59, %dma_start3A_64] : memref<1024x256xf32, #tpu.memory_space<hbm>> -> memref<32x256xf32, #tpu.memory_space<hbm>>
      tpu.enqueue_dma source(%arg11 : memref<32x256xf32, #tpu.memory_space<vmem>>) target(%dma_start3A_65 : memref<32x256xf32, #tpu.memory_space<hbm>>) target_semaphore(%run_scoped3A : memref<!tpu.dma_semaphore, #tpu.memory_space<semaphore_mem>>)
      %dma_wait3A_66 = arith.constant 0 : i32
      %dma_wait3A_67 = tpu.memref_slice %arg5[%mul3A_59, %dma_wait3A_66] : memref<1024x256xf32, #tpu.memory_space<hbm>> -> memref<32x256xf32, #tpu.memory_space<hbm>>
      %dma_wait3A_68 = arith.constant 0 : i32
      %dma_wait3A_69 = tpu.memref_slice %arg5[%mul3A_59, %dma_wait3A_68] : memref<1024x256xf32, #tpu.memory_space<hbm>> -> memref<32x256xf32, #tpu.memory_space<hbm>>
      tpu.wait_dma2 semaphore(%run_scoped3A : memref<!tpu.dma_semaphore, #tpu.memory_space<semaphore_mem>>) src(%arg11 : memref<32x256xf32, #tpu.memory_space<vmem>>) dst(%dma_wait3A_69 : memref<32x256xf32, #tpu.memory_space<hbm>>)
      tpu.yield
    }) : () -> ()
    %mul3A_60 = arith.constant 32 : i32
    %mul3A_61 = arith.muli %add3A, %mul3A_60 : i32
    "tpu.region"() ({
      %run_scoped3A = tpu.sem_alloc : memref<!tpu.dma_semaphore, #tpu.memory_space<semaphore_mem>>
      %dma_start3A_62 = arith.constant 0 : i32
      %dma_start3A_63 = tpu.memref_slice %arg6[%mul3A_61, %dma_start3A_62] : memref<1024x256xf32, #tpu.memory_space<hbm>> -> memref<32x256xf32, #tpu.memory_space<hbm>>
      %dma_start3A_64 = arith.constant 0 : i32
      %dma_start3A_65 = tpu.memref_slice %arg6[%mul3A_61, %dma_start3A_64] : memref<1024x256xf32, #tpu.memory_space<hbm>> -> memref<32x256xf32, #tpu.memory_space<hbm>>
      tpu.enqueue_dma source(%arg10 : memref<32x256xf32, #tpu.memory_space<vmem>>) target(%dma_start3A_65 : memref<32x256xf32, #tpu.memory_space<hbm>>) target_semaphore(%run_scoped3A : memref<!tpu.dma_semaphore, #tpu.memory_space<semaphore_mem>>)
      %dma_wait3A_66 = arith.constant 0 : i32
      %dma_wait3A_67 = tpu.memref_slice %arg6[%mul3A_61, %dma_wait3A_66] : memref<1024x256xf32, #tpu.memory_space<hbm>> -> memref<32x256xf32, #tpu.memory_space<hbm>>
      %dma_wait3A_68 = arith.constant 0 : i32
      %dma_wait3A_69 = tpu.memref_slice %arg6[%mul3A_61, %dma_wait3A_68] : memref<1024x256xf32, #tpu.memory_space<hbm>> -> memref<32x256xf32, #tpu.memory_space<hbm>>
      tpu.wait_dma2 semaphore(%run_scoped3A : memref<!tpu.dma_semaphore, #tpu.memory_space<semaphore_mem>>) src(%arg10 : memref<32x256xf32, #tpu.memory_space<vmem>>) dst(%dma_wait3A_69 : memref<32x256xf32, #tpu.memory_space<hbm>>)
      tpu.yield
    }) : () -> ()
    return
  }
}

module attributes {stable_mosaic.version = 14 : i64} {
  func.func @_fps_kernel(%arg0: memref<16x8192xf32, #tpu.memory_space<vmem>>, %arg1: memref<16x8192xf32, #tpu.memory_space<vmem>>, %arg2: memref<16x8192xf32, #tpu.memory_space<vmem>>, %arg3: memref<16x64xi32, #tpu.memory_space<vmem>>, %arg4: memref<16x64xf32, #tpu.memory_space<vmem>>, %arg5: memref<16x64xf32, #tpu.memory_space<vmem>>, %arg6: memref<16x64xf32, #tpu.memory_space<vmem>>, %arg7: memref<16x4x8192xf32, #tpu.memory_space<vmem>>, %arg8: memref<16x8192xf32, #tpu.memory_space<vmem>>, %arg9: memref<16x8192xf32, #tpu.memory_space<vmem>>, %arg10: memref<16x8192xf32, #tpu.memory_space<vmem>>, %arg11: memref<16x8192xf32, #tpu.memory_space<vmem>>, %arg12: memref<16x8192xf32, #tpu.memory_space<vmem>>) attributes {dimension_semantics = [], scalar_prefetch = 0 : i64, scratch_operands = 5 : i64, tpu.core_type = #tpu.core_type<tc>} {
    %iota3A = tpu.iota {dimensions = array<i32: 1>} : vector<16x8192xi32>
    %convert_element_type3A = arith.sitofp %iota3A : vector<16x8192xi32> to vector<16x8192xf32>
    %broadcast_in_dim3A = arith.constant 1.000000e+10 : f32
    %broadcast_in_dim3A_0 = vector.broadcast %broadcast_in_dim3A : f32 to vector<16x8192xf32>
    %swap3A = arith.constant 0 : index
    %swap3A_1 = arith.constant 0 : index
    %swap3A_2 = vector.load %arg8[%swap3A, %swap3A_1] : memref<16x8192xf32, #tpu.memory_space<vmem>>, vector<16x8192xf32>
    tpu.vector_store %arg8[%swap3A, %swap3A_1], %broadcast_in_dim3A_0 {strides = array<i32>} : memref<16x8192xf32, #tpu.memory_space<vmem>>, vector<16x8192xf32>,
    %broadcast_in_dim3A_3 = arith.constant 0.000000e+00 : f32
    %broadcast_in_dim3A_4 = vector.broadcast %broadcast_in_dim3A_3 : f32 to vector<16x8192xf32>
    %swap3A_5 = arith.constant 0 : index
    %swap3A_6 = arith.constant 0 : index
    %swap3A_7 = vector.load %arg9[%swap3A_5, %swap3A_6] : memref<16x8192xf32, #tpu.memory_space<vmem>>, vector<16x8192xf32>
    tpu.vector_store %arg9[%swap3A_5, %swap3A_6], %broadcast_in_dim3A_4 {strides = array<i32>} : memref<16x8192xf32, #tpu.memory_space<vmem>>, vector<16x8192xf32>,
    %broadcast_in_dim3A_8 = arith.constant -1.000000e+30 : f32
    %broadcast_in_dim3A_9 = vector.broadcast %broadcast_in_dim3A_8 : f32 to vector<16x8192xf32>
    %swap3A_10 = arith.constant 0 : index
    %swap3A_11 = arith.constant 0 : index
    %swap3A_12 = vector.load %arg10[%swap3A_10, %swap3A_11] : memref<16x8192xf32, #tpu.memory_space<vmem>>, vector<16x8192xf32>
    tpu.vector_store %arg10[%swap3A_10, %swap3A_11], %broadcast_in_dim3A_9 {strides = array<i32>} : memref<16x8192xf32, #tpu.memory_space<vmem>>, vector<16x8192xf32>,
    %broadcast_in_dim3A_13 = arith.constant -1.000000e+30 : f32
    %broadcast_in_dim3A_14 = vector.broadcast %broadcast_in_dim3A_13 : f32 to vector<16x8192xf32>
    %swap3A_15 = arith.constant 0 : index
    %swap3A_16 = arith.constant 0 : index
    %swap3A_17 = vector.load %arg11[%swap3A_15, %swap3A_16] : memref<16x8192xf32, #tpu.memory_space<vmem>>, vector<16x8192xf32>
    tpu.vector_store %arg11[%swap3A_15, %swap3A_16], %broadcast_in_dim3A_14 {strides = array<i32>} : memref<16x8192xf32, #tpu.memory_space<vmem>>, vector<16x8192xf32>,
    %broadcast_in_dim3A_18 = arith.constant -1.000000e+30 : f32
    %broadcast_in_dim3A_19 = vector.broadcast %broadcast_in_dim3A_18 : f32 to vector<16x8192xf32>
    %swap3A_20 = arith.constant 0 : index
    %swap3A_21 = arith.constant 0 : index
    %swap3A_22 = vector.load %arg12[%swap3A_20, %swap3A_21] : memref<16x8192xf32, #tpu.memory_space<vmem>>, vector<16x8192xf32>
    tpu.vector_store %arg12[%swap3A_20, %swap3A_21], %broadcast_in_dim3A_19 {strides = array<i32>} : memref<16x8192xf32, #tpu.memory_space<vmem>>, vector<16x8192xf32>,
    %broadcast_in_dim3A_23 = arith.constant 0.000000e+00 : f32
    %broadcast_in_dim3A_24 = vector.broadcast %broadcast_in_dim3A_23 : f32 to vector<16x1xf32>
    %scan3A = arith.constant 0 : i32
    %scan3A_25 = arith.constant 64 : i32
    %scan3A_26 = arith.addi %scan3A, %scan3A_25 : i32
    %scan3A_27 = arith.constant 1 : i32
    %scan3A_28 = scf.for %scan3A_102 = %scan3A to %scan3A_26 step %scan3A_27 iter_args(%scan3A_103 = %broadcast_in_dim3A_24) -> (vector<16x1xf32>)  : i32 {
      %get3A_104 = arith.constant 0 : index
      %get3A_105 = arith.constant 0 : index
      %get3A_106 = vector.load %arg0[%get3A_104, %get3A_105] : memref<16x8192xf32, #tpu.memory_space<vmem>>, vector<16x8192xf32>
      %get3A_107 = arith.constant 0 : index
      %get3A_108 = arith.constant 0 : index
      %get3A_109 = vector.load %arg1[%get3A_107, %get3A_108] : memref<16x8192xf32, #tpu.memory_space<vmem>>, vector<16x8192xf32>
      %get3A_110 = arith.constant 0 : index
      %get3A_111 = arith.constant 0 : index
      %get3A_112 = vector.load %arg2[%get3A_110, %get3A_111] : memref<16x8192xf32, #tpu.memory_space<vmem>>, vector<16x8192xf32>
      %eq3A = vector.broadcast %scan3A_103 : vector<16x1xf32> to vector<16x8192xf32>
      %eq3A_113 = arith.cmpf oeq, %convert_element_type3A, %eq3A : vector<16x8192xf32>
      %jit3A = arith.constant 0.000000e+00 : f32
      %broadcast_in_dim3A_114 = vector.broadcast %jit3A : f32 to vector<16x8192xf32>
      %select_n3A = arith.select %eq3A_113, %get3A_106, %broadcast_in_dim3A_114 : vector<16x8192xi1>, vector<16x8192xf32>
      %reduce_sum3A = arith.constant dense<0.000000e+00> : vector<16xf32>
      %reduce_sum3A_115 = vector.multi_reduction <add>, %select_n3A, %reduce_sum3A [1] : vector<16x8192xf32> to vector<16xf32>
      %broadcast_in_dim3A_116 = vector.shape_cast %reduce_sum3A_115 : vector<16xf32> to vector<16x1xf32>
      %jit3A_117 = arith.constant 0.000000e+00 : f32
      %broadcast_in_dim3A_118 = vector.broadcast %jit3A_117 : f32 to vector<16x8192xf32>
      %select_n3A_119 = arith.select %eq3A_113, %get3A_109, %broadcast_in_dim3A_118 : vector<16x8192xi1>, vector<16x8192xf32>
      %reduce_sum3A_120 = arith.constant dense<0.000000e+00> : vector<16xf32>
      %reduce_sum3A_121 = vector.multi_reduction <add>, %select_n3A_119, %reduce_sum3A_120 [1] : vector<16x8192xf32> to vector<16xf32>
      %broadcast_in_dim3A_122 = vector.shape_cast %reduce_sum3A_121 : vector<16xf32> to vector<16x1xf32>
      %jit3A_123 = arith.constant 0.000000e+00 : f32
      %broadcast_in_dim3A_124 = vector.broadcast %jit3A_123 : f32 to vector<16x8192xf32>
      %select_n3A_125 = arith.select %eq3A_113, %get3A_112, %broadcast_in_dim3A_124 : vector<16x8192xi1>, vector<16x8192xf32>
      %reduce_sum3A_126 = arith.constant dense<0.000000e+00> : vector<16xf32>
      %reduce_sum3A_127 = vector.multi_reduction <add>, %select_n3A_125, %reduce_sum3A_126 [1] : vector<16x8192xf32> to vector<16xf32>
      %broadcast_in_dim3A_128 = vector.shape_cast %reduce_sum3A_127 : vector<16xf32> to vector<16x1xf32>
      %sub3A = vector.broadcast %broadcast_in_dim3A_116 : vector<16x1xf32> to vector<16x8192xf32>
      %sub3A_129 = arith.subf %get3A_106, %sub3A : vector<16x8192xf32>
      %integer_pow3A = arith.mulf %sub3A_129, %sub3A_129 : vector<16x8192xf32>
      %sub3A_130 = vector.broadcast %broadcast_in_dim3A_122 : vector<16x1xf32> to vector<16x8192xf32>
      %sub3A_131 = arith.subf %get3A_109, %sub3A_130 : vector<16x8192xf32>
      %integer_pow3A_132 = arith.mulf %sub3A_131, %sub3A_131 : vector<16x8192xf32>
      %add3A_133 = arith.addf %integer_pow3A, %integer_pow3A_132 : vector<16x8192xf32>
      %sub3A_134 = vector.broadcast %broadcast_in_dim3A_128 : vector<16x1xf32> to vector<16x8192xf32>
      %sub3A_135 = arith.subf %get3A_112, %sub3A_134 : vector<16x8192xf32>
      %integer_pow3A_136 = arith.mulf %sub3A_135, %sub3A_135 : vector<16x8192xf32>
      %add3A_137 = arith.addf %add3A_133, %integer_pow3A_136 : vector<16x8192xf32>
      %get3A_138 = arith.constant 0 : index
      %get3A_139 = arith.constant 0 : index
      %get3A_140 = vector.load %arg8[%get3A_138, %get3A_139] : memref<16x8192xf32, #tpu.memory_space<vmem>>, vector<16x8192xf32>
      %min3A = arith.minimumf %get3A_140, %add3A_137 : vector<16x8192xf32>
      %swap3A_141 = arith.constant 0 : index
      %swap3A_142 = arith.constant 0 : index
      %swap3A_143 = vector.load %arg8[%swap3A_141, %swap3A_142] : memref<16x8192xf32, #tpu.memory_space<vmem>>, vector<16x8192xf32>
      tpu.vector_store %arg8[%swap3A_141, %swap3A_142], %min3A {strides = array<i32>} : memref<16x8192xf32, #tpu.memory_space<vmem>>, vector<16x8192xf32>,
      %reshape3A_144 = vector.shape_cast %min3A : vector<16x8192xf32> to vector<16x64x128xf32>
      %reduce_max3A_145 = arith.constant dense<0xFF800000> : vector<16x64xf32>
      %reduce_max3A_146 = vector.multi_reduction <maximumf>, %reshape3A_144, %reduce_max3A_145 [2] : vector<16x64x128xf32> to vector<16x64xf32>
      %reduce_max3A_147 = arith.constant dense<0xFF800000> : vector<16xf32>
      %reduce_max3A_148 = vector.multi_reduction <maximumf>, %reduce_max3A_146, %reduce_max3A_147 [1] : vector<16x64xf32> to vector<16xf32>
      %broadcast_in_dim3A_149 = vector.shape_cast %reduce_max3A_148 : vector<16xf32> to vector<16x1xf32>
      %eq3A_150 = vector.broadcast %broadcast_in_dim3A_149 : vector<16x1xf32> to vector<16x8192xf32>
      %eq3A_151 = arith.cmpf oeq, %min3A, %eq3A_150 : vector<16x8192xf32>
      %jit3A_152 = arith.constant 8.192000e+03 : f32
      %broadcast_in_dim3A_153 = vector.broadcast %jit3A_152 : f32 to vector<16x8192xf32>
      %select_n3A_154 = arith.select %eq3A_151, %convert_element_type3A, %broadcast_in_dim3A_153 : vector<16x8192xi1>, vector<16x8192xf32>
      %reduce_min3A = arith.constant dense<0x7F800000> : vector<16xf32>
      %reduce_min3A_155 = vector.multi_reduction <minimumf>, %select_n3A_154, %reduce_min3A [1] : vector<16x8192xf32> to vector<16xf32>
      %broadcast_in_dim3A_156 = vector.shape_cast %reduce_min3A_155 : vector<16xf32> to vector<16x1xf32>
      %mul3A_157 = arith.constant 128 : i32
      %mul3A_158 = arith.muli %scan3A_102, %mul3A_157 : i32
      %multiple_of3A = tpu.assume_multiple %mul3A_158, 128 : i32
      %swap3A_159 = arith.constant 0 : index
      %swap3A_160 = arith.index_cast %multiple_of3A : i32 to index
      %swap3A_161 = vector.load %arg9[%swap3A_159, %swap3A_160] : memref<16x8192xf32, #tpu.memory_space<vmem>>, vector<16x1xf32>
      tpu.vector_store %arg9[%swap3A_159, %swap3A_160], %scan3A_103 {strides = array<i32>} : memref<16x8192xf32, #tpu.memory_space<vmem>>, vector<16x1xf32>,
      %swap3A_162 = arith.constant 0 : index
      %swap3A_163 = arith.index_cast %multiple_of3A : i32 to index
      %swap3A_164 = vector.load %arg10[%swap3A_162, %swap3A_163] : memref<16x8192xf32, #tpu.memory_space<vmem>>, vector<16x1xf32>
      tpu.vector_store %arg10[%swap3A_162, %swap3A_163], %broadcast_in_dim3A_116 {strides = array<i32>} : memref<16x8192xf32, #tpu.memory_space<vmem>>, vector<16x1xf32>,
      %swap3A_165 = arith.constant 0 : index
      %swap3A_166 = arith.index_cast %multiple_of3A : i32 to index
      %swap3A_167 = vector.load %arg11[%swap3A_165, %swap3A_166] : memref<16x8192xf32, #tpu.memory_space<vmem>>, vector<16x1xf32>
      tpu.vector_store %arg11[%swap3A_165, %swap3A_166], %broadcast_in_dim3A_122 {strides = array<i32>} : memref<16x8192xf32, #tpu.memory_space<vmem>>, vector<16x1xf32>,
      %swap3A_168 = arith.constant 0 : index
      %swap3A_169 = arith.index_cast %multiple_of3A : i32 to index
      %swap3A_170 = vector.load %arg12[%swap3A_168, %swap3A_169] : memref<16x8192xf32, #tpu.memory_space<vmem>>, vector<16x1xf32>
      tpu.vector_store %arg12[%swap3A_168, %swap3A_169], %broadcast_in_dim3A_128 {strides = array<i32>} : memref<16x8192xf32, #tpu.memory_space<vmem>>, vector<16x1xf32>,
      scf.yield %broadcast_in_dim3A_156 : vector<16x1xf32>
    }
    %scan3A_29 = arith.constant 64 : i32
    %get3A = arith.constant 0 : index
    %get3A_30 = arith.constant 0 : index
    %get3A_31 = vector.load %arg9[%get3A, %get3A_30] : memref<16x8192xf32, #tpu.memory_space<vmem>>, vector<16x8192xf32>
    %reshape3A = vector.shape_cast %get3A_31 : vector<16x8192xf32> to vector<16x64x128xf32>
    %reduce_max3A = arith.constant dense<0xFF800000> : vector<16x64xf32>
    %reduce_max3A_32 = vector.multi_reduction <maximumf>, %reshape3A, %reduce_max3A [2] : vector<16x64x128xf32> to vector<16x64xf32>
    %iota3A_33 = tpu.iota {dimensions = array<i32: 0>} : vector<16x64xi32>
    %convert_element_type3A_34 = arith.fptosi %reduce_max3A_32 : vector<16x64xf32> to vector<16x64xi32>
    %mul3A = arith.constant 8192 : i32
    %mul3A_35 = vector.broadcast %mul3A : i32 to vector<16x64xi32>
    %mul3A_36 = arith.muli %iota3A_33, %mul3A_35 : vector<16x64xi32>
    %add3A = arith.addi %convert_element_type3A_34, %mul3A_36 : vector<16x64xi32>
    %swap3A_37 = arith.constant 0 : index
    %swap3A_38 = arith.constant 0 : index
    %swap3A_39 = vector.load %arg3[%swap3A_37, %swap3A_38] : memref<16x64xi32, #tpu.memory_space<vmem>>, vector<16x64xi32>
    tpu.vector_store %arg3[%swap3A_37, %swap3A_38], %add3A {strides = array<i32>} : memref<16x64xi32, #tpu.memory_space<vmem>>, vector<16x64xi32>,
    %get3A_40 = arith.constant 0 : index
    %get3A_41 = arith.constant 0 : index
    %get3A_42 = vector.load %arg10[%get3A_40, %get3A_41] : memref<16x8192xf32, #tpu.memory_space<vmem>>, vector<16x8192xf32>
    %reshape3A_43 = vector.shape_cast %get3A_42 : vector<16x8192xf32> to vector<16x64x128xf32>
    %reduce_max3A_44 = arith.constant dense<0xFF800000> : vector<16x64xf32>
    %reduce_max3A_45 = vector.multi_reduction <maximumf>, %reshape3A_43, %reduce_max3A_44 [2] : vector<16x64x128xf32> to vector<16x64xf32>
    %swap3A_46 = arith.constant 0 : index
    %swap3A_47 = arith.constant 0 : index
    %swap3A_48 = vector.load %arg4[%swap3A_46, %swap3A_47] : memref<16x64xf32, #tpu.memory_space<vmem>>, vector<16x64xf32>
    tpu.vector_store %arg4[%swap3A_46, %swap3A_47], %reduce_max3A_45 {strides = array<i32>} : memref<16x64xf32, #tpu.memory_space<vmem>>, vector<16x64xf32>,
    %get3A_49 = arith.constant 0 : index
    %get3A_50 = arith.constant 0 : index
    %get3A_51 = vector.load %arg11[%get3A_49, %get3A_50] : memref<16x8192xf32, #tpu.memory_space<vmem>>, vector<16x8192xf32>
    %reshape3A_52 = vector.shape_cast %get3A_51 : vector<16x8192xf32> to vector<16x64x128xf32>
    %reduce_max3A_53 = arith.constant dense<0xFF800000> : vector<16x64xf32>
    %reduce_max3A_54 = vector.multi_reduction <maximumf>, %reshape3A_52, %reduce_max3A_53 [2] : vector<16x64x128xf32> to vector<16x64xf32>
    %swap3A_55 = arith.constant 0 : index
    %swap3A_56 = arith.constant 0 : index
    %swap3A_57 = vector.load %arg5[%swap3A_55, %swap3A_56] : memref<16x64xf32, #tpu.memory_space<vmem>>, vector<16x64xf32>
    tpu.vector_store %arg5[%swap3A_55, %swap3A_56], %reduce_max3A_54 {strides = array<i32>} : memref<16x64xf32, #tpu.memory_space<vmem>>, vector<16x64xf32>,
    %get3A_58 = arith.constant 0 : index
    %get3A_59 = arith.constant 0 : index
    %get3A_60 = vector.load %arg12[%get3A_58, %get3A_59] : memref<16x8192xf32, #tpu.memory_space<vmem>>, vector<16x8192xf32>
    %reshape3A_61 = vector.shape_cast %get3A_60 : vector<16x8192xf32> to vector<16x64x128xf32>
    %reduce_max3A_62 = arith.constant dense<0xFF800000> : vector<16x64xf32>
    %reduce_max3A_63 = vector.multi_reduction <maximumf>, %reshape3A_61, %reduce_max3A_62 [2] : vector<16x64x128xf32> to vector<16x64xf32>
    %swap3A_64 = arith.constant 0 : index
    %swap3A_65 = arith.constant 0 : index
    %swap3A_66 = vector.load %arg6[%swap3A_64, %swap3A_65] : memref<16x64xf32, #tpu.memory_space<vmem>>, vector<16x64xf32>
    tpu.vector_store %arg6[%swap3A_64, %swap3A_65], %reduce_max3A_63 {strides = array<i32>} : memref<16x64xf32, #tpu.memory_space<vmem>>, vector<16x64xf32>,
    %get3A_67 = arith.constant 0 : index
    %get3A_68 = arith.constant 0 : index
    %get3A_69 = vector.load %arg0[%get3A_67, %get3A_68] : memref<16x8192xf32, #tpu.memory_space<vmem>>, vector<16x8192xf32>
    %swap3A_70 = arith.constant 0 : index
    %swap3A_71 = arith.constant 0 : index
    %swap3A_72 = arith.constant 0 : index
    %swap3A_73 = vector.load %arg7[%swap3A_70, %swap3A_71, %swap3A_72] : memref<16x4x8192xf32, #tpu.memory_space<vmem>>, vector<16x1x8192xf32>
    %swap3A_74 = vector.shape_cast %swap3A_73 : vector<16x1x8192xf32> to vector<16x8192xf32>
    %swap3A_75 = vector.shape_cast %get3A_69 : vector<16x8192xf32> to vector<16x1x8192xf32>
    tpu.vector_store %arg7[%swap3A_70, %swap3A_71, %swap3A_72], %swap3A_75 {strides = array<i32>} : memref<16x4x8192xf32, #tpu.memory_space<vmem>>, vector<16x1x8192xf32>,
    %get3A_76 = arith.constant 0 : index
    %get3A_77 = arith.constant 0 : index
    %get3A_78 = vector.load %arg1[%get3A_76, %get3A_77] : memref<16x8192xf32, #tpu.memory_space<vmem>>, vector<16x8192xf32>
    %swap3A_79 = arith.constant 0 : index
    %swap3A_80 = arith.constant 1 : index
    %swap3A_81 = arith.constant 0 : index
    %swap3A_82 = vector.load %arg7[%swap3A_79, %swap3A_80, %swap3A_81] : memref<16x4x8192xf32, #tpu.memory_space<vmem>>, vector<16x1x8192xf32>
    %swap3A_83 = vector.shape_cast %swap3A_82 : vector<16x1x8192xf32> to vector<16x8192xf32>
    %swap3A_84 = vector.shape_cast %get3A_78 : vector<16x8192xf32> to vector<16x1x8192xf32>
    tpu.vector_store %arg7[%swap3A_79, %swap3A_80, %swap3A_81], %swap3A_84 {strides = array<i32>} : memref<16x4x8192xf32, #tpu.memory_space<vmem>>, vector<16x1x8192xf32>,
    %get3A_85 = arith.constant 0 : index
    %get3A_86 = arith.constant 0 : index
    %get3A_87 = vector.load %arg2[%get3A_85, %get3A_86] : memref<16x8192xf32, #tpu.memory_space<vmem>>, vector<16x8192xf32>
    %swap3A_88 = arith.constant 0 : index
    %swap3A_89 = arith.constant 2 : index
    %swap3A_90 = arith.constant 0 : index
    %swap3A_91 = vector.load %arg7[%swap3A_88, %swap3A_89, %swap3A_90] : memref<16x4x8192xf32, #tpu.memory_space<vmem>>, vector<16x1x8192xf32>
    %swap3A_92 = vector.shape_cast %swap3A_91 : vector<16x1x8192xf32> to vector<16x8192xf32>
    %swap3A_93 = vector.shape_cast %get3A_87 : vector<16x8192xf32> to vector<16x1x8192xf32>
    tpu.vector_store %arg7[%swap3A_88, %swap3A_89, %swap3A_90], %swap3A_93 {strides = array<i32>} : memref<16x4x8192xf32, #tpu.memory_space<vmem>>, vector<16x1x8192xf32>,
    %broadcast_in_dim3A_94 = arith.constant 1.000000e+00 : f32
    %broadcast_in_dim3A_95 = vector.broadcast %broadcast_in_dim3A_94 : f32 to vector<16x8192xf32>
    %swap3A_96 = arith.constant 0 : index
    %swap3A_97 = arith.constant 3 : index
    %swap3A_98 = arith.constant 0 : index
    %swap3A_99 = vector.load %arg7[%swap3A_96, %swap3A_97, %swap3A_98] : memref<16x4x8192xf32, #tpu.memory_space<vmem>>, vector<16x1x8192xf32>
    %swap3A_100 = vector.shape_cast %swap3A_99 : vector<16x1x8192xf32> to vector<16x8192xf32>
    %swap3A_101 = vector.shape_cast %broadcast_in_dim3A_95 : vector<16x8192xf32> to vector<16x1x8192xf32>
    tpu.vector_store %arg7[%swap3A_96, %swap3A_97, %swap3A_98], %swap3A_101 {strides = array<i32>} : memref<16x4x8192xf32, #tpu.memory_space<vmem>>, vector<16x1x8192xf32>,
    return
  }
}

module attributes {stable_mosaic.version = 14 : i64} {
  func.func @_bq_kernel(%arg0: i32, %arg1: memref<4x1x8192xf32, #tpu.memory_space<vmem>>, %arg2: memref<4x1x8192xf32, #tpu.memory_space<vmem>>, %arg3: memref<4x1x8192xf32, #tpu.memory_space<vmem>>, %arg4: memref<4x64x1xf32, #tpu.memory_space<vmem>>, %arg5: memref<4x64x1xf32, #tpu.memory_space<vmem>>, %arg6: memref<4x64x1xf32, #tpu.memory_space<vmem>>, %arg7: memref<4x4x8192xf32, #tpu.memory_space<vmem>>, %arg8: memref<4x64x8xi32, #tpu.memory_space<vmem>>, %arg9: memref<4x64x8xf32, #tpu.memory_space<vmem>>, %arg10: memref<64x1024xf32, #tpu.memory_space<vmem>>, %arg11: memref<64x1024xf32, #tpu.memory_space<vmem>>) attributes {dimension_semantics = [#tpu.dimension_semantics<arbitrary>], iteration_bounds = array<i64: 4>, scalar_prefetch = 0 : i64, scratch_operands = 2 : i64, tpu.core_type = #tpu.core_type<tc>, window_params = [{transform_indices = @transform_0, window_bounds = array<i64: 4, 1, 8192>}, {transform_indices = @transform_1, window_bounds = array<i64: 4, 1, 8192>}, {transform_indices = @transform_2, window_bounds = array<i64: 4, 1, 8192>}, {transform_indices = @transform_3, window_bounds = array<i64: 4, 64, 1>}, {transform_indices = @transform_4, window_bounds = array<i64: 4, 64, 1>}, {transform_indices = @transform_5, window_bounds = array<i64: 4, 64, 1>}, {transform_indices = @transform_6, window_bounds = array<i64: 4, 4, 8192>}, {transform_indices = @transform_7, window_bounds = array<i64: 4, 64, 8>}, {transform_indices = @transform_8, window_bounds = array<i64: 4, 64, 8>}]} {
    %iota3A = tpu.iota {dimensions = array<i32: 1>} : vector<64x8192xi32>
    %convert_element_type3A = arith.sitofp %iota3A : vector<64x8192xi32> to vector<64x8192xf32>
    %mul3A = arith.constant 4 : i32
    %mul3A_0 = arith.muli %arg0, %mul3A : i32
    %add3A = arith.constant 0 : i32
    %add3A_1 = arith.addi %mul3A_0, %add3A : i32
    %get3A = arith.constant 0 : index
    %get3A_2 = arith.constant 0 : index
    %get3A_3 = arith.constant 0 : index
    %get3A_4 = vector.load %arg1[%get3A, %get3A_2, %get3A_3] : memref<4x1x8192xf32, #tpu.memory_space<vmem>>, vector<1x1x8192xf32>
    %get3A_5 = vector.shape_cast %get3A_4 : vector<1x1x8192xf32> to vector<1x8192xf32>
    %get3A_6 = arith.constant 0 : index
    %get3A_7 = arith.constant 0 : index
    %get3A_8 = arith.constant 0 : index
    %get3A_9 = vector.load %arg2[%get3A_6, %get3A_7, %get3A_8] : memref<4x1x8192xf32, #tpu.memory_space<vmem>>, vector<1x1x8192xf32>
    %get3A_10 = vector.shape_cast %get3A_9 : vector<1x1x8192xf32> to vector<1x8192xf32>
    %get3A_11 = arith.constant 0 : index
    %get3A_12 = arith.constant 0 : index
    %get3A_13 = arith.constant 0 : index
    %get3A_14 = vector.load %arg3[%get3A_11, %get3A_12, %get3A_13] : memref<4x1x8192xf32, #tpu.memory_space<vmem>>, vector<1x1x8192xf32>
    %get3A_15 = vector.shape_cast %get3A_14 : vector<1x1x8192xf32> to vector<1x8192xf32>
    %get3A_16 = arith.constant 0 : index
    %get3A_17 = arith.constant 0 : index
    %get3A_18 = arith.constant 0 : index
    %get3A_19 = vector.load %arg4[%get3A_16, %get3A_17, %get3A_18] : memref<4x64x1xf32, #tpu.memory_space<vmem>>, vector<1x64x1xf32>
    %get3A_20 = vector.shape_cast %get3A_19 : vector<1x64x1xf32> to vector<64x1xf32>
    %get3A_21 = arith.constant 0 : index
    %get3A_22 = arith.constant 0 : index
    %get3A_23 = arith.constant 0 : index
    %get3A_24 = vector.load %arg5[%get3A_21, %get3A_22, %get3A_23] : memref<4x64x1xf32, #tpu.memory_space<vmem>>, vector<1x64x1xf32>
    %get3A_25 = vector.shape_cast %get3A_24 : vector<1x64x1xf32> to vector<64x1xf32>
    %get3A_26 = arith.constant 0 : index
    %get3A_27 = arith.constant 0 : index
    %get3A_28 = arith.constant 0 : index
    %get3A_29 = vector.load %arg6[%get3A_26, %get3A_27, %get3A_28] : memref<4x64x1xf32, #tpu.memory_space<vmem>>, vector<1x64x1xf32>
    %get3A_30 = vector.shape_cast %get3A_29 : vector<1x64x1xf32> to vector<64x1xf32>
    %sub3A = vector.broadcast %get3A_20 : vector<64x1xf32> to vector<64x8192xf32>
    %sub3A_31 = vector.broadcast %get3A_5 : vector<1x8192xf32> to vector<64x8192xf32>
    %sub3A_32 = arith.subf %sub3A, %sub3A_31 : vector<64x8192xf32>
    %integer_pow3A = arith.mulf %sub3A_32, %sub3A_32 : vector<64x8192xf32>
    %sub3A_33 = vector.broadcast %get3A_25 : vector<64x1xf32> to vector<64x8192xf32>
    %sub3A_34 = vector.broadcast %get3A_10 : vector<1x8192xf32> to vector<64x8192xf32>
    %sub3A_35 = arith.subf %sub3A_33, %sub3A_34 : vector<64x8192xf32>
    %integer_pow3A_36 = arith.mulf %sub3A_35, %sub3A_35 : vector<64x8192xf32>
    %add3A_37 = arith.addf %integer_pow3A, %integer_pow3A_36 : vector<64x8192xf32>
    %sub3A_38 = vector.broadcast %get3A_30 : vector<64x1xf32> to vector<64x8192xf32>
    %sub3A_39 = vector.broadcast %get3A_15 : vector<1x8192xf32> to vector<64x8192xf32>
    %sub3A_40 = arith.subf %sub3A_38, %sub3A_39 : vector<64x8192xf32>
    %integer_pow3A_41 = arith.mulf %sub3A_40, %sub3A_40 : vector<64x8192xf32>
    %add3A_42 = arith.addf %add3A_37, %integer_pow3A_41 : vector<64x8192xf32>
    %gt3A = arith.constant 1.600000e+01 : f32
    %gt3A_43 = vector.broadcast %gt3A : f32 to vector<64x8192xf32>
    %gt3A_44 = arith.cmpf ogt, %add3A_42, %gt3A_43 : vector<64x8192xf32>
    %not3A = arith.constant dense<true> : vector<64x8192xi1>
    %not3A_45 = arith.xori %gt3A_44, %not3A : vector<64x8192xi1>
    %broadcast_in_dim3A = arith.constant 0.000000e+00 : f32
    %broadcast_in_dim3A_46 = vector.broadcast %broadcast_in_dim3A : f32 to vector<64x1024xf32>
    %swap3A = arith.constant 0 : index
    %swap3A_47 = arith.constant 0 : index
    %swap3A_48 = vector.load %arg10[%swap3A, %swap3A_47] : memref<64x1024xf32, #tpu.memory_space<vmem>>, vector<64x1024xf32>
    tpu.vector_store %arg10[%swap3A, %swap3A_47], %broadcast_in_dim3A_46 {strides = array<i32>} : memref<64x1024xf32, #tpu.memory_space<vmem>>, vector<64x1024xf32>,
    %jit3A = arith.constant 8.192000e+03 : f32
    %broadcast_in_dim3A_49 = vector.broadcast %jit3A : f32 to vector<64x8192xf32>
    %select_n3A = arith.select %not3A_45, %convert_element_type3A, %broadcast_in_dim3A_49 : vector<64x8192xi1>, vector<64x8192xf32>
    %reduce_min3A = arith.constant dense<0x7F800000> : vector<64xf32>
    %reduce_min3A_50 = vector.multi_reduction <minimumf>, %select_n3A, %reduce_min3A [1] : vector<64x8192xf32> to vector<64xf32>
    %broadcast_in_dim3A_51 = vector.shape_cast %reduce_min3A_50 : vector<64xf32> to vector<64x1xf32>
    %eq3A = arith.constant 8.192000e+03 : f32
    %eq3A_52 = vector.broadcast %eq3A : f32 to vector<64x1xf32>
    %eq3A_53 = arith.cmpf oeq, %broadcast_in_dim3A_51, %eq3A_52 : vector<64x1xf32>
    %select_n3A_54 = arith.select %eq3A_53, %broadcast_in_dim3A_51, %broadcast_in_dim3A_51 : vector<64x1xi1>, vector<64x1xf32>
    %swap3A_55 = arith.constant 0 : index
    %swap3A_56 = arith.constant 0 : index
    %swap3A_57 = vector.load %arg10[%swap3A_55, %swap3A_56] : memref<64x1024xf32, #tpu.memory_space<vmem>>, vector<64x1xf32>
    tpu.vector_store %arg10[%swap3A_55, %swap3A_56], %select_n3A_54 {strides = array<i32>} : memref<64x1024xf32, #tpu.memory_space<vmem>>, vector<64x1xf32>,
    %eq3A_58 = vector.broadcast %broadcast_in_dim3A_51 : vector<64x1xf32> to vector<64x8192xf32>
    %eq3A_59 = arith.cmpf oeq, %select_n3A, %eq3A_58 : vector<64x8192xf32>
    %jit3A_60 = arith.constant 8.192000e+03 : f32
    %broadcast_in_dim3A_61 = vector.broadcast %jit3A_60 : f32 to vector<64x8192xf32>
    %select_n3A_62 = arith.select %eq3A_59, %broadcast_in_dim3A_61, %select_n3A : vector<64x8192xi1>, vector<64x8192xf32>
    %reduce_min3A_63 = arith.constant dense<0x7F800000> : vector<64xf32>
    %reduce_min3A_64 = vector.multi_reduction <minimumf>, %select_n3A_62, %reduce_min3A_63 [1] : vector<64x8192xf32> to vector<64xf32>
    %broadcast_in_dim3A_65 = vector.shape_cast %reduce_min3A_64 : vector<64xf32> to vector<64x1xf32>
    %eq3A_66 = arith.constant 8.192000e+03 : f32
    %eq3A_67 = vector.broadcast %eq3A_66 : f32 to vector<64x1xf32>
    %eq3A_68 = arith.cmpf oeq, %broadcast_in_dim3A_65, %eq3A_67 : vector<64x1xf32>
    %select_n3A_69 = arith.select %eq3A_68, %broadcast_in_dim3A_51, %broadcast_in_dim3A_65 : vector<64x1xi1>, vector<64x1xf32>
    %swap3A_70 = arith.constant 0 : index
    %swap3A_71 = arith.constant 128 : index
    %swap3A_72 = vector.load %arg10[%swap3A_70, %swap3A_71] : memref<64x1024xf32, #tpu.memory_space<vmem>>, vector<64x1xf32>
    tpu.vector_store %arg10[%swap3A_70, %swap3A_71], %select_n3A_69 {strides = array<i32>} : memref<64x1024xf32, #tpu.memory_space<vmem>>, vector<64x1xf32>,
    %eq3A_73 = vector.broadcast %broadcast_in_dim3A_65 : vector<64x1xf32> to vector<64x8192xf32>
    %eq3A_74 = arith.cmpf oeq, %select_n3A_62, %eq3A_73 : vector<64x8192xf32>
    %jit3A_75 = arith.constant 8.192000e+03 : f32
    %broadcast_in_dim3A_76 = vector.broadcast %jit3A_75 : f32 to vector<64x8192xf32>
    %select_n3A_77 = arith.select %eq3A_74, %broadcast_in_dim3A_76, %select_n3A_62 : vector<64x8192xi1>, vector<64x8192xf32>
    %reduce_min3A_78 = arith.constant dense<0x7F800000> : vector<64xf32>
    %reduce_min3A_79 = vector.multi_reduction <minimumf>, %select_n3A_77, %reduce_min3A_78 [1] : vector<64x8192xf32> to vector<64xf32>
    %broadcast_in_dim3A_80 = vector.shape_cast %reduce_min3A_79 : vector<64xf32> to vector<64x1xf32>
    %eq3A_81 = arith.constant 8.192000e+03 : f32
    %eq3A_82 = vector.broadcast %eq3A_81 : f32 to vector<64x1xf32>
    %eq3A_83 = arith.cmpf oeq, %broadcast_in_dim3A_80, %eq3A_82 : vector<64x1xf32>
    %select_n3A_84 = arith.select %eq3A_83, %broadcast_in_dim3A_51, %broadcast_in_dim3A_80 : vector<64x1xi1>, vector<64x1xf32>
    %swap3A_85 = arith.constant 0 : index
    %swap3A_86 = arith.constant 256 : index
    %swap3A_87 = vector.load %arg10[%swap3A_85, %swap3A_86] : memref<64x1024xf32, #tpu.memory_space<vmem>>, vector<64x1xf32>
    tpu.vector_store %arg10[%swap3A_85, %swap3A_86], %select_n3A_84 {strides = array<i32>} : memref<64x1024xf32, #tpu.memory_space<vmem>>, vector<64x1xf32>,
    %eq3A_88 = vector.broadcast %broadcast_in_dim3A_80 : vector<64x1xf32> to vector<64x8192xf32>
    %eq3A_89 = arith.cmpf oeq, %select_n3A_77, %eq3A_88 : vector<64x8192xf32>
    %jit3A_90 = arith.constant 8.192000e+03 : f32
    %broadcast_in_dim3A_91 = vector.broadcast %jit3A_90 : f32 to vector<64x8192xf32>
    %select_n3A_92 = arith.select %eq3A_89, %broadcast_in_dim3A_91, %select_n3A_77 : vector<64x8192xi1>, vector<64x8192xf32>
    %reduce_min3A_93 = arith.constant dense<0x7F800000> : vector<64xf32>
    %reduce_min3A_94 = vector.multi_reduction <minimumf>, %select_n3A_92, %reduce_min3A_93 [1] : vector<64x8192xf32> to vector<64xf32>
    %broadcast_in_dim3A_95 = vector.shape_cast %reduce_min3A_94 : vector<64xf32> to vector<64x1xf32>
    %eq3A_96 = arith.constant 8.192000e+03 : f32
    %eq3A_97 = vector.broadcast %eq3A_96 : f32 to vector<64x1xf32>
    %eq3A_98 = arith.cmpf oeq, %broadcast_in_dim3A_95, %eq3A_97 : vector<64x1xf32>
    %select_n3A_99 = arith.select %eq3A_98, %broadcast_in_dim3A_51, %broadcast_in_dim3A_95 : vector<64x1xi1>, vector<64x1xf32>
    %swap3A_100 = arith.constant 0 : index
    %swap3A_101 = arith.constant 384 : index
    %swap3A_102 = vector.load %arg10[%swap3A_100, %swap3A_101] : memref<64x1024xf32, #tpu.memory_space<vmem>>, vector<64x1xf32>
    tpu.vector_store %arg10[%swap3A_100, %swap3A_101], %select_n3A_99 {strides = array<i32>} : memref<64x1024xf32, #tpu.memory_space<vmem>>, vector<64x1xf32>,
    %eq3A_103 = vector.broadcast %broadcast_in_dim3A_95 : vector<64x1xf32> to vector<64x8192xf32>
    %eq3A_104 = arith.cmpf oeq, %select_n3A_92, %eq3A_103 : vector<64x8192xf32>
    %jit3A_105 = arith.constant 8.192000e+03 : f32
    %broadcast_in_dim3A_106 = vector.broadcast %jit3A_105 : f32 to vector<64x8192xf32>
    %select_n3A_107 = arith.select %eq3A_104, %broadcast_in_dim3A_106, %select_n3A_92 : vector<64x8192xi1>, vector<64x8192xf32>
    %reduce_min3A_108 = arith.constant dense<0x7F800000> : vector<64xf32>
    %reduce_min3A_109 = vector.multi_reduction <minimumf>, %select_n3A_107, %reduce_min3A_108 [1] : vector<64x8192xf32> to vector<64xf32>
    %broadcast_in_dim3A_110 = vector.shape_cast %reduce_min3A_109 : vector<64xf32> to vector<64x1xf32>
    %eq3A_111 = arith.constant 8.192000e+03 : f32
    %eq3A_112 = vector.broadcast %eq3A_111 : f32 to vector<64x1xf32>
    %eq3A_113 = arith.cmpf oeq, %broadcast_in_dim3A_110, %eq3A_112 : vector<64x1xf32>
    %select_n3A_114 = arith.select %eq3A_113, %broadcast_in_dim3A_51, %broadcast_in_dim3A_110 : vector<64x1xi1>, vector<64x1xf32>
    %swap3A_115 = arith.constant 0 : index
    %swap3A_116 = arith.constant 512 : index
    %swap3A_117 = vector.load %arg10[%swap3A_115, %swap3A_116] : memref<64x1024xf32, #tpu.memory_space<vmem>>, vector<64x1xf32>
    tpu.vector_store %arg10[%swap3A_115, %swap3A_116], %select_n3A_114 {strides = array<i32>} : memref<64x1024xf32, #tpu.memory_space<vmem>>, vector<64x1xf32>,
    %eq3A_118 = vector.broadcast %broadcast_in_dim3A_110 : vector<64x1xf32> to vector<64x8192xf32>
    %eq3A_119 = arith.cmpf oeq, %select_n3A_107, %eq3A_118 : vector<64x8192xf32>
    %jit3A_120 = arith.constant 8.192000e+03 : f32
    %broadcast_in_dim3A_121 = vector.broadcast %jit3A_120 : f32 to vector<64x8192xf32>
    %select_n3A_122 = arith.select %eq3A_119, %broadcast_in_dim3A_121, %select_n3A_107 : vector<64x8192xi1>, vector<64x8192xf32>
    %reduce_min3A_123 = arith.constant dense<0x7F800000> : vector<64xf32>
    %reduce_min3A_124 = vector.multi_reduction <minimumf>, %select_n3A_122, %reduce_min3A_123 [1] : vector<64x8192xf32> to vector<64xf32>
    %broadcast_in_dim3A_125 = vector.shape_cast %reduce_min3A_124 : vector<64xf32> to vector<64x1xf32>
    %eq3A_126 = arith.constant 8.192000e+03 : f32
    %eq3A_127 = vector.broadcast %eq3A_126 : f32 to vector<64x1xf32>
    %eq3A_128 = arith.cmpf oeq, %broadcast_in_dim3A_125, %eq3A_127 : vector<64x1xf32>
    %select_n3A_129 = arith.select %eq3A_128, %broadcast_in_dim3A_51, %broadcast_in_dim3A_125 : vector<64x1xi1>, vector<64x1xf32>
    %swap3A_130 = arith.constant 0 : index
    %swap3A_131 = arith.constant 640 : index
    %swap3A_132 = vector.load %arg10[%swap3A_130, %swap3A_131] : memref<64x1024xf32, #tpu.memory_space<vmem>>, vector<64x1xf32>
    tpu.vector_store %arg10[%swap3A_130, %swap3A_131], %select_n3A_129 {strides = array<i32>} : memref<64x1024xf32, #tpu.memory_space<vmem>>, vector<64x1xf32>,
    %eq3A_133 = vector.broadcast %broadcast_in_dim3A_125 : vector<64x1xf32> to vector<64x8192xf32>
    %eq3A_134 = arith.cmpf oeq, %select_n3A_122, %eq3A_133 : vector<64x8192xf32>
    %jit3A_135 = arith.constant 8.192000e+03 : f32
    %broadcast_in_dim3A_136 = vector.broadcast %jit3A_135 : f32 to vector<64x8192xf32>
    %select_n3A_137 = arith.select %eq3A_134, %broadcast_in_dim3A_136, %select_n3A_122 : vector<64x8192xi1>, vector<64x8192xf32>
    %reduce_min3A_138 = arith.constant dense<0x7F800000> : vector<64xf32>
    %reduce_min3A_139 = vector.multi_reduction <minimumf>, %select_n3A_137, %reduce_min3A_138 [1] : vector<64x8192xf32> to vector<64xf32>
    %broadcast_in_dim3A_140 = vector.shape_cast %reduce_min3A_139 : vector<64xf32> to vector<64x1xf32>
    %eq3A_141 = arith.constant 8.192000e+03 : f32
    %eq3A_142 = vector.broadcast %eq3A_141 : f32 to vector<64x1xf32>
    %eq3A_143 = arith.cmpf oeq, %broadcast_in_dim3A_140, %eq3A_142 : vector<64x1xf32>
    %select_n3A_144 = arith.select %eq3A_143, %broadcast_in_dim3A_51, %broadcast_in_dim3A_140 : vector<64x1xi1>, vector<64x1xf32>
    %swap3A_145 = arith.constant 0 : index
    %swap3A_146 = arith.constant 768 : index
    %swap3A_147 = vector.load %arg10[%swap3A_145, %swap3A_146] : memref<64x1024xf32, #tpu.memory_space<vmem>>, vector<64x1xf32>
    tpu.vector_store %arg10[%swap3A_145, %swap3A_146], %select_n3A_144 {strides = array<i32>} : memref<64x1024xf32, #tpu.memory_space<vmem>>, vector<64x1xf32>,
    %eq3A_148 = vector.broadcast %broadcast_in_dim3A_140 : vector<64x1xf32> to vector<64x8192xf32>
    %eq3A_149 = arith.cmpf oeq, %select_n3A_137, %eq3A_148 : vector<64x8192xf32>
    %jit3A_150 = arith.constant 8.192000e+03 : f32
    %broadcast_in_dim3A_151 = vector.broadcast %jit3A_150 : f32 to vector<64x8192xf32>
    %select_n3A_152 = arith.select %eq3A_149, %broadcast_in_dim3A_151, %select_n3A_137 : vector<64x8192xi1>, vector<64x8192xf32>
    %reduce_min3A_153 = arith.constant dense<0x7F800000> : vector<64xf32>
    %reduce_min3A_154 = vector.multi_reduction <minimumf>, %select_n3A_152, %reduce_min3A_153 [1] : vector<64x8192xf32> to vector<64xf32>
    %broadcast_in_dim3A_155 = vector.shape_cast %reduce_min3A_154 : vector<64xf32> to vector<64x1xf32>
    %eq3A_156 = arith.constant 8.192000e+03 : f32
    %eq3A_157 = vector.broadcast %eq3A_156 : f32 to vector<64x1xf32>
    %eq3A_158 = arith.cmpf oeq, %broadcast_in_dim3A_155, %eq3A_157 : vector<64x1xf32>
    %select_n3A_159 = arith.select %eq3A_158, %broadcast_in_dim3A_51, %broadcast_in_dim3A_155 : vector<64x1xi1>, vector<64x1xf32>
    %swap3A_160 = arith.constant 0 : index
    %swap3A_161 = arith.constant 896 : index
    %swap3A_162 = vector.load %arg10[%swap3A_160, %swap3A_161] : memref<64x1024xf32, #tpu.memory_space<vmem>>, vector<64x1xf32>
    tpu.vector_store %arg10[%swap3A_160, %swap3A_161], %select_n3A_159 {strides = array<i32>} : memref<64x1024xf32, #tpu.memory_space<vmem>>, vector<64x1xf32>,
    %eq3A_163 = vector.broadcast %broadcast_in_dim3A_155 : vector<64x1xf32> to vector<64x8192xf32>
    %eq3A_164 = arith.cmpf oeq, %select_n3A_152, %eq3A_163 : vector<64x8192xf32>
    %jit3A_165 = arith.constant 8.192000e+03 : f32
    %broadcast_in_dim3A_166 = vector.broadcast %jit3A_165 : f32 to vector<64x8192xf32>
    %select_n3A_167 = arith.select %eq3A_164, %broadcast_in_dim3A_166, %select_n3A_152 : vector<64x8192xi1>, vector<64x8192xf32>
    %get3A_168 = arith.constant 0 : index
    %get3A_169 = arith.constant 0 : index
    %get3A_170 = vector.load %arg10[%get3A_168, %get3A_169] : memref<64x1024xf32, #tpu.memory_space<vmem>>, vector<64x1024xf32>
    %reshape3A = vector.shape_cast %get3A_170 : vector<64x1024xf32> to vector<64x8x128xf32>
    %reduce_max3A = arith.constant dense<0xFF800000> : vector<64x8xf32>
    %reduce_max3A_171 = vector.multi_reduction <maximumf>, %reshape3A, %reduce_max3A [2] : vector<64x8x128xf32> to vector<64x8xf32>
    %convert_element_type3A_172 = arith.fptosi %reduce_max3A_171 : vector<64x8xf32> to vector<64x8xi32>
    %mul3A_173 = arith.constant 8192 : i32
    %mul3A_174 = arith.muli %add3A_1, %mul3A_173 : i32
    %add3A_175 = vector.broadcast %mul3A_174 : i32 to vector<64x8xi32>
    %add3A_176 = arith.addi %convert_element_type3A_172, %add3A_175 : vector<64x8xi32>
    %swap3A_177 = arith.constant 0 : index
    %swap3A_178 = arith.constant 0 : index
    %swap3A_179 = arith.constant 0 : index
    %swap3A_180 = vector.load %arg8[%swap3A_177, %swap3A_178, %swap3A_179] : memref<4x64x8xi32, #tpu.memory_space<vmem>>, vector<1x64x8xi32>
    %swap3A_181 = vector.shape_cast %swap3A_180 : vector<1x64x8xi32> to vector<64x8xi32>
    %swap3A_182 = vector.shape_cast %add3A_176 : vector<64x8xi32> to vector<1x64x8xi32>
    tpu.vector_store %arg8[%swap3A_177, %swap3A_178, %swap3A_179], %swap3A_182 {strides = array<i32>} : memref<4x64x8xi32, #tpu.memory_space<vmem>>, vector<1x64x8xi32>,
    %eq3A_183 = arith.constant 8.192000e+03 : f32
    %eq3A_184 = vector.broadcast %eq3A_183 : f32 to vector<64x8192xf32>
    %eq3A_185 = arith.cmpf oeq, %select_n3A_167, %eq3A_184 : vector<64x8192xf32>
    %and3A = arith.andi %not3A_45, %eq3A_185 : vector<64x8192xi1>
    %jit3A_186 = arith.constant 1.000000e+00 : f32
    %jit3A_187 = arith.constant 0.000000e+00 : f32
    %broadcast_in_dim3A_188 = vector.broadcast %jit3A_186 : f32 to vector<64x8192xf32>
    %broadcast_in_dim3A_189 = vector.broadcast %jit3A_187 : f32 to vector<64x8192xf32>
    %select_n3A_190 = arith.select %and3A, %broadcast_in_dim3A_188, %broadcast_in_dim3A_189 : vector<64x8192xi1>, vector<64x8192xf32>
    %eq3A_191 = vector.broadcast %broadcast_in_dim3A_51 : vector<64x1xf32> to vector<64x8192xf32>
    %eq3A_192 = arith.cmpf oeq, %convert_element_type3A, %eq3A_191 : vector<64x8192xf32>
    %jit3A_193 = arith.constant 1.000000e+00 : f32
    %jit3A_194 = arith.constant 0.000000e+00 : f32
    %broadcast_in_dim3A_195 = vector.broadcast %jit3A_193 : f32 to vector<64x8192xf32>
    %broadcast_in_dim3A_196 = vector.broadcast %jit3A_194 : f32 to vector<64x8192xf32>
    %select_n3A_197 = arith.select %eq3A_192, %broadcast_in_dim3A_195, %broadcast_in_dim3A_196 : vector<64x8192xi1>, vector<64x8192xf32>
    %concatenate3A = tpu.concatenate %select_n3A_190, %select_n3A_197 in 0 : vector<64x8192xf32>, vector<64x8192xf32> -> vector<128x8192xf32>
    %get3A_198 = arith.constant 0 : index
    %get3A_199 = arith.constant 0 : index
    %get3A_200 = arith.constant 0 : index
    %get3A_201 = vector.load %arg7[%get3A_198, %get3A_199, %get3A_200] : memref<4x4x8192xf32, #tpu.memory_space<vmem>>, vector<1x4x8192xf32>
    %get3A_202 = vector.shape_cast %get3A_201 : vector<1x4x8192xf32> to vector<4x8192xf32>
    %dot_general3A = arith.constant dense<0.000000e+00> : vector<128x4xf32>
    %dot_general3A_203 = tpu.matmul %concatenate3A, %get3A_202, %dot_general3A {dimension_numbers = #tpu.dot_dimension_numbers<[1], [1], [0], [0], [0, 0, 1, 0], [], []>, transpose_lhs_hint = false} : vector<128x8192xf32>, vector<4x8192xf32>, vector<128x4xf32> -> vector<128x4xf32>
    %slice3A = vector.extract_strided_slice %dot_general3A_203 {offsets = [0, 0], sizes = [64, 4], strides = [1, 1]} : vector<128x4xf32> to vector<64x4xf32>
    %slice3A_204 = vector.extract_strided_slice %dot_general3A_203 {offsets = [64, 0], sizes = [64, 4], strides = [1, 1]} : vector<128x4xf32> to vector<64x4xf32>
    %slice3A_205 = vector.extract_strided_slice %slice3A {offsets = [0, 3], sizes = [64, 1], strides = [1, 1]} : vector<64x4xf32> to vector<64x1xf32>
    %broadcast_in_dim3A_206 = arith.constant -1.000000e+30 : f32
    %broadcast_in_dim3A_207 = vector.broadcast %broadcast_in_dim3A_206 : f32 to vector<64x1024xf32>
    %swap3A_208 = arith.constant 0 : index
    %swap3A_209 = arith.constant 0 : index
    %swap3A_210 = vector.load %arg11[%swap3A_208, %swap3A_209] : memref<64x1024xf32, #tpu.memory_space<vmem>>, vector<64x1024xf32>
    tpu.vector_store %arg11[%swap3A_208, %swap3A_209], %broadcast_in_dim3A_207 {strides = array<i32>} : memref<64x1024xf32, #tpu.memory_space<vmem>>, vector<64x1024xf32>,
    %swap3A_211 = arith.constant 0 : index
    %swap3A_212 = arith.constant 0 : index
    %swap3A_213 = vector.load %arg11[%swap3A_211, %swap3A_212] : memref<64x1024xf32, #tpu.memory_space<vmem>>, vector<64x1xf32>
    tpu.vector_store %arg11[%swap3A_211, %swap3A_212], %get3A_20 {strides = array<i32>} : memref<64x1024xf32, #tpu.memory_space<vmem>>, vector<64x1xf32>,
    %swap3A_214 = arith.constant 0 : index
    %swap3A_215 = arith.constant 128 : index
    %swap3A_216 = vector.load %arg11[%swap3A_214, %swap3A_215] : memref<64x1024xf32, #tpu.memory_space<vmem>>, vector<64x1xf32>
    tpu.vector_store %arg11[%swap3A_214, %swap3A_215], %get3A_25 {strides = array<i32>} : memref<64x1024xf32, #tpu.memory_space<vmem>>, vector<64x1xf32>,
    %swap3A_217 = arith.constant 0 : index
    %swap3A_218 = arith.constant 256 : index
    %swap3A_219 = vector.load %arg11[%swap3A_217, %swap3A_218] : memref<64x1024xf32, #tpu.memory_space<vmem>>, vector<64x1xf32>
    tpu.vector_store %arg11[%swap3A_217, %swap3A_218], %get3A_30 {strides = array<i32>} : memref<64x1024xf32, #tpu.memory_space<vmem>>, vector<64x1xf32>,
    %slice3A_220 = vector.extract_strided_slice %slice3A {offsets = [0, 0], sizes = [64, 1], strides = [1, 1]} : vector<64x4xf32> to vector<64x1xf32>
    %sub3A_221 = arith.constant 8.000000e+00 : f32
    %sub3A_222 = vector.broadcast %sub3A_221 : f32 to vector<64x1xf32>
    %sub3A_223 = arith.subf %sub3A_222, %slice3A_205 : vector<64x1xf32>
    %slice3A_224 = vector.extract_strided_slice %slice3A_204 {offsets = [0, 0], sizes = [64, 1], strides = [1, 1]} : vector<64x4xf32> to vector<64x1xf32>
    %mul3A_225 = arith.mulf %sub3A_223, %slice3A_224 : vector<64x1xf32>
    %add3A_226 = arith.addf %slice3A_220, %mul3A_225 : vector<64x1xf32>
    %mul3A_227 = arith.constant 1.250000e-01 : f32
    %mul3A_228 = vector.broadcast %mul3A_227 : f32 to vector<64x1xf32>
    %mul3A_229 = arith.mulf %add3A_226, %mul3A_228 : vector<64x1xf32>
    %sub3A_230 = arith.subf %mul3A_229, %get3A_20 : vector<64x1xf32>
    %swap3A_231 = arith.constant 0 : index
    %swap3A_232 = arith.constant 384 : index
    %swap3A_233 = vector.load %arg11[%swap3A_231, %swap3A_232] : memref<64x1024xf32, #tpu.memory_space<vmem>>, vector<64x1xf32>
    tpu.vector_store %arg11[%swap3A_231, %swap3A_232], %sub3A_230 {strides = array<i32>} : memref<64x1024xf32, #tpu.memory_space<vmem>>, vector<64x1xf32>,
    %slice3A_234 = vector.extract_strided_slice %slice3A {offsets = [0, 1], sizes = [64, 1], strides = [1, 1]} : vector<64x4xf32> to vector<64x1xf32>
    %sub3A_235 = arith.constant 8.000000e+00 : f32
    %sub3A_236 = vector.broadcast %sub3A_235 : f32 to vector<64x1xf32>
    %sub3A_237 = arith.subf %sub3A_236, %slice3A_205 : vector<64x1xf32>
    %slice3A_238 = vector.extract_strided_slice %slice3A_204 {offsets = [0, 1], sizes = [64, 1], strides = [1, 1]} : vector<64x4xf32> to vector<64x1xf32>
    %mul3A_239 = arith.mulf %sub3A_237, %slice3A_238 : vector<64x1xf32>
    %add3A_240 = arith.addf %slice3A_234, %mul3A_239 : vector<64x1xf32>
    %mul3A_241 = arith.constant 1.250000e-01 : f32
    %mul3A_242 = vector.broadcast %mul3A_241 : f32 to vector<64x1xf32>
    %mul3A_243 = arith.mulf %add3A_240, %mul3A_242 : vector<64x1xf32>
    %sub3A_244 = arith.subf %mul3A_243, %get3A_25 : vector<64x1xf32>
    %swap3A_245 = arith.constant 0 : index
    %swap3A_246 = arith.constant 512 : index
    %swap3A_247 = vector.load %arg11[%swap3A_245, %swap3A_246] : memref<64x1024xf32, #tpu.memory_space<vmem>>, vector<64x1xf32>
    tpu.vector_store %arg11[%swap3A_245, %swap3A_246], %sub3A_244 {strides = array<i32>} : memref<64x1024xf32, #tpu.memory_space<vmem>>, vector<64x1xf32>,
    %slice3A_248 = vector.extract_strided_slice %slice3A {offsets = [0, 2], sizes = [64, 1], strides = [1, 1]} : vector<64x4xf32> to vector<64x1xf32>
    %sub3A_249 = arith.constant 8.000000e+00 : f32
    %sub3A_250 = vector.broadcast %sub3A_249 : f32 to vector<64x1xf32>
    %sub3A_251 = arith.subf %sub3A_250, %slice3A_205 : vector<64x1xf32>
    %slice3A_252 = vector.extract_strided_slice %slice3A_204 {offsets = [0, 2], sizes = [64, 1], strides = [1, 1]} : vector<64x4xf32> to vector<64x1xf32>
    %mul3A_253 = arith.mulf %sub3A_251, %slice3A_252 : vector<64x1xf32>
    %add3A_254 = arith.addf %slice3A_248, %mul3A_253 : vector<64x1xf32>
    %mul3A_255 = arith.constant 1.250000e-01 : f32
    %mul3A_256 = vector.broadcast %mul3A_255 : f32 to vector<64x1xf32>
    %mul3A_257 = arith.mulf %add3A_254, %mul3A_256 : vector<64x1xf32>
    %sub3A_258 = arith.subf %mul3A_257, %get3A_30 : vector<64x1xf32>
    %swap3A_259 = arith.constant 0 : index
    %swap3A_260 = arith.constant 640 : index
    %swap3A_261 = vector.load %arg11[%swap3A_259, %swap3A_260] : memref<64x1024xf32, #tpu.memory_space<vmem>>, vector<64x1xf32>
    tpu.vector_store %arg11[%swap3A_259, %swap3A_260], %sub3A_258 {strides = array<i32>} : memref<64x1024xf32, #tpu.memory_space<vmem>>, vector<64x1xf32>,
    %get3A_262 = arith.constant 0 : index
    %get3A_263 = arith.constant 0 : index
    %get3A_264 = vector.load %arg11[%get3A_262, %get3A_263] : memref<64x1024xf32, #tpu.memory_space<vmem>>, vector<64x1024xf32>
    %reshape3A_265 = vector.shape_cast %get3A_264 : vector<64x1024xf32> to vector<64x8x128xf32>
    %reduce_max3A_266 = arith.constant dense<0xFF800000> : vector<64x8xf32>
    %reduce_max3A_267 = vector.multi_reduction <maximumf>, %reshape3A_265, %reduce_max3A_266 [2] : vector<64x8x128xf32> to vector<64x8xf32>
    %swap3A_268 = arith.constant 0 : index
    %swap3A_269 = arith.constant 0 : index
    %swap3A_270 = arith.constant 0 : index
    %swap3A_271 = vector.load %arg9[%swap3A_268, %swap3A_269, %swap3A_270] : memref<4x64x8xf32, #tpu.memory_space<vmem>>, vector<1x64x8xf32>
    %swap3A_272 = vector.shape_cast %swap3A_271 : vector<1x64x8xf32> to vector<64x8xf32>
    %swap3A_273 = vector.shape_cast %reduce_max3A_267 : vector<64x8xf32> to vector<1x64x8xf32>
    tpu.vector_store %arg9[%swap3A_268, %swap3A_269, %swap3A_270], %swap3A_273 {strides = array<i32>} : memref<4x64x8xf32, #tpu.memory_space<vmem>>, vector<1x64x8xf32>,
    %mul3A_274 = arith.constant 4 : i32
    %mul3A_275 = arith.muli %arg0, %mul3A_274 : i32
    %add3A_276 = arith.constant 1 : i32
    %add3A_277 = arith.addi %mul3A_275, %add3A_276 : i32
    %get3A_278 = arith.constant 1 : index
    %get3A_279 = arith.constant 0 : index
    %get3A_280 = arith.constant 0 : index
    %get3A_281 = vector.load %arg1[%get3A_278, %get3A_279, %get3A_280] : memref<4x1x8192xf32, #tpu.memory_space<vmem>>, vector<1x1x8192xf32>
    %get3A_282 = vector.shape_cast %get3A_281 : vector<1x1x8192xf32> to vector<1x8192xf32>
    %get3A_283 = arith.constant 1 : index
    %get3A_284 = arith.constant 0 : index
    %get3A_285 = arith.constant 0 : index
    %get3A_286 = vector.load %arg2[%get3A_283, %get3A_284, %get3A_285] : memref<4x1x8192xf32, #tpu.memory_space<vmem>>, vector<1x1x8192xf32>
    %get3A_287 = vector.shape_cast %get3A_286 : vector<1x1x8192xf32> to vector<1x8192xf32>
    %get3A_288 = arith.constant 1 : index
    %get3A_289 = arith.constant 0 : index
    %get3A_290 = arith.constant 0 : index
    %get3A_291 = vector.load %arg3[%get3A_288, %get3A_289, %get3A_290] : memref<4x1x8192xf32, #tpu.memory_space<vmem>>, vector<1x1x8192xf32>
    %get3A_292 = vector.shape_cast %get3A_291 : vector<1x1x8192xf32> to vector<1x8192xf32>
    %get3A_293 = arith.constant 1 : index
    %get3A_294 = arith.constant 0 : index
    %get3A_295 = arith.constant 0 : index
    %get3A_296 = vector.load %arg4[%get3A_293, %get3A_294, %get3A_295] : memref<4x64x1xf32, #tpu.memory_space<vmem>>, vector<1x64x1xf32>
    %get3A_297 = vector.shape_cast %get3A_296 : vector<1x64x1xf32> to vector<64x1xf32>
    %get3A_298 = arith.constant 1 : index
    %get3A_299 = arith.constant 0 : index
    %get3A_300 = arith.constant 0 : index
    %get3A_301 = vector.load %arg5[%get3A_298, %get3A_299, %get3A_300] : memref<4x64x1xf32, #tpu.memory_space<vmem>>, vector<1x64x1xf32>
    %get3A_302 = vector.shape_cast %get3A_301 : vector<1x64x1xf32> to vector<64x1xf32>
    %get3A_303 = arith.constant 1 : index
    %get3A_304 = arith.constant 0 : index
    %get3A_305 = arith.constant 0 : index
    %get3A_306 = vector.load %arg6[%get3A_303, %get3A_304, %get3A_305] : memref<4x64x1xf32, #tpu.memory_space<vmem>>, vector<1x64x1xf32>
    %get3A_307 = vector.shape_cast %get3A_306 : vector<1x64x1xf32> to vector<64x1xf32>
    %sub3A_308 = vector.broadcast %get3A_297 : vector<64x1xf32> to vector<64x8192xf32>
    %sub3A_309 = vector.broadcast %get3A_282 : vector<1x8192xf32> to vector<64x8192xf32>
    %sub3A_310 = arith.subf %sub3A_308, %sub3A_309 : vector<64x8192xf32>
    %integer_pow3A_311 = arith.mulf %sub3A_310, %sub3A_310 : vector<64x8192xf32>
    %sub3A_312 = vector.broadcast %get3A_302 : vector<64x1xf32> to vector<64x8192xf32>
    %sub3A_313 = vector.broadcast %get3A_287 : vector<1x8192xf32> to vector<64x8192xf32>
    %sub3A_314 = arith.subf %sub3A_312, %sub3A_313 : vector<64x8192xf32>
    %integer_pow3A_315 = arith.mulf %sub3A_314, %sub3A_314 : vector<64x8192xf32>
    %add3A_316 = arith.addf %integer_pow3A_311, %integer_pow3A_315 : vector<64x8192xf32>
    %sub3A_317 = vector.broadcast %get3A_307 : vector<64x1xf32> to vector<64x8192xf32>
    %sub3A_318 = vector.broadcast %get3A_292 : vector<1x8192xf32> to vector<64x8192xf32>
    %sub3A_319 = arith.subf %sub3A_317, %sub3A_318 : vector<64x8192xf32>
    %integer_pow3A_320 = arith.mulf %sub3A_319, %sub3A_319 : vector<64x8192xf32>
    %add3A_321 = arith.addf %add3A_316, %integer_pow3A_320 : vector<64x8192xf32>
    %gt3A_322 = arith.constant 1.600000e+01 : f32
    %gt3A_323 = vector.broadcast %gt3A_322 : f32 to vector<64x8192xf32>
    %gt3A_324 = arith.cmpf ogt, %add3A_321, %gt3A_323 : vector<64x8192xf32>
    %not3A_325 = arith.constant dense<true> : vector<64x8192xi1>
    %not3A_326 = arith.xori %gt3A_324, %not3A_325 : vector<64x8192xi1>
    %broadcast_in_dim3A_327 = arith.constant 0.000000e+00 : f32
    %broadcast_in_dim3A_328 = vector.broadcast %broadcast_in_dim3A_327 : f32 to vector<64x1024xf32>
    %swap3A_329 = arith.constant 0 : index
    %swap3A_330 = arith.constant 0 : index
    %swap3A_331 = vector.load %arg10[%swap3A_329, %swap3A_330] : memref<64x1024xf32, #tpu.memory_space<vmem>>, vector<64x1024xf32>
    tpu.vector_store %arg10[%swap3A_329, %swap3A_330], %broadcast_in_dim3A_328 {strides = array<i32>} : memref<64x1024xf32, #tpu.memory_space<vmem>>, vector<64x1024xf32>,
    %jit3A_332 = arith.constant 8.192000e+03 : f32
    %broadcast_in_dim3A_333 = vector.broadcast %jit3A_332 : f32 to vector<64x8192xf32>
    %select_n3A_334 = arith.select %not3A_326, %convert_element_type3A, %broadcast_in_dim3A_333 : vector<64x8192xi1>, vector<64x8192xf32>
    %reduce_min3A_335 = arith.constant dense<0x7F800000> : vector<64xf32>
    %reduce_min3A_336 = vector.multi_reduction <minimumf>, %select_n3A_334, %reduce_min3A_335 [1] : vector<64x8192xf32> to vector<64xf32>
    %broadcast_in_dim3A_337 = vector.shape_cast %reduce_min3A_336 : vector<64xf32> to vector<64x1xf32>
    %eq3A_338 = arith.constant 8.192000e+03 : f32
    %eq3A_339 = vector.broadcast %eq3A_338 : f32 to vector<64x1xf32>
    %eq3A_340 = arith.cmpf oeq, %broadcast_in_dim3A_337, %eq3A_339 : vector<64x1xf32>
    %select_n3A_341 = arith.select %eq3A_340, %broadcast_in_dim3A_337, %broadcast_in_dim3A_337 : vector<64x1xi1>, vector<64x1xf32>
    %swap3A_342 = arith.constant 0 : index
    %swap3A_343 = arith.constant 0 : index
    %swap3A_344 = vector.load %arg10[%swap3A_342, %swap3A_343] : memref<64x1024xf32, #tpu.memory_space<vmem>>, vector<64x1xf32>
    tpu.vector_store %arg10[%swap3A_342, %swap3A_343], %select_n3A_341 {strides = array<i32>} : memref<64x1024xf32, #tpu.memory_space<vmem>>, vector<64x1xf32>,
    %eq3A_345 = vector.broadcast %broadcast_in_dim3A_337 : vector<64x1xf32> to vector<64x8192xf32>
    %eq3A_346 = arith.cmpf oeq, %select_n3A_334, %eq3A_345 : vector<64x8192xf32>
    %jit3A_347 = arith.constant 8.192000e+03 : f32
    %broadcast_in_dim3A_348 = vector.broadcast %jit3A_347 : f32 to vector<64x8192xf32>
    %select_n3A_349 = arith.select %eq3A_346, %broadcast_in_dim3A_348, %select_n3A_334 : vector<64x8192xi1>, vector<64x8192xf32>
    %reduce_min3A_350 = arith.constant dense<0x7F800000> : vector<64xf32>
    %reduce_min3A_351 = vector.multi_reduction <minimumf>, %select_n3A_349, %reduce_min3A_350 [1] : vector<64x8192xf32> to vector<64xf32>
    %broadcast_in_dim3A_352 = vector.shape_cast %reduce_min3A_351 : vector<64xf32> to vector<64x1xf32>
    %eq3A_353 = arith.constant 8.192000e+03 : f32
    %eq3A_354 = vector.broadcast %eq3A_353 : f32 to vector<64x1xf32>
    %eq3A_355 = arith.cmpf oeq, %broadcast_in_dim3A_352, %eq3A_354 : vector<64x1xf32>
    %select_n3A_356 = arith.select %eq3A_355, %broadcast_in_dim3A_337, %broadcast_in_dim3A_352 : vector<64x1xi1>, vector<64x1xf32>
    %swap3A_357 = arith.constant 0 : index
    %swap3A_358 = arith.constant 128 : index
    %swap3A_359 = vector.load %arg10[%swap3A_357, %swap3A_358] : memref<64x1024xf32, #tpu.memory_space<vmem>>, vector<64x1xf32>
    tpu.vector_store %arg10[%swap3A_357, %swap3A_358], %select_n3A_356 {strides = array<i32>} : memref<64x1024xf32, #tpu.memory_space<vmem>>, vector<64x1xf32>,
    %eq3A_360 = vector.broadcast %broadcast_in_dim3A_352 : vector<64x1xf32> to vector<64x8192xf32>
    %eq3A_361 = arith.cmpf oeq, %select_n3A_349, %eq3A_360 : vector<64x8192xf32>
    %jit3A_362 = arith.constant 8.192000e+03 : f32
    %broadcast_in_dim3A_363 = vector.broadcast %jit3A_362 : f32 to vector<64x8192xf32>
    %select_n3A_364 = arith.select %eq3A_361, %broadcast_in_dim3A_363, %select_n3A_349 : vector<64x8192xi1>, vector<64x8192xf32>
    %reduce_min3A_365 = arith.constant dense<0x7F800000> : vector<64xf32>
    %reduce_min3A_366 = vector.multi_reduction <minimumf>, %select_n3A_364, %reduce_min3A_365 [1] : vector<64x8192xf32> to vector<64xf32>
    %broadcast_in_dim3A_367 = vector.shape_cast %reduce_min3A_366 : vector<64xf32> to vector<64x1xf32>
    %eq3A_368 = arith.constant 8.192000e+03 : f32
    %eq3A_369 = vector.broadcast %eq3A_368 : f32 to vector<64x1xf32>
    %eq3A_370 = arith.cmpf oeq, %broadcast_in_dim3A_367, %eq3A_369 : vector<64x1xf32>
    %select_n3A_371 = arith.select %eq3A_370, %broadcast_in_dim3A_337, %broadcast_in_dim3A_367 : vector<64x1xi1>, vector<64x1xf32>
    %swap3A_372 = arith.constant 0 : index
    %swap3A_373 = arith.constant 256 : index
    %swap3A_374 = vector.load %arg10[%swap3A_372, %swap3A_373] : memref<64x1024xf32, #tpu.memory_space<vmem>>, vector<64x1xf32>
    tpu.vector_store %arg10[%swap3A_372, %swap3A_373], %select_n3A_371 {strides = array<i32>} : memref<64x1024xf32, #tpu.memory_space<vmem>>, vector<64x1xf32>,
    %eq3A_375 = vector.broadcast %broadcast_in_dim3A_367 : vector<64x1xf32> to vector<64x8192xf32>
    %eq3A_376 = arith.cmpf oeq, %select_n3A_364, %eq3A_375 : vector<64x8192xf32>
    %jit3A_377 = arith.constant 8.192000e+03 : f32
    %broadcast_in_dim3A_378 = vector.broadcast %jit3A_377 : f32 to vector<64x8192xf32>
    %select_n3A_379 = arith.select %eq3A_376, %broadcast_in_dim3A_378, %select_n3A_364 : vector<64x8192xi1>, vector<64x8192xf32>
    %reduce_min3A_380 = arith.constant dense<0x7F800000> : vector<64xf32>
    %reduce_min3A_381 = vector.multi_reduction <minimumf>, %select_n3A_379, %reduce_min3A_380 [1] : vector<64x8192xf32> to vector<64xf32>
    %broadcast_in_dim3A_382 = vector.shape_cast %reduce_min3A_381 : vector<64xf32> to vector<64x1xf32>
    %eq3A_383 = arith.constant 8.192000e+03 : f32
    %eq3A_384 = vector.broadcast %eq3A_383 : f32 to vector<64x1xf32>
    %eq3A_385 = arith.cmpf oeq, %broadcast_in_dim3A_382, %eq3A_384 : vector<64x1xf32>
    %select_n3A_386 = arith.select %eq3A_385, %broadcast_in_dim3A_337, %broadcast_in_dim3A_382 : vector<64x1xi1>, vector<64x1xf32>
    %swap3A_387 = arith.constant 0 : index
    %swap3A_388 = arith.constant 384 : index
    %swap3A_389 = vector.load %arg10[%swap3A_387, %swap3A_388] : memref<64x1024xf32, #tpu.memory_space<vmem>>, vector<64x1xf32>
    tpu.vector_store %arg10[%swap3A_387, %swap3A_388], %select_n3A_386 {strides = array<i32>} : memref<64x1024xf32, #tpu.memory_space<vmem>>, vector<64x1xf32>,
    %eq3A_390 = vector.broadcast %broadcast_in_dim3A_382 : vector<64x1xf32> to vector<64x8192xf32>
    %eq3A_391 = arith.cmpf oeq, %select_n3A_379, %eq3A_390 : vector<64x8192xf32>
    %jit3A_392 = arith.constant 8.192000e+03 : f32
    %broadcast_in_dim3A_393 = vector.broadcast %jit3A_392 : f32 to vector<64x8192xf32>
    %select_n3A_394 = arith.select %eq3A_391, %broadcast_in_dim3A_393, %select_n3A_379 : vector<64x8192xi1>, vector<64x8192xf32>
    %reduce_min3A_395 = arith.constant dense<0x7F800000> : vector<64xf32>
    %reduce_min3A_396 = vector.multi_reduction <minimumf>, %select_n3A_394, %reduce_min3A_395 [1] : vector<64x8192xf32> to vector<64xf32>
    %broadcast_in_dim3A_397 = vector.shape_cast %reduce_min3A_396 : vector<64xf32> to vector<64x1xf32>
    %eq3A_398 = arith.constant 8.192000e+03 : f32
    %eq3A_399 = vector.broadcast %eq3A_398 : f32 to vector<64x1xf32>
    %eq3A_400 = arith.cmpf oeq, %broadcast_in_dim3A_397, %eq3A_399 : vector<64x1xf32>
    %select_n3A_401 = arith.select %eq3A_400, %broadcast_in_dim3A_337, %broadcast_in_dim3A_397 : vector<64x1xi1>, vector<64x1xf32>
    %swap3A_402 = arith.constant 0 : index
    %swap3A_403 = arith.constant 512 : index
    %swap3A_404 = vector.load %arg10[%swap3A_402, %swap3A_403] : memref<64x1024xf32, #tpu.memory_space<vmem>>, vector<64x1xf32>
    tpu.vector_store %arg10[%swap3A_402, %swap3A_403], %select_n3A_401 {strides = array<i32>} : memref<64x1024xf32, #tpu.memory_space<vmem>>, vector<64x1xf32>,
    %eq3A_405 = vector.broadcast %broadcast_in_dim3A_397 : vector<64x1xf32> to vector<64x8192xf32>
    %eq3A_406 = arith.cmpf oeq, %select_n3A_394, %eq3A_405 : vector<64x8192xf32>
    %jit3A_407 = arith.constant 8.192000e+03 : f32
    %broadcast_in_dim3A_408 = vector.broadcast %jit3A_407 : f32 to vector<64x8192xf32>
    %select_n3A_409 = arith.select %eq3A_406, %broadcast_in_dim3A_408, %select_n3A_394 : vector<64x8192xi1>, vector<64x8192xf32>
    %reduce_min3A_410 = arith.constant dense<0x7F800000> : vector<64xf32>
    %reduce_min3A_411 = vector.multi_reduction <minimumf>, %select_n3A_409, %reduce_min3A_410 [1] : vector<64x8192xf32> to vector<64xf32>
    %broadcast_in_dim3A_412 = vector.shape_cast %reduce_min3A_411 : vector<64xf32> to vector<64x1xf32>
    %eq3A_413 = arith.constant 8.192000e+03 : f32
    %eq3A_414 = vector.broadcast %eq3A_413 : f32 to vector<64x1xf32>
    %eq3A_415 = arith.cmpf oeq, %broadcast_in_dim3A_412, %eq3A_414 : vector<64x1xf32>
    %select_n3A_416 = arith.select %eq3A_415, %broadcast_in_dim3A_337, %broadcast_in_dim3A_412 : vector<64x1xi1>, vector<64x1xf32>
    %swap3A_417 = arith.constant 0 : index
    %swap3A_418 = arith.constant 640 : index
    %swap3A_419 = vector.load %arg10[%swap3A_417, %swap3A_418] : memref<64x1024xf32, #tpu.memory_space<vmem>>, vector<64x1xf32>
    tpu.vector_store %arg10[%swap3A_417, %swap3A_418], %select_n3A_416 {strides = array<i32>} : memref<64x1024xf32, #tpu.memory_space<vmem>>, vector<64x1xf32>,
    %eq3A_420 = vector.broadcast %broadcast_in_dim3A_412 : vector<64x1xf32> to vector<64x8192xf32>
    %eq3A_421 = arith.cmpf oeq, %select_n3A_409, %eq3A_420 : vector<64x8192xf32>
    %jit3A_422 = arith.constant 8.192000e+03 : f32
    %broadcast_in_dim3A_423 = vector.broadcast %jit3A_422 : f32 to vector<64x8192xf32>
    %select_n3A_424 = arith.select %eq3A_421, %broadcast_in_dim3A_423, %select_n3A_409 : vector<64x8192xi1>, vector<64x8192xf32>
    %reduce_min3A_425 = arith.constant dense<0x7F800000> : vector<64xf32>
    %reduce_min3A_426 = vector.multi_reduction <minimumf>, %select_n3A_424, %reduce_min3A_425 [1] : vector<64x8192xf32> to vector<64xf32>
    %broadcast_in_dim3A_427 = vector.shape_cast %reduce_min3A_426 : vector<64xf32> to vector<64x1xf32>
    %eq3A_428 = arith.constant 8.192000e+03 : f32
    %eq3A_429 = vector.broadcast %eq3A_428 : f32 to vector<64x1xf32>
    %eq3A_430 = arith.cmpf oeq, %broadcast_in_dim3A_427, %eq3A_429 : vector<64x1xf32>
    %select_n3A_431 = arith.select %eq3A_430, %broadcast_in_dim3A_337, %broadcast_in_dim3A_427 : vector<64x1xi1>, vector<64x1xf32>
    %swap3A_432 = arith.constant 0 : index
    %swap3A_433 = arith.constant 768 : index
    %swap3A_434 = vector.load %arg10[%swap3A_432, %swap3A_433] : memref<64x1024xf32, #tpu.memory_space<vmem>>, vector<64x1xf32>
    tpu.vector_store %arg10[%swap3A_432, %swap3A_433], %select_n3A_431 {strides = array<i32>} : memref<64x1024xf32, #tpu.memory_space<vmem>>, vector<64x1xf32>,
    %eq3A_435 = vector.broadcast %broadcast_in_dim3A_427 : vector<64x1xf32> to vector<64x8192xf32>
    %eq3A_436 = arith.cmpf oeq, %select_n3A_424, %eq3A_435 : vector<64x8192xf32>
    %jit3A_437 = arith.constant 8.192000e+03 : f32
    %broadcast_in_dim3A_438 = vector.broadcast %jit3A_437 : f32 to vector<64x8192xf32>
    %select_n3A_439 = arith.select %eq3A_436, %broadcast_in_dim3A_438, %select_n3A_424 : vector<64x8192xi1>, vector<64x8192xf32>
    %reduce_min3A_440 = arith.constant dense<0x7F800000> : vector<64xf32>
    %reduce_min3A_441 = vector.multi_reduction <minimumf>, %select_n3A_439, %reduce_min3A_440 [1] : vector<64x8192xf32> to vector<64xf32>
    %broadcast_in_dim3A_442 = vector.shape_cast %reduce_min3A_441 : vector<64xf32> to vector<64x1xf32>
    %eq3A_443 = arith.constant 8.192000e+03 : f32
    %eq3A_444 = vector.broadcast %eq3A_443 : f32 to vector<64x1xf32>
    %eq3A_445 = arith.cmpf oeq, %broadcast_in_dim3A_442, %eq3A_444 : vector<64x1xf32>
    %select_n3A_446 = arith.select %eq3A_445, %broadcast_in_dim3A_337, %broadcast_in_dim3A_442 : vector<64x1xi1>, vector<64x1xf32>
    %swap3A_447 = arith.constant 0 : index
    %swap3A_448 = arith.constant 896 : index
    %swap3A_449 = vector.load %arg10[%swap3A_447, %swap3A_448] : memref<64x1024xf32, #tpu.memory_space<vmem>>, vector<64x1xf32>
    tpu.vector_store %arg10[%swap3A_447, %swap3A_448], %select_n3A_446 {strides = array<i32>} : memref<64x1024xf32, #tpu.memory_space<vmem>>, vector<64x1xf32>,
    %eq3A_450 = vector.broadcast %broadcast_in_dim3A_442 : vector<64x1xf32> to vector<64x8192xf32>
    %eq3A_451 = arith.cmpf oeq, %select_n3A_439, %eq3A_450 : vector<64x8192xf32>
    %jit3A_452 = arith.constant 8.192000e+03 : f32
    %broadcast_in_dim3A_453 = vector.broadcast %jit3A_452 : f32 to vector<64x8192xf32>
    %select_n3A_454 = arith.select %eq3A_451, %broadcast_in_dim3A_453, %select_n3A_439 : vector<64x8192xi1>, vector<64x8192xf32>
    %get3A_455 = arith.constant 0 : index
    %get3A_456 = arith.constant 0 : index
    %get3A_457 = vector.load %arg10[%get3A_455, %get3A_456] : memref<64x1024xf32, #tpu.memory_space<vmem>>, vector<64x1024xf32>
    %reshape3A_458 = vector.shape_cast %get3A_457 : vector<64x1024xf32> to vector<64x8x128xf32>
    %reduce_max3A_459 = arith.constant dense<0xFF800000> : vector<64x8xf32>
    %reduce_max3A_460 = vector.multi_reduction <maximumf>, %reshape3A_458, %reduce_max3A_459 [2] : vector<64x8x128xf32> to vector<64x8xf32>
    %convert_element_type3A_461 = arith.fptosi %reduce_max3A_460 : vector<64x8xf32> to vector<64x8xi32>
    %mul3A_462 = arith.constant 8192 : i32
    %mul3A_463 = arith.muli %add3A_277, %mul3A_462 : i32
    %add3A_464 = vector.broadcast %mul3A_463 : i32 to vector<64x8xi32>
    %add3A_465 = arith.addi %convert_element_type3A_461, %add3A_464 : vector<64x8xi32>
    %swap3A_466 = arith.constant 1 : index
    %swap3A_467 = arith.constant 0 : index
    %swap3A_468 = arith.constant 0 : index
    %swap3A_469 = vector.load %arg8[%swap3A_466, %swap3A_467, %swap3A_468] : memref<4x64x8xi32, #tpu.memory_space<vmem>>, vector<1x64x8xi32>
    %swap3A_470 = vector.shape_cast %swap3A_469 : vector<1x64x8xi32> to vector<64x8xi32>
    %swap3A_471 = vector.shape_cast %add3A_465 : vector<64x8xi32> to vector<1x64x8xi32>
    tpu.vector_store %arg8[%swap3A_466, %swap3A_467, %swap3A_468], %swap3A_471 {strides = array<i32>} : memref<4x64x8xi32, #tpu.memory_space<vmem>>, vector<1x64x8xi32>,
    %eq3A_472 = arith.constant 8.192000e+03 : f32
    %eq3A_473 = vector.broadcast %eq3A_472 : f32 to vector<64x8192xf32>
    %eq3A_474 = arith.cmpf oeq, %select_n3A_454, %eq3A_473 : vector<64x8192xf32>
    %and3A_475 = arith.andi %not3A_326, %eq3A_474 : vector<64x8192xi1>
    %jit3A_476 = arith.constant 1.000000e+00 : f32
    %jit3A_477 = arith.constant 0.000000e+00 : f32
    %broadcast_in_dim3A_478 = vector.broadcast %jit3A_476 : f32 to vector<64x8192xf32>
    %broadcast_in_dim3A_479 = vector.broadcast %jit3A_477 : f32 to vector<64x8192xf32>
    %select_n3A_480 = arith.select %and3A_475, %broadcast_in_dim3A_478, %broadcast_in_dim3A_479 : vector<64x8192xi1>, vector<64x8192xf32>
    %eq3A_481 = vector.broadcast %broadcast_in_dim3A_337 : vector<64x1xf32> to vector<64x8192xf32>
    %eq3A_482 = arith.cmpf oeq, %convert_element_type3A, %eq3A_481 : vector<64x8192xf32>
    %jit3A_483 = arith.constant 1.000000e+00 : f32
    %jit3A_484 = arith.constant 0.000000e+00 : f32
    %broadcast_in_dim3A_485 = vector.broadcast %jit3A_483 : f32 to vector<64x8192xf32>
    %broadcast_in_dim3A_486 = vector.broadcast %jit3A_484 : f32 to vector<64x8192xf32>
    %select_n3A_487 = arith.select %eq3A_482, %broadcast_in_dim3A_485, %broadcast_in_dim3A_486 : vector<64x8192xi1>, vector<64x8192xf32>
    %concatenate3A_488 = tpu.concatenate %select_n3A_480, %select_n3A_487 in 0 : vector<64x8192xf32>, vector<64x8192xf32> -> vector<128x8192xf32>
    %get3A_489 = arith.constant 1 : index
    %get3A_490 = arith.constant 0 : index
    %get3A_491 = arith.constant 0 : index
    %get3A_492 = vector.load %arg7[%get3A_489, %get3A_490, %get3A_491] : memref<4x4x8192xf32, #tpu.memory_space<vmem>>, vector<1x4x8192xf32>
    %get3A_493 = vector.shape_cast %get3A_492 : vector<1x4x8192xf32> to vector<4x8192xf32>
    %dot_general3A_494 = arith.constant dense<0.000000e+00> : vector<128x4xf32>
    %dot_general3A_495 = tpu.matmul %concatenate3A_488, %get3A_493, %dot_general3A_494 {dimension_numbers = #tpu.dot_dimension_numbers<[1], [1], [0], [0], [0, 0, 1, 0], [], []>, transpose_lhs_hint = false} : vector<128x8192xf32>, vector<4x8192xf32>, vector<128x4xf32> -> vector<128x4xf32>
    %slice3A_496 = vector.extract_strided_slice %dot_general3A_495 {offsets = [0, 0], sizes = [64, 4], strides = [1, 1]} : vector<128x4xf32> to vector<64x4xf32>
    %slice3A_497 = vector.extract_strided_slice %dot_general3A_495 {offsets = [64, 0], sizes = [64, 4], strides = [1, 1]} : vector<128x4xf32> to vector<64x4xf32>
    %slice3A_498 = vector.extract_strided_slice %slice3A_496 {offsets = [0, 3], sizes = [64, 1], strides = [1, 1]} : vector<64x4xf32> to vector<64x1xf32>
    %broadcast_in_dim3A_499 = arith.constant -1.000000e+30 : f32
    %broadcast_in_dim3A_500 = vector.broadcast %broadcast_in_dim3A_499 : f32 to vector<64x1024xf32>
    %swap3A_501 = arith.constant 0 : index
    %swap3A_502 = arith.constant 0 : index
    %swap3A_503 = vector.load %arg11[%swap3A_501, %swap3A_502] : memref<64x1024xf32, #tpu.memory_space<vmem>>, vector<64x1024xf32>
    tpu.vector_store %arg11[%swap3A_501, %swap3A_502], %broadcast_in_dim3A_500 {strides = array<i32>} : memref<64x1024xf32, #tpu.memory_space<vmem>>, vector<64x1024xf32>,
    %swap3A_504 = arith.constant 0 : index
    %swap3A_505 = arith.constant 0 : index
    %swap3A_506 = vector.load %arg11[%swap3A_504, %swap3A_505] : memref<64x1024xf32, #tpu.memory_space<vmem>>, vector<64x1xf32>
    tpu.vector_store %arg11[%swap3A_504, %swap3A_505], %get3A_297 {strides = array<i32>} : memref<64x1024xf32, #tpu.memory_space<vmem>>, vector<64x1xf32>,
    %swap3A_507 = arith.constant 0 : index
    %swap3A_508 = arith.constant 128 : index
    %swap3A_509 = vector.load %arg11[%swap3A_507, %swap3A_508] : memref<64x1024xf32, #tpu.memory_space<vmem>>, vector<64x1xf32>
    tpu.vector_store %arg11[%swap3A_507, %swap3A_508], %get3A_302 {strides = array<i32>} : memref<64x1024xf32, #tpu.memory_space<vmem>>, vector<64x1xf32>,
    %swap3A_510 = arith.constant 0 : index
    %swap3A_511 = arith.constant 256 : index
    %swap3A_512 = vector.load %arg11[%swap3A_510, %swap3A_511] : memref<64x1024xf32, #tpu.memory_space<vmem>>, vector<64x1xf32>
    tpu.vector_store %arg11[%swap3A_510, %swap3A_511], %get3A_307 {strides = array<i32>} : memref<64x1024xf32, #tpu.memory_space<vmem>>, vector<64x1xf32>,
    %slice3A_513 = vector.extract_strided_slice %slice3A_496 {offsets = [0, 0], sizes = [64, 1], strides = [1, 1]} : vector<64x4xf32> to vector<64x1xf32>
    %sub3A_514 = arith.constant 8.000000e+00 : f32
    %sub3A_515 = vector.broadcast %sub3A_514 : f32 to vector<64x1xf32>
    %sub3A_516 = arith.subf %sub3A_515, %slice3A_498 : vector<64x1xf32>
    %slice3A_517 = vector.extract_strided_slice %slice3A_497 {offsets = [0, 0], sizes = [64, 1], strides = [1, 1]} : vector<64x4xf32> to vector<64x1xf32>
    %mul3A_518 = arith.mulf %sub3A_516, %slice3A_517 : vector<64x1xf32>
    %add3A_519 = arith.addf %slice3A_513, %mul3A_518 : vector<64x1xf32>
    %mul3A_520 = arith.constant 1.250000e-01 : f32
    %mul3A_521 = vector.broadcast %mul3A_520 : f32 to vector<64x1xf32>
    %mul3A_522 = arith.mulf %add3A_519, %mul3A_521 : vector<64x1xf32>
    %sub3A_523 = arith.subf %mul3A_522, %get3A_297 : vector<64x1xf32>
    %swap3A_524 = arith.constant 0 : index
    %swap3A_525 = arith.constant 384 : index
    %swap3A_526 = vector.load %arg11[%swap3A_524, %swap3A_525] : memref<64x1024xf32, #tpu.memory_space<vmem>>, vector<64x1xf32>
    tpu.vector_store %arg11[%swap3A_524, %swap3A_525], %sub3A_523 {strides = array<i32>} : memref<64x1024xf32, #tpu.memory_space<vmem>>, vector<64x1xf32>,
    %slice3A_527 = vector.extract_strided_slice %slice3A_496 {offsets = [0, 1], sizes = [64, 1], strides = [1, 1]} : vector<64x4xf32> to vector<64x1xf32>
    %sub3A_528 = arith.constant 8.000000e+00 : f32
    %sub3A_529 = vector.broadcast %sub3A_528 : f32 to vector<64x1xf32>
    %sub3A_530 = arith.subf %sub3A_529, %slice3A_498 : vector<64x1xf32>
    %slice3A_531 = vector.extract_strided_slice %slice3A_497 {offsets = [0, 1], sizes = [64, 1], strides = [1, 1]} : vector<64x4xf32> to vector<64x1xf32>
    %mul3A_532 = arith.mulf %sub3A_530, %slice3A_531 : vector<64x1xf32>
    %add3A_533 = arith.addf %slice3A_527, %mul3A_532 : vector<64x1xf32>
    %mul3A_534 = arith.constant 1.250000e-01 : f32
    %mul3A_535 = vector.broadcast %mul3A_534 : f32 to vector<64x1xf32>
    %mul3A_536 = arith.mulf %add3A_533, %mul3A_535 : vector<64x1xf32>
    %sub3A_537 = arith.subf %mul3A_536, %get3A_302 : vector<64x1xf32>
    %swap3A_538 = arith.constant 0 : index
    %swap3A_539 = arith.constant 512 : index
    %swap3A_540 = vector.load %arg11[%swap3A_538, %swap3A_539] : memref<64x1024xf32, #tpu.memory_space<vmem>>, vector<64x1xf32>
    tpu.vector_store %arg11[%swap3A_538, %swap3A_539], %sub3A_537 {strides = array<i32>} : memref<64x1024xf32, #tpu.memory_space<vmem>>, vector<64x1xf32>,
    %slice3A_541 = vector.extract_strided_slice %slice3A_496 {offsets = [0, 2], sizes = [64, 1], strides = [1, 1]} : vector<64x4xf32> to vector<64x1xf32>
    %sub3A_542 = arith.constant 8.000000e+00 : f32
    %sub3A_543 = vector.broadcast %sub3A_542 : f32 to vector<64x1xf32>
    %sub3A_544 = arith.subf %sub3A_543, %slice3A_498 : vector<64x1xf32>
    %slice3A_545 = vector.extract_strided_slice %slice3A_497 {offsets = [0, 2], sizes = [64, 1], strides = [1, 1]} : vector<64x4xf32> to vector<64x1xf32>
    %mul3A_546 = arith.mulf %sub3A_544, %slice3A_545 : vector<64x1xf32>
    %add3A_547 = arith.addf %slice3A_541, %mul3A_546 : vector<64x1xf32>
    %mul3A_548 = arith.constant 1.250000e-01 : f32
    %mul3A_549 = vector.broadcast %mul3A_548 : f32 to vector<64x1xf32>
    %mul3A_550 = arith.mulf %add3A_547, %mul3A_549 : vector<64x1xf32>
    %sub3A_551 = arith.subf %mul3A_550, %get3A_307 : vector<64x1xf32>
    %swap3A_552 = arith.constant 0 : index
    %swap3A_553 = arith.constant 640 : index
    %swap3A_554 = vector.load %arg11[%swap3A_552, %swap3A_553] : memref<64x1024xf32, #tpu.memory_space<vmem>>, vector<64x1xf32>
    tpu.vector_store %arg11[%swap3A_552, %swap3A_553], %sub3A_551 {strides = array<i32>} : memref<64x1024xf32, #tpu.memory_space<vmem>>, vector<64x1xf32>,
    %get3A_555 = arith.constant 0 : index
    %get3A_556 = arith.constant 0 : index
    %get3A_557 = vector.load %arg11[%get3A_555, %get3A_556] : memref<64x1024xf32, #tpu.memory_space<vmem>>, vector<64x1024xf32>
    %reshape3A_558 = vector.shape_cast %get3A_557 : vector<64x1024xf32> to vector<64x8x128xf32>
    %reduce_max3A_559 = arith.constant dense<0xFF800000> : vector<64x8xf32>
    %reduce_max3A_560 = vector.multi_reduction <maximumf>, %reshape3A_558, %reduce_max3A_559 [2] : vector<64x8x128xf32> to vector<64x8xf32>
    %swap3A_561 = arith.constant 1 : index
    %swap3A_562 = arith.constant 0 : index
    %swap3A_563 = arith.constant 0 : index
    %swap3A_564 = vector.load %arg9[%swap3A_561, %swap3A_562, %swap3A_563] : memref<4x64x8xf32, #tpu.memory_space<vmem>>, vector<1x64x8xf32>
    %swap3A_565 = vector.shape_cast %swap3A_564 : vector<1x64x8xf32> to vector<64x8xf32>
    %swap3A_566 = vector.shape_cast %reduce_max3A_560 : vector<64x8xf32> to vector<1x64x8xf32>
    tpu.vector_store %arg9[%swap3A_561, %swap3A_562, %swap3A_563], %swap3A_566 {strides = array<i32>} : memref<4x64x8xf32, #tpu.memory_space<vmem>>, vector<1x64x8xf32>,
    %mul3A_567 = arith.constant 4 : i32
    %mul3A_568 = arith.muli %arg0, %mul3A_567 : i32
    %add3A_569 = arith.constant 2 : i32
    %add3A_570 = arith.addi %mul3A_568, %add3A_569 : i32
    %get3A_571 = arith.constant 2 : index
    %get3A_572 = arith.constant 0 : index
    %get3A_573 = arith.constant 0 : index
    %get3A_574 = vector.load %arg1[%get3A_571, %get3A_572, %get3A_573] : memref<4x1x8192xf32, #tpu.memory_space<vmem>>, vector<1x1x8192xf32>
    %get3A_575 = vector.shape_cast %get3A_574 : vector<1x1x8192xf32> to vector<1x8192xf32>
    %get3A_576 = arith.constant 2 : index
    %get3A_577 = arith.constant 0 : index
    %get3A_578 = arith.constant 0 : index
    %get3A_579 = vector.load %arg2[%get3A_576, %get3A_577, %get3A_578] : memref<4x1x8192xf32, #tpu.memory_space<vmem>>, vector<1x1x8192xf32>
    %get3A_580 = vector.shape_cast %get3A_579 : vector<1x1x8192xf32> to vector<1x8192xf32>
    %get3A_581 = arith.constant 2 : index
    %get3A_582 = arith.constant 0 : index
    %get3A_583 = arith.constant 0 : index
    %get3A_584 = vector.load %arg3[%get3A_581, %get3A_582, %get3A_583] : memref<4x1x8192xf32, #tpu.memory_space<vmem>>, vector<1x1x8192xf32>
    %get3A_585 = vector.shape_cast %get3A_584 : vector<1x1x8192xf32> to vector<1x8192xf32>
    %get3A_586 = arith.constant 2 : index
    %get3A_587 = arith.constant 0 : index
    %get3A_588 = arith.constant 0 : index
    %get3A_589 = vector.load %arg4[%get3A_586, %get3A_587, %get3A_588] : memref<4x64x1xf32, #tpu.memory_space<vmem>>, vector<1x64x1xf32>
    %get3A_590 = vector.shape_cast %get3A_589 : vector<1x64x1xf32> to vector<64x1xf32>
    %get3A_591 = arith.constant 2 : index
    %get3A_592 = arith.constant 0 : index
    %get3A_593 = arith.constant 0 : index
    %get3A_594 = vector.load %arg5[%get3A_591, %get3A_592, %get3A_593] : memref<4x64x1xf32, #tpu.memory_space<vmem>>, vector<1x64x1xf32>
    %get3A_595 = vector.shape_cast %get3A_594 : vector<1x64x1xf32> to vector<64x1xf32>
    %get3A_596 = arith.constant 2 : index
    %get3A_597 = arith.constant 0 : index
    %get3A_598 = arith.constant 0 : index
    %get3A_599 = vector.load %arg6[%get3A_596, %get3A_597, %get3A_598] : memref<4x64x1xf32, #tpu.memory_space<vmem>>, vector<1x64x1xf32>
    %get3A_600 = vector.shape_cast %get3A_599 : vector<1x64x1xf32> to vector<64x1xf32>
    %sub3A_601 = vector.broadcast %get3A_590 : vector<64x1xf32> to vector<64x8192xf32>
    %sub3A_602 = vector.broadcast %get3A_575 : vector<1x8192xf32> to vector<64x8192xf32>
    %sub3A_603 = arith.subf %sub3A_601, %sub3A_602 : vector<64x8192xf32>
    %integer_pow3A_604 = arith.mulf %sub3A_603, %sub3A_603 : vector<64x8192xf32>
    %sub3A_605 = vector.broadcast %get3A_595 : vector<64x1xf32> to vector<64x8192xf32>
    %sub3A_606 = vector.broadcast %get3A_580 : vector<1x8192xf32> to vector<64x8192xf32>
    %sub3A_607 = arith.subf %sub3A_605, %sub3A_606 : vector<64x8192xf32>
    %integer_pow3A_608 = arith.mulf %sub3A_607, %sub3A_607 : vector<64x8192xf32>
    %add3A_609 = arith.addf %integer_pow3A_604, %integer_pow3A_608 : vector<64x8192xf32>
    %sub3A_610 = vector.broadcast %get3A_600 : vector<64x1xf32> to vector<64x8192xf32>
    %sub3A_611 = vector.broadcast %get3A_585 : vector<1x8192xf32> to vector<64x8192xf32>
    %sub3A_612 = arith.subf %sub3A_610, %sub3A_611 : vector<64x8192xf32>
    %integer_pow3A_613 = arith.mulf %sub3A_612, %sub3A_612 : vector<64x8192xf32>
    %add3A_614 = arith.addf %add3A_609, %integer_pow3A_613 : vector<64x8192xf32>
    %gt3A_615 = arith.constant 1.600000e+01 : f32
    %gt3A_616 = vector.broadcast %gt3A_615 : f32 to vector<64x8192xf32>
    %gt3A_617 = arith.cmpf ogt, %add3A_614, %gt3A_616 : vector<64x8192xf32>
    %not3A_618 = arith.constant dense<true> : vector<64x8192xi1>
    %not3A_619 = arith.xori %gt3A_617, %not3A_618 : vector<64x8192xi1>
    %broadcast_in_dim3A_620 = arith.constant 0.000000e+00 : f32
    %broadcast_in_dim3A_621 = vector.broadcast %broadcast_in_dim3A_620 : f32 to vector<64x1024xf32>
    %swap3A_622 = arith.constant 0 : index
    %swap3A_623 = arith.constant 0 : index
    %swap3A_624 = vector.load %arg10[%swap3A_622, %swap3A_623] : memref<64x1024xf32, #tpu.memory_space<vmem>>, vector<64x1024xf32>
    tpu.vector_store %arg10[%swap3A_622, %swap3A_623], %broadcast_in_dim3A_621 {strides = array<i32>} : memref<64x1024xf32, #tpu.memory_space<vmem>>, vector<64x1024xf32>,
    %jit3A_625 = arith.constant 8.192000e+03 : f32
    %broadcast_in_dim3A_626 = vector.broadcast %jit3A_625 : f32 to vector<64x8192xf32>
    %select_n3A_627 = arith.select %not3A_619, %convert_element_type3A, %broadcast_in_dim3A_626 : vector<64x8192xi1>, vector<64x8192xf32>
    %reduce_min3A_628 = arith.constant dense<0x7F800000> : vector<64xf32>
    %reduce_min3A_629 = vector.multi_reduction <minimumf>, %select_n3A_627, %reduce_min3A_628 [1] : vector<64x8192xf32> to vector<64xf32>
    %broadcast_in_dim3A_630 = vector.shape_cast %reduce_min3A_629 : vector<64xf32> to vector<64x1xf32>
    %eq3A_631 = arith.constant 8.192000e+03 : f32
    %eq3A_632 = vector.broadcast %eq3A_631 : f32 to vector<64x1xf32>
    %eq3A_633 = arith.cmpf oeq, %broadcast_in_dim3A_630, %eq3A_632 : vector<64x1xf32>
    %select_n3A_634 = arith.select %eq3A_633, %broadcast_in_dim3A_630, %broadcast_in_dim3A_630 : vector<64x1xi1>, vector<64x1xf32>
    %swap3A_635 = arith.constant 0 : index
    %swap3A_636 = arith.constant 0 : index
    %swap3A_637 = vector.load %arg10[%swap3A_635, %swap3A_636] : memref<64x1024xf32, #tpu.memory_space<vmem>>, vector<64x1xf32>
    tpu.vector_store %arg10[%swap3A_635, %swap3A_636], %select_n3A_634 {strides = array<i32>} : memref<64x1024xf32, #tpu.memory_space<vmem>>, vector<64x1xf32>,
    %eq3A_638 = vector.broadcast %broadcast_in_dim3A_630 : vector<64x1xf32> to vector<64x8192xf32>
    %eq3A_639 = arith.cmpf oeq, %select_n3A_627, %eq3A_638 : vector<64x8192xf32>
    %jit3A_640 = arith.constant 8.192000e+03 : f32
    %broadcast_in_dim3A_641 = vector.broadcast %jit3A_640 : f32 to vector<64x8192xf32>
    %select_n3A_642 = arith.select %eq3A_639, %broadcast_in_dim3A_641, %select_n3A_627 : vector<64x8192xi1>, vector<64x8192xf32>
    %reduce_min3A_643 = arith.constant dense<0x7F800000> : vector<64xf32>
    %reduce_min3A_644 = vector.multi_reduction <minimumf>, %select_n3A_642, %reduce_min3A_643 [1] : vector<64x8192xf32> to vector<64xf32>
    %broadcast_in_dim3A_645 = vector.shape_cast %reduce_min3A_644 : vector<64xf32> to vector<64x1xf32>
    %eq3A_646 = arith.constant 8.192000e+03 : f32
    %eq3A_647 = vector.broadcast %eq3A_646 : f32 to vector<64x1xf32>
    %eq3A_648 = arith.cmpf oeq, %broadcast_in_dim3A_645, %eq3A_647 : vector<64x1xf32>
    %select_n3A_649 = arith.select %eq3A_648, %broadcast_in_dim3A_630, %broadcast_in_dim3A_645 : vector<64x1xi1>, vector<64x1xf32>
    %swap3A_650 = arith.constant 0 : index
    %swap3A_651 = arith.constant 128 : index
    %swap3A_652 = vector.load %arg10[%swap3A_650, %swap3A_651] : memref<64x1024xf32, #tpu.memory_space<vmem>>, vector<64x1xf32>
    tpu.vector_store %arg10[%swap3A_650, %swap3A_651], %select_n3A_649 {strides = array<i32>} : memref<64x1024xf32, #tpu.memory_space<vmem>>, vector<64x1xf32>,
    %eq3A_653 = vector.broadcast %broadcast_in_dim3A_645 : vector<64x1xf32> to vector<64x8192xf32>
    %eq3A_654 = arith.cmpf oeq, %select_n3A_642, %eq3A_653 : vector<64x8192xf32>
    %jit3A_655 = arith.constant 8.192000e+03 : f32
    %broadcast_in_dim3A_656 = vector.broadcast %jit3A_655 : f32 to vector<64x8192xf32>
    %select_n3A_657 = arith.select %eq3A_654, %broadcast_in_dim3A_656, %select_n3A_642 : vector<64x8192xi1>, vector<64x8192xf32>
    %reduce_min3A_658 = arith.constant dense<0x7F800000> : vector<64xf32>
    %reduce_min3A_659 = vector.multi_reduction <minimumf>, %select_n3A_657, %reduce_min3A_658 [1] : vector<64x8192xf32> to vector<64xf32>
    %broadcast_in_dim3A_660 = vector.shape_cast %reduce_min3A_659 : vector<64xf32> to vector<64x1xf32>
    %eq3A_661 = arith.constant 8.192000e+03 : f32
    %eq3A_662 = vector.broadcast %eq3A_661 : f32 to vector<64x1xf32>
    %eq3A_663 = arith.cmpf oeq, %broadcast_in_dim3A_660, %eq3A_662 : vector<64x1xf32>
    %select_n3A_664 = arith.select %eq3A_663, %broadcast_in_dim3A_630, %broadcast_in_dim3A_660 : vector<64x1xi1>, vector<64x1xf32>
    %swap3A_665 = arith.constant 0 : index
    %swap3A_666 = arith.constant 256 : index
    %swap3A_667 = vector.load %arg10[%swap3A_665, %swap3A_666] : memref<64x1024xf32, #tpu.memory_space<vmem>>, vector<64x1xf32>
    tpu.vector_store %arg10[%swap3A_665, %swap3A_666], %select_n3A_664 {strides = array<i32>} : memref<64x1024xf32, #tpu.memory_space<vmem>>, vector<64x1xf32>,
    %eq3A_668 = vector.broadcast %broadcast_in_dim3A_660 : vector<64x1xf32> to vector<64x8192xf32>
    %eq3A_669 = arith.cmpf oeq, %select_n3A_657, %eq3A_668 : vector<64x8192xf32>
    %jit3A_670 = arith.constant 8.192000e+03 : f32
    %broadcast_in_dim3A_671 = vector.broadcast %jit3A_670 : f32 to vector<64x8192xf32>
    %select_n3A_672 = arith.select %eq3A_669, %broadcast_in_dim3A_671, %select_n3A_657 : vector<64x8192xi1>, vector<64x8192xf32>
    %reduce_min3A_673 = arith.constant dense<0x7F800000> : vector<64xf32>
    %reduce_min3A_674 = vector.multi_reduction <minimumf>, %select_n3A_672, %reduce_min3A_673 [1] : vector<64x8192xf32> to vector<64xf32>
    %broadcast_in_dim3A_675 = vector.shape_cast %reduce_min3A_674 : vector<64xf32> to vector<64x1xf32>
    %eq3A_676 = arith.constant 8.192000e+03 : f32
    %eq3A_677 = vector.broadcast %eq3A_676 : f32 to vector<64x1xf32>
    %eq3A_678 = arith.cmpf oeq, %broadcast_in_dim3A_675, %eq3A_677 : vector<64x1xf32>
    %select_n3A_679 = arith.select %eq3A_678, %broadcast_in_dim3A_630, %broadcast_in_dim3A_675 : vector<64x1xi1>, vector<64x1xf32>
    %swap3A_680 = arith.constant 0 : index
    %swap3A_681 = arith.constant 384 : index
    %swap3A_682 = vector.load %arg10[%swap3A_680, %swap3A_681] : memref<64x1024xf32, #tpu.memory_space<vmem>>, vector<64x1xf32>
    tpu.vector_store %arg10[%swap3A_680, %swap3A_681], %select_n3A_679 {strides = array<i32>} : memref<64x1024xf32, #tpu.memory_space<vmem>>, vector<64x1xf32>,
    %eq3A_683 = vector.broadcast %broadcast_in_dim3A_675 : vector<64x1xf32> to vector<64x8192xf32>
    %eq3A_684 = arith.cmpf oeq, %select_n3A_672, %eq3A_683 : vector<64x8192xf32>
    %jit3A_685 = arith.constant 8.192000e+03 : f32
    %broadcast_in_dim3A_686 = vector.broadcast %jit3A_685 : f32 to vector<64x8192xf32>
    %select_n3A_687 = arith.select %eq3A_684, %broadcast_in_dim3A_686, %select_n3A_672 : vector<64x8192xi1>, vector<64x8192xf32>
    %reduce_min3A_688 = arith.constant dense<0x7F800000> : vector<64xf32>
    %reduce_min3A_689 = vector.multi_reduction <minimumf>, %select_n3A_687, %reduce_min3A_688 [1] : vector<64x8192xf32> to vector<64xf32>
    %broadcast_in_dim3A_690 = vector.shape_cast %reduce_min3A_689 : vector<64xf32> to vector<64x1xf32>
    %eq3A_691 = arith.constant 8.192000e+03 : f32
    %eq3A_692 = vector.broadcast %eq3A_691 : f32 to vector<64x1xf32>
    %eq3A_693 = arith.cmpf oeq, %broadcast_in_dim3A_690, %eq3A_692 : vector<64x1xf32>
    %select_n3A_694 = arith.select %eq3A_693, %broadcast_in_dim3A_630, %broadcast_in_dim3A_690 : vector<64x1xi1>, vector<64x1xf32>
    %swap3A_695 = arith.constant 0 : index
    %swap3A_696 = arith.constant 512 : index
    %swap3A_697 = vector.load %arg10[%swap3A_695, %swap3A_696] : memref<64x1024xf32, #tpu.memory_space<vmem>>, vector<64x1xf32>
    tpu.vector_store %arg10[%swap3A_695, %swap3A_696], %select_n3A_694 {strides = array<i32>} : memref<64x1024xf32, #tpu.memory_space<vmem>>, vector<64x1xf32>,
    %eq3A_698 = vector.broadcast %broadcast_in_dim3A_690 : vector<64x1xf32> to vector<64x8192xf32>
    %eq3A_699 = arith.cmpf oeq, %select_n3A_687, %eq3A_698 : vector<64x8192xf32>
    %jit3A_700 = arith.constant 8.192000e+03 : f32
    %broadcast_in_dim3A_701 = vector.broadcast %jit3A_700 : f32 to vector<64x8192xf32>
    %select_n3A_702 = arith.select %eq3A_699, %broadcast_in_dim3A_701, %select_n3A_687 : vector<64x8192xi1>, vector<64x8192xf32>
    %reduce_min3A_703 = arith.constant dense<0x7F800000> : vector<64xf32>
    %reduce_min3A_704 = vector.multi_reduction <minimumf>, %select_n3A_702, %reduce_min3A_703 [1] : vector<64x8192xf32> to vector<64xf32>
    %broadcast_in_dim3A_705 = vector.shape_cast %reduce_min3A_704 : vector<64xf32> to vector<64x1xf32>
    %eq3A_706 = arith.constant 8.192000e+03 : f32
    %eq3A_707 = vector.broadcast %eq3A_706 : f32 to vector<64x1xf32>
    %eq3A_708 = arith.cmpf oeq, %broadcast_in_dim3A_705, %eq3A_707 : vector<64x1xf32>
    %select_n3A_709 = arith.select %eq3A_708, %broadcast_in_dim3A_630, %broadcast_in_dim3A_705 : vector<64x1xi1>, vector<64x1xf32>
    %swap3A_710 = arith.constant 0 : index
    %swap3A_711 = arith.constant 640 : index
    %swap3A_712 = vector.load %arg10[%swap3A_710, %swap3A_711] : memref<64x1024xf32, #tpu.memory_space<vmem>>, vector<64x1xf32>
    tpu.vector_store %arg10[%swap3A_710, %swap3A_711], %select_n3A_709 {strides = array<i32>} : memref<64x1024xf32, #tpu.memory_space<vmem>>, vector<64x1xf32>,
    %eq3A_713 = vector.broadcast %broadcast_in_dim3A_705 : vector<64x1xf32> to vector<64x8192xf32>
    %eq3A_714 = arith.cmpf oeq, %select_n3A_702, %eq3A_713 : vector<64x8192xf32>
    %jit3A_715 = arith.constant 8.192000e+03 : f32
    %broadcast_in_dim3A_716 = vector.broadcast %jit3A_715 : f32 to vector<64x8192xf32>
    %select_n3A_717 = arith.select %eq3A_714, %broadcast_in_dim3A_716, %select_n3A_702 : vector<64x8192xi1>, vector<64x8192xf32>
    %reduce_min3A_718 = arith.constant dense<0x7F800000> : vector<64xf32>
    %reduce_min3A_719 = vector.multi_reduction <minimumf>, %select_n3A_717, %reduce_min3A_718 [1] : vector<64x8192xf32> to vector<64xf32>
    %broadcast_in_dim3A_720 = vector.shape_cast %reduce_min3A_719 : vector<64xf32> to vector<64x1xf32>
    %eq3A_721 = arith.constant 8.192000e+03 : f32
    %eq3A_722 = vector.broadcast %eq3A_721 : f32 to vector<64x1xf32>
    %eq3A_723 = arith.cmpf oeq, %broadcast_in_dim3A_720, %eq3A_722 : vector<64x1xf32>
    %select_n3A_724 = arith.select %eq3A_723, %broadcast_in_dim3A_630, %broadcast_in_dim3A_720 : vector<64x1xi1>, vector<64x1xf32>
    %swap3A_725 = arith.constant 0 : index
    %swap3A_726 = arith.constant 768 : index
    %swap3A_727 = vector.load %arg10[%swap3A_725, %swap3A_726] : memref<64x1024xf32, #tpu.memory_space<vmem>>, vector<64x1xf32>
    tpu.vector_store %arg10[%swap3A_725, %swap3A_726], %select_n3A_724 {strides = array<i32>} : memref<64x1024xf32, #tpu.memory_space<vmem>>, vector<64x1xf32>,
    %eq3A_728 = vector.broadcast %broadcast_in_dim3A_720 : vector<64x1xf32> to vector<64x8192xf32>
    %eq3A_729 = arith.cmpf oeq, %select_n3A_717, %eq3A_728 : vector<64x8192xf32>
    %jit3A_730 = arith.constant 8.192000e+03 : f32
    %broadcast_in_dim3A_731 = vector.broadcast %jit3A_730 : f32 to vector<64x8192xf32>
    %select_n3A_732 = arith.select %eq3A_729, %broadcast_in_dim3A_731, %select_n3A_717 : vector<64x8192xi1>, vector<64x8192xf32>
    %reduce_min3A_733 = arith.constant dense<0x7F800000> : vector<64xf32>
    %reduce_min3A_734 = vector.multi_reduction <minimumf>, %select_n3A_732, %reduce_min3A_733 [1] : vector<64x8192xf32> to vector<64xf32>
    %broadcast_in_dim3A_735 = vector.shape_cast %reduce_min3A_734 : vector<64xf32> to vector<64x1xf32>
    %eq3A_736 = arith.constant 8.192000e+03 : f32
    %eq3A_737 = vector.broadcast %eq3A_736 : f32 to vector<64x1xf32>
    %eq3A_738 = arith.cmpf oeq, %broadcast_in_dim3A_735, %eq3A_737 : vector<64x1xf32>
    %select_n3A_739 = arith.select %eq3A_738, %broadcast_in_dim3A_630, %broadcast_in_dim3A_735 : vector<64x1xi1>, vector<64x1xf32>
    %swap3A_740 = arith.constant 0 : index
    %swap3A_741 = arith.constant 896 : index
    %swap3A_742 = vector.load %arg10[%swap3A_740, %swap3A_741] : memref<64x1024xf32, #tpu.memory_space<vmem>>, vector<64x1xf32>
    tpu.vector_store %arg10[%swap3A_740, %swap3A_741], %select_n3A_739 {strides = array<i32>} : memref<64x1024xf32, #tpu.memory_space<vmem>>, vector<64x1xf32>,
    %eq3A_743 = vector.broadcast %broadcast_in_dim3A_735 : vector<64x1xf32> to vector<64x8192xf32>
    %eq3A_744 = arith.cmpf oeq, %select_n3A_732, %eq3A_743 : vector<64x8192xf32>
    %jit3A_745 = arith.constant 8.192000e+03 : f32
    %broadcast_in_dim3A_746 = vector.broadcast %jit3A_745 : f32 to vector<64x8192xf32>
    %select_n3A_747 = arith.select %eq3A_744, %broadcast_in_dim3A_746, %select_n3A_732 : vector<64x8192xi1>, vector<64x8192xf32>
    %get3A_748 = arith.constant 0 : index
    %get3A_749 = arith.constant 0 : index
    %get3A_750 = vector.load %arg10[%get3A_748, %get3A_749] : memref<64x1024xf32, #tpu.memory_space<vmem>>, vector<64x1024xf32>
    %reshape3A_751 = vector.shape_cast %get3A_750 : vector<64x1024xf32> to vector<64x8x128xf32>
    %reduce_max3A_752 = arith.constant dense<0xFF800000> : vector<64x8xf32>
    %reduce_max3A_753 = vector.multi_reduction <maximumf>, %reshape3A_751, %reduce_max3A_752 [2] : vector<64x8x128xf32> to vector<64x8xf32>
    %convert_element_type3A_754 = arith.fptosi %reduce_max3A_753 : vector<64x8xf32> to vector<64x8xi32>
    %mul3A_755 = arith.constant 8192 : i32
    %mul3A_756 = arith.muli %add3A_570, %mul3A_755 : i32
    %add3A_757 = vector.broadcast %mul3A_756 : i32 to vector<64x8xi32>
    %add3A_758 = arith.addi %convert_element_type3A_754, %add3A_757 : vector<64x8xi32>
    %swap3A_759 = arith.constant 2 : index
    %swap3A_760 = arith.constant 0 : index
    %swap3A_761 = arith.constant 0 : index
    %swap3A_762 = vector.load %arg8[%swap3A_759, %swap3A_760, %swap3A_761] : memref<4x64x8xi32, #tpu.memory_space<vmem>>, vector<1x64x8xi32>
    %swap3A_763 = vector.shape_cast %swap3A_762 : vector<1x64x8xi32> to vector<64x8xi32>
    %swap3A_764 = vector.shape_cast %add3A_758 : vector<64x8xi32> to vector<1x64x8xi32>
    tpu.vector_store %arg8[%swap3A_759, %swap3A_760, %swap3A_761], %swap3A_764 {strides = array<i32>} : memref<4x64x8xi32, #tpu.memory_space<vmem>>, vector<1x64x8xi32>,
    %eq3A_765 = arith.constant 8.192000e+03 : f32
    %eq3A_766 = vector.broadcast %eq3A_765 : f32 to vector<64x8192xf32>
    %eq3A_767 = arith.cmpf oeq, %select_n3A_747, %eq3A_766 : vector<64x8192xf32>
    %and3A_768 = arith.andi %not3A_619, %eq3A_767 : vector<64x8192xi1>
    %jit3A_769 = arith.constant 1.000000e+00 : f32
    %jit3A_770 = arith.constant 0.000000e+00 : f32
    %broadcast_in_dim3A_771 = vector.broadcast %jit3A_769 : f32 to vector<64x8192xf32>
    %broadcast_in_dim3A_772 = vector.broadcast %jit3A_770 : f32 to vector<64x8192xf32>
    %select_n3A_773 = arith.select %and3A_768, %broadcast_in_dim3A_771, %broadcast_in_dim3A_772 : vector<64x8192xi1>, vector<64x8192xf32>
    %eq3A_774 = vector.broadcast %broadcast_in_dim3A_630 : vector<64x1xf32> to vector<64x8192xf32>
    %eq3A_775 = arith.cmpf oeq, %convert_element_type3A, %eq3A_774 : vector<64x8192xf32>
    %jit3A_776 = arith.constant 1.000000e+00 : f32
    %jit3A_777 = arith.constant 0.000000e+00 : f32
    %broadcast_in_dim3A_778 = vector.broadcast %jit3A_776 : f32 to vector<64x8192xf32>
    %broadcast_in_dim3A_779 = vector.broadcast %jit3A_777 : f32 to vector<64x8192xf32>
    %select_n3A_780 = arith.select %eq3A_775, %broadcast_in_dim3A_778, %broadcast_in_dim3A_779 : vector<64x8192xi1>, vector<64x8192xf32>
    %concatenate3A_781 = tpu.concatenate %select_n3A_773, %select_n3A_780 in 0 : vector<64x8192xf32>, vector<64x8192xf32> -> vector<128x8192xf32>
    %get3A_782 = arith.constant 2 : index
    %get3A_783 = arith.constant 0 : index
    %get3A_784 = arith.constant 0 : index
    %get3A_785 = vector.load %arg7[%get3A_782, %get3A_783, %get3A_784] : memref<4x4x8192xf32, #tpu.memory_space<vmem>>, vector<1x4x8192xf32>
    %get3A_786 = vector.shape_cast %get3A_785 : vector<1x4x8192xf32> to vector<4x8192xf32>
    %dot_general3A_787 = arith.constant dense<0.000000e+00> : vector<128x4xf32>
    %dot_general3A_788 = tpu.matmul %concatenate3A_781, %get3A_786, %dot_general3A_787 {dimension_numbers = #tpu.dot_dimension_numbers<[1], [1], [0], [0], [0, 0, 1, 0], [], []>, transpose_lhs_hint = false} : vector<128x8192xf32>, vector<4x8192xf32>, vector<128x4xf32> -> vector<128x4xf32>
    %slice3A_789 = vector.extract_strided_slice %dot_general3A_788 {offsets = [0, 0], sizes = [64, 4], strides = [1, 1]} : vector<128x4xf32> to vector<64x4xf32>
    %slice3A_790 = vector.extract_strided_slice %dot_general3A_788 {offsets = [64, 0], sizes = [64, 4], strides = [1, 1]} : vector<128x4xf32> to vector<64x4xf32>
    %slice3A_791 = vector.extract_strided_slice %slice3A_789 {offsets = [0, 3], sizes = [64, 1], strides = [1, 1]} : vector<64x4xf32> to vector<64x1xf32>
    %broadcast_in_dim3A_792 = arith.constant -1.000000e+30 : f32
    %broadcast_in_dim3A_793 = vector.broadcast %broadcast_in_dim3A_792 : f32 to vector<64x1024xf32>
    %swap3A_794 = arith.constant 0 : index
    %swap3A_795 = arith.constant 0 : index
    %swap3A_796 = vector.load %arg11[%swap3A_794, %swap3A_795] : memref<64x1024xf32, #tpu.memory_space<vmem>>, vector<64x1024xf32>
    tpu.vector_store %arg11[%swap3A_794, %swap3A_795], %broadcast_in_dim3A_793 {strides = array<i32>} : memref<64x1024xf32, #tpu.memory_space<vmem>>, vector<64x1024xf32>,
    %swap3A_797 = arith.constant 0 : index
    %swap3A_798 = arith.constant 0 : index
    %swap3A_799 = vector.load %arg11[%swap3A_797, %swap3A_798] : memref<64x1024xf32, #tpu.memory_space<vmem>>, vector<64x1xf32>
    tpu.vector_store %arg11[%swap3A_797, %swap3A_798], %get3A_590 {strides = array<i32>} : memref<64x1024xf32, #tpu.memory_space<vmem>>, vector<64x1xf32>,
    %swap3A_800 = arith.constant 0 : index
    %swap3A_801 = arith.constant 128 : index
    %swap3A_802 = vector.load %arg11[%swap3A_800, %swap3A_801] : memref<64x1024xf32, #tpu.memory_space<vmem>>, vector<64x1xf32>
    tpu.vector_store %arg11[%swap3A_800, %swap3A_801], %get3A_595 {strides = array<i32>} : memref<64x1024xf32, #tpu.memory_space<vmem>>, vector<64x1xf32>,
    %swap3A_803 = arith.constant 0 : index
    %swap3A_804 = arith.constant 256 : index
    %swap3A_805 = vector.load %arg11[%swap3A_803, %swap3A_804] : memref<64x1024xf32, #tpu.memory_space<vmem>>, vector<64x1xf32>
    tpu.vector_store %arg11[%swap3A_803, %swap3A_804], %get3A_600 {strides = array<i32>} : memref<64x1024xf32, #tpu.memory_space<vmem>>, vector<64x1xf32>,
    %slice3A_806 = vector.extract_strided_slice %slice3A_789 {offsets = [0, 0], sizes = [64, 1], strides = [1, 1]} : vector<64x4xf32> to vector<64x1xf32>
    %sub3A_807 = arith.constant 8.000000e+00 : f32
    %sub3A_808 = vector.broadcast %sub3A_807 : f32 to vector<64x1xf32>
    %sub3A_809 = arith.subf %sub3A_808, %slice3A_791 : vector<64x1xf32>
    %slice3A_810 = vector.extract_strided_slice %slice3A_790 {offsets = [0, 0], sizes = [64, 1], strides = [1, 1]} : vector<64x4xf32> to vector<64x1xf32>
    %mul3A_811 = arith.mulf %sub3A_809, %slice3A_810 : vector<64x1xf32>
    %add3A_812 = arith.addf %slice3A_806, %mul3A_811 : vector<64x1xf32>
    %mul3A_813 = arith.constant 1.250000e-01 : f32
    %mul3A_814 = vector.broadcast %mul3A_813 : f32 to vector<64x1xf32>
    %mul3A_815 = arith.mulf %add3A_812, %mul3A_814 : vector<64x1xf32>
    %sub3A_816 = arith.subf %mul3A_815, %get3A_590 : vector<64x1xf32>
    %swap3A_817 = arith.constant 0 : index
    %swap3A_818 = arith.constant 384 : index
    %swap3A_819 = vector.load %arg11[%swap3A_817, %swap3A_818] : memref<64x1024xf32, #tpu.memory_space<vmem>>, vector<64x1xf32>
    tpu.vector_store %arg11[%swap3A_817, %swap3A_818], %sub3A_816 {strides = array<i32>} : memref<64x1024xf32, #tpu.memory_space<vmem>>, vector<64x1xf32>,
    %slice3A_820 = vector.extract_strided_slice %slice3A_789 {offsets = [0, 1], sizes = [64, 1], strides = [1, 1]} : vector<64x4xf32> to vector<64x1xf32>
    %sub3A_821 = arith.constant 8.000000e+00 : f32
    %sub3A_822 = vector.broadcast %sub3A_821 : f32 to vector<64x1xf32>
    %sub3A_823 = arith.subf %sub3A_822, %slice3A_791 : vector<64x1xf32>
    %slice3A_824 = vector.extract_strided_slice %slice3A_790 {offsets = [0, 1], sizes = [64, 1], strides = [1, 1]} : vector<64x4xf32> to vector<64x1xf32>
    %mul3A_825 = arith.mulf %sub3A_823, %slice3A_824 : vector<64x1xf32>
    %add3A_826 = arith.addf %slice3A_820, %mul3A_825 : vector<64x1xf32>
    %mul3A_827 = arith.constant 1.250000e-01 : f32
    %mul3A_828 = vector.broadcast %mul3A_827 : f32 to vector<64x1xf32>
    %mul3A_829 = arith.mulf %add3A_826, %mul3A_828 : vector<64x1xf32>
    %sub3A_830 = arith.subf %mul3A_829, %get3A_595 : vector<64x1xf32>
    %swap3A_831 = arith.constant 0 : index
    %swap3A_832 = arith.constant 512 : index
    %swap3A_833 = vector.load %arg11[%swap3A_831, %swap3A_832] : memref<64x1024xf32, #tpu.memory_space<vmem>>, vector<64x1xf32>
    tpu.vector_store %arg11[%swap3A_831, %swap3A_832], %sub3A_830 {strides = array<i32>} : memref<64x1024xf32, #tpu.memory_space<vmem>>, vector<64x1xf32>,
    %slice3A_834 = vector.extract_strided_slice %slice3A_789 {offsets = [0, 2], sizes = [64, 1], strides = [1, 1]} : vector<64x4xf32> to vector<64x1xf32>
    %sub3A_835 = arith.constant 8.000000e+00 : f32
    %sub3A_836 = vector.broadcast %sub3A_835 : f32 to vector<64x1xf32>
    %sub3A_837 = arith.subf %sub3A_836, %slice3A_791 : vector<64x1xf32>
    %slice3A_838 = vector.extract_strided_slice %slice3A_790 {offsets = [0, 2], sizes = [64, 1], strides = [1, 1]} : vector<64x4xf32> to vector<64x1xf32>
    %mul3A_839 = arith.mulf %sub3A_837, %slice3A_838 : vector<64x1xf32>
    %add3A_840 = arith.addf %slice3A_834, %mul3A_839 : vector<64x1xf32>
    %mul3A_841 = arith.constant 1.250000e-01 : f32
    %mul3A_842 = vector.broadcast %mul3A_841 : f32 to vector<64x1xf32>
    %mul3A_843 = arith.mulf %add3A_840, %mul3A_842 : vector<64x1xf32>
    %sub3A_844 = arith.subf %mul3A_843, %get3A_600 : vector<64x1xf32>
    %swap3A_845 = arith.constant 0 : index
    %swap3A_846 = arith.constant 640 : index
    %swap3A_847 = vector.load %arg11[%swap3A_845, %swap3A_846] : memref<64x1024xf32, #tpu.memory_space<vmem>>, vector<64x1xf32>
    tpu.vector_store %arg11[%swap3A_845, %swap3A_846], %sub3A_844 {strides = array<i32>} : memref<64x1024xf32, #tpu.memory_space<vmem>>, vector<64x1xf32>,
    %get3A_848 = arith.constant 0 : index
    %get3A_849 = arith.constant 0 : index
    %get3A_850 = vector.load %arg11[%get3A_848, %get3A_849] : memref<64x1024xf32, #tpu.memory_space<vmem>>, vector<64x1024xf32>
    %reshape3A_851 = vector.shape_cast %get3A_850 : vector<64x1024xf32> to vector<64x8x128xf32>
    %reduce_max3A_852 = arith.constant dense<0xFF800000> : vector<64x8xf32>
    %reduce_max3A_853 = vector.multi_reduction <maximumf>, %reshape3A_851, %reduce_max3A_852 [2] : vector<64x8x128xf32> to vector<64x8xf32>
    %swap3A_854 = arith.constant 2 : index
    %swap3A_855 = arith.constant 0 : index
    %swap3A_856 = arith.constant 0 : index
    %swap3A_857 = vector.load %arg9[%swap3A_854, %swap3A_855, %swap3A_856] : memref<4x64x8xf32, #tpu.memory_space<vmem>>, vector<1x64x8xf32>
    %swap3A_858 = vector.shape_cast %swap3A_857 : vector<1x64x8xf32> to vector<64x8xf32>
    %swap3A_859 = vector.shape_cast %reduce_max3A_853 : vector<64x8xf32> to vector<1x64x8xf32>
    tpu.vector_store %arg9[%swap3A_854, %swap3A_855, %swap3A_856], %swap3A_859 {strides = array<i32>} : memref<4x64x8xf32, #tpu.memory_space<vmem>>, vector<1x64x8xf32>,
    %mul3A_860 = arith.constant 4 : i32
    %mul3A_861 = arith.muli %arg0, %mul3A_860 : i32
    %add3A_862 = arith.constant 3 : i32
    %add3A_863 = arith.addi %mul3A_861, %add3A_862 : i32
    %get3A_864 = arith.constant 3 : index
    %get3A_865 = arith.constant 0 : index
    %get3A_866 = arith.constant 0 : index
    %get3A_867 = vector.load %arg1[%get3A_864, %get3A_865, %get3A_866] : memref<4x1x8192xf32, #tpu.memory_space<vmem>>, vector<1x1x8192xf32>
    %get3A_868 = vector.shape_cast %get3A_867 : vector<1x1x8192xf32> to vector<1x8192xf32>
    %get3A_869 = arith.constant 3 : index
    %get3A_870 = arith.constant 0 : index
    %get3A_871 = arith.constant 0 : index
    %get3A_872 = vector.load %arg2[%get3A_869, %get3A_870, %get3A_871] : memref<4x1x8192xf32, #tpu.memory_space<vmem>>, vector<1x1x8192xf32>
    %get3A_873 = vector.shape_cast %get3A_872 : vector<1x1x8192xf32> to vector<1x8192xf32>
    %get3A_874 = arith.constant 3 : index
    %get3A_875 = arith.constant 0 : index
    %get3A_876 = arith.constant 0 : index
    %get3A_877 = vector.load %arg3[%get3A_874, %get3A_875, %get3A_876] : memref<4x1x8192xf32, #tpu.memory_space<vmem>>, vector<1x1x8192xf32>
    %get3A_878 = vector.shape_cast %get3A_877 : vector<1x1x8192xf32> to vector<1x8192xf32>
    %get3A_879 = arith.constant 3 : index
    %get3A_880 = arith.constant 0 : index
    %get3A_881 = arith.constant 0 : index
    %get3A_882 = vector.load %arg4[%get3A_879, %get3A_880, %get3A_881] : memref<4x64x1xf32, #tpu.memory_space<vmem>>, vector<1x64x1xf32>
    %get3A_883 = vector.shape_cast %get3A_882 : vector<1x64x1xf32> to vector<64x1xf32>
    %get3A_884 = arith.constant 3 : index
    %get3A_885 = arith.constant 0 : index
    %get3A_886 = arith.constant 0 : index
    %get3A_887 = vector.load %arg5[%get3A_884, %get3A_885, %get3A_886] : memref<4x64x1xf32, #tpu.memory_space<vmem>>, vector<1x64x1xf32>
    %get3A_888 = vector.shape_cast %get3A_887 : vector<1x64x1xf32> to vector<64x1xf32>
    %get3A_889 = arith.constant 3 : index
    %get3A_890 = arith.constant 0 : index
    %get3A_891 = arith.constant 0 : index
    %get3A_892 = vector.load %arg6[%get3A_889, %get3A_890, %get3A_891] : memref<4x64x1xf32, #tpu.memory_space<vmem>>, vector<1x64x1xf32>
    %get3A_893 = vector.shape_cast %get3A_892 : vector<1x64x1xf32> to vector<64x1xf32>
    %sub3A_894 = vector.broadcast %get3A_883 : vector<64x1xf32> to vector<64x8192xf32>
    %sub3A_895 = vector.broadcast %get3A_868 : vector<1x8192xf32> to vector<64x8192xf32>
    %sub3A_896 = arith.subf %sub3A_894, %sub3A_895 : vector<64x8192xf32>
    %integer_pow3A_897 = arith.mulf %sub3A_896, %sub3A_896 : vector<64x8192xf32>
    %sub3A_898 = vector.broadcast %get3A_888 : vector<64x1xf32> to vector<64x8192xf32>
    %sub3A_899 = vector.broadcast %get3A_873 : vector<1x8192xf32> to vector<64x8192xf32>
    %sub3A_900 = arith.subf %sub3A_898, %sub3A_899 : vector<64x8192xf32>
    %integer_pow3A_901 = arith.mulf %sub3A_900, %sub3A_900 : vector<64x8192xf32>
    %add3A_902 = arith.addf %integer_pow3A_897, %integer_pow3A_901 : vector<64x8192xf32>
    %sub3A_903 = vector.broadcast %get3A_893 : vector<64x1xf32> to vector<64x8192xf32>
    %sub3A_904 = vector.broadcast %get3A_878 : vector<1x8192xf32> to vector<64x8192xf32>
    %sub3A_905 = arith.subf %sub3A_903, %sub3A_904 : vector<64x8192xf32>
    %integer_pow3A_906 = arith.mulf %sub3A_905, %sub3A_905 : vector<64x8192xf32>
    %add3A_907 = arith.addf %add3A_902, %integer_pow3A_906 : vector<64x8192xf32>
    %gt3A_908 = arith.constant 1.600000e+01 : f32
    %gt3A_909 = vector.broadcast %gt3A_908 : f32 to vector<64x8192xf32>
    %gt3A_910 = arith.cmpf ogt, %add3A_907, %gt3A_909 : vector<64x8192xf32>
    %not3A_911 = arith.constant dense<true> : vector<64x8192xi1>
    %not3A_912 = arith.xori %gt3A_910, %not3A_911 : vector<64x8192xi1>
    %broadcast_in_dim3A_913 = arith.constant 0.000000e+00 : f32
    %broadcast_in_dim3A_914 = vector.broadcast %broadcast_in_dim3A_913 : f32 to vector<64x1024xf32>
    %swap3A_915 = arith.constant 0 : index
    %swap3A_916 = arith.constant 0 : index
    %swap3A_917 = vector.load %arg10[%swap3A_915, %swap3A_916] : memref<64x1024xf32, #tpu.memory_space<vmem>>, vector<64x1024xf32>
    tpu.vector_store %arg10[%swap3A_915, %swap3A_916], %broadcast_in_dim3A_914 {strides = array<i32>} : memref<64x1024xf32, #tpu.memory_space<vmem>>, vector<64x1024xf32>,
    %jit3A_918 = arith.constant 8.192000e+03 : f32
    %broadcast_in_dim3A_919 = vector.broadcast %jit3A_918 : f32 to vector<64x8192xf32>
    %select_n3A_920 = arith.select %not3A_912, %convert_element_type3A, %broadcast_in_dim3A_919 : vector<64x8192xi1>, vector<64x8192xf32>
    %reduce_min3A_921 = arith.constant dense<0x7F800000> : vector<64xf32>
    %reduce_min3A_922 = vector.multi_reduction <minimumf>, %select_n3A_920, %reduce_min3A_921 [1] : vector<64x8192xf32> to vector<64xf32>
    %broadcast_in_dim3A_923 = vector.shape_cast %reduce_min3A_922 : vector<64xf32> to vector<64x1xf32>
    %eq3A_924 = arith.constant 8.192000e+03 : f32
    %eq3A_925 = vector.broadcast %eq3A_924 : f32 to vector<64x1xf32>
    %eq3A_926 = arith.cmpf oeq, %broadcast_in_dim3A_923, %eq3A_925 : vector<64x1xf32>
    %select_n3A_927 = arith.select %eq3A_926, %broadcast_in_dim3A_923, %broadcast_in_dim3A_923 : vector<64x1xi1>, vector<64x1xf32>
    %swap3A_928 = arith.constant 0 : index
    %swap3A_929 = arith.constant 0 : index
    %swap3A_930 = vector.load %arg10[%swap3A_928, %swap3A_929] : memref<64x1024xf32, #tpu.memory_space<vmem>>, vector<64x1xf32>
    tpu.vector_store %arg10[%swap3A_928, %swap3A_929], %select_n3A_927 {strides = array<i32>} : memref<64x1024xf32, #tpu.memory_space<vmem>>, vector<64x1xf32>,
    %eq3A_931 = vector.broadcast %broadcast_in_dim3A_923 : vector<64x1xf32> to vector<64x8192xf32>
    %eq3A_932 = arith.cmpf oeq, %select_n3A_920, %eq3A_931 : vector<64x8192xf32>
    %jit3A_933 = arith.constant 8.192000e+03 : f32
    %broadcast_in_dim3A_934 = vector.broadcast %jit3A_933 : f32 to vector<64x8192xf32>
    %select_n3A_935 = arith.select %eq3A_932, %broadcast_in_dim3A_934, %select_n3A_920 : vector<64x8192xi1>, vector<64x8192xf32>
    %reduce_min3A_936 = arith.constant dense<0x7F800000> : vector<64xf32>
    %reduce_min3A_937 = vector.multi_reduction <minimumf>, %select_n3A_935, %reduce_min3A_936 [1] : vector<64x8192xf32> to vector<64xf32>
    %broadcast_in_dim3A_938 = vector.shape_cast %reduce_min3A_937 : vector<64xf32> to vector<64x1xf32>
    %eq3A_939 = arith.constant 8.192000e+03 : f32
    %eq3A_940 = vector.broadcast %eq3A_939 : f32 to vector<64x1xf32>
    %eq3A_941 = arith.cmpf oeq, %broadcast_in_dim3A_938, %eq3A_940 : vector<64x1xf32>
    %select_n3A_942 = arith.select %eq3A_941, %broadcast_in_dim3A_923, %broadcast_in_dim3A_938 : vector<64x1xi1>, vector<64x1xf32>
    %swap3A_943 = arith.constant 0 : index
    %swap3A_944 = arith.constant 128 : index
    %swap3A_945 = vector.load %arg10[%swap3A_943, %swap3A_944] : memref<64x1024xf32, #tpu.memory_space<vmem>>, vector<64x1xf32>
    tpu.vector_store %arg10[%swap3A_943, %swap3A_944], %select_n3A_942 {strides = array<i32>} : memref<64x1024xf32, #tpu.memory_space<vmem>>, vector<64x1xf32>,
    %eq3A_946 = vector.broadcast %broadcast_in_dim3A_938 : vector<64x1xf32> to vector<64x8192xf32>
    %eq3A_947 = arith.cmpf oeq, %select_n3A_935, %eq3A_946 : vector<64x8192xf32>
    %jit3A_948 = arith.constant 8.192000e+03 : f32
    %broadcast_in_dim3A_949 = vector.broadcast %jit3A_948 : f32 to vector<64x8192xf32>
    %select_n3A_950 = arith.select %eq3A_947, %broadcast_in_dim3A_949, %select_n3A_935 : vector<64x8192xi1>, vector<64x8192xf32>
    %reduce_min3A_951 = arith.constant dense<0x7F800000> : vector<64xf32>
    %reduce_min3A_952 = vector.multi_reduction <minimumf>, %select_n3A_950, %reduce_min3A_951 [1] : vector<64x8192xf32> to vector<64xf32>
    %broadcast_in_dim3A_953 = vector.shape_cast %reduce_min3A_952 : vector<64xf32> to vector<64x1xf32>
    %eq3A_954 = arith.constant 8.192000e+03 : f32
    %eq3A_955 = vector.broadcast %eq3A_954 : f32 to vector<64x1xf32>
    %eq3A_956 = arith.cmpf oeq, %broadcast_in_dim3A_953, %eq3A_955 : vector<64x1xf32>
    %select_n3A_957 = arith.select %eq3A_956, %broadcast_in_dim3A_923, %broadcast_in_dim3A_953 : vector<64x1xi1>, vector<64x1xf32>
    %swap3A_958 = arith.constant 0 : index
    %swap3A_959 = arith.constant 256 : index
    %swap3A_960 = vector.load %arg10[%swap3A_958, %swap3A_959] : memref<64x1024xf32, #tpu.memory_space<vmem>>, vector<64x1xf32>
    tpu.vector_store %arg10[%swap3A_958, %swap3A_959], %select_n3A_957 {strides = array<i32>} : memref<64x1024xf32, #tpu.memory_space<vmem>>, vector<64x1xf32>,
    %eq3A_961 = vector.broadcast %broadcast_in_dim3A_953 : vector<64x1xf32> to vector<64x8192xf32>
    %eq3A_962 = arith.cmpf oeq, %select_n3A_950, %eq3A_961 : vector<64x8192xf32>
    %jit3A_963 = arith.constant 8.192000e+03 : f32
    %broadcast_in_dim3A_964 = vector.broadcast %jit3A_963 : f32 to vector<64x8192xf32>
    %select_n3A_965 = arith.select %eq3A_962, %broadcast_in_dim3A_964, %select_n3A_950 : vector<64x8192xi1>, vector<64x8192xf32>
    %reduce_min3A_966 = arith.constant dense<0x7F800000> : vector<64xf32>
    %reduce_min3A_967 = vector.multi_reduction <minimumf>, %select_n3A_965, %reduce_min3A_966 [1] : vector<64x8192xf32> to vector<64xf32>
    %broadcast_in_dim3A_968 = vector.shape_cast %reduce_min3A_967 : vector<64xf32> to vector<64x1xf32>
    %eq3A_969 = arith.constant 8.192000e+03 : f32
    %eq3A_970 = vector.broadcast %eq3A_969 : f32 to vector<64x1xf32>
    %eq3A_971 = arith.cmpf oeq, %broadcast_in_dim3A_968, %eq3A_970 : vector<64x1xf32>
    %select_n3A_972 = arith.select %eq3A_971, %broadcast_in_dim3A_923, %broadcast_in_dim3A_968 : vector<64x1xi1>, vector<64x1xf32>
    %swap3A_973 = arith.constant 0 : index
    %swap3A_974 = arith.constant 384 : index
    %swap3A_975 = vector.load %arg10[%swap3A_973, %swap3A_974] : memref<64x1024xf32, #tpu.memory_space<vmem>>, vector<64x1xf32>
    tpu.vector_store %arg10[%swap3A_973, %swap3A_974], %select_n3A_972 {strides = array<i32>} : memref<64x1024xf32, #tpu.memory_space<vmem>>, vector<64x1xf32>,
    %eq3A_976 = vector.broadcast %broadcast_in_dim3A_968 : vector<64x1xf32> to vector<64x8192xf32>
    %eq3A_977 = arith.cmpf oeq, %select_n3A_965, %eq3A_976 : vector<64x8192xf32>
    %jit3A_978 = arith.constant 8.192000e+03 : f32
    %broadcast_in_dim3A_979 = vector.broadcast %jit3A_978 : f32 to vector<64x8192xf32>
    %select_n3A_980 = arith.select %eq3A_977, %broadcast_in_dim3A_979, %select_n3A_965 : vector<64x8192xi1>, vector<64x8192xf32>
    %reduce_min3A_981 = arith.constant dense<0x7F800000> : vector<64xf32>
    %reduce_min3A_982 = vector.multi_reduction <minimumf>, %select_n3A_980, %reduce_min3A_981 [1] : vector<64x8192xf32> to vector<64xf32>
    %broadcast_in_dim3A_983 = vector.shape_cast %reduce_min3A_982 : vector<64xf32> to vector<64x1xf32>
    %eq3A_984 = arith.constant 8.192000e+03 : f32
    %eq3A_985 = vector.broadcast %eq3A_984 : f32 to vector<64x1xf32>
    %eq3A_986 = arith.cmpf oeq, %broadcast_in_dim3A_983, %eq3A_985 : vector<64x1xf32>
    %select_n3A_987 = arith.select %eq3A_986, %broadcast_in_dim3A_923, %broadcast_in_dim3A_983 : vector<64x1xi1>, vector<64x1xf32>
    %swap3A_988 = arith.constant 0 : index
    %swap3A_989 = arith.constant 512 : index
    %swap3A_990 = vector.load %arg10[%swap3A_988, %swap3A_989] : memref<64x1024xf32, #tpu.memory_space<vmem>>, vector<64x1xf32>
    tpu.vector_store %arg10[%swap3A_988, %swap3A_989], %select_n3A_987 {strides = array<i32>} : memref<64x1024xf32, #tpu.memory_space<vmem>>, vector<64x1xf32>,
    %eq3A_991 = vector.broadcast %broadcast_in_dim3A_983 : vector<64x1xf32> to vector<64x8192xf32>
    %eq3A_992 = arith.cmpf oeq, %select_n3A_980, %eq3A_991 : vector<64x8192xf32>
    %jit3A_993 = arith.constant 8.192000e+03 : f32
    %broadcast_in_dim3A_994 = vector.broadcast %jit3A_993 : f32 to vector<64x8192xf32>
    %select_n3A_995 = arith.select %eq3A_992, %broadcast_in_dim3A_994, %select_n3A_980 : vector<64x8192xi1>, vector<64x8192xf32>
    %reduce_min3A_996 = arith.constant dense<0x7F800000> : vector<64xf32>
    %reduce_min3A_997 = vector.multi_reduction <minimumf>, %select_n3A_995, %reduce_min3A_996 [1] : vector<64x8192xf32> to vector<64xf32>
    %broadcast_in_dim3A_998 = vector.shape_cast %reduce_min3A_997 : vector<64xf32> to vector<64x1xf32>
    %eq3A_999 = arith.constant 8.192000e+03 : f32
    %eq3A_1000 = vector.broadcast %eq3A_999 : f32 to vector<64x1xf32>
    %eq3A_1001 = arith.cmpf oeq, %broadcast_in_dim3A_998, %eq3A_1000 : vector<64x1xf32>
    %select_n3A_1002 = arith.select %eq3A_1001, %broadcast_in_dim3A_923, %broadcast_in_dim3A_998 : vector<64x1xi1>, vector<64x1xf32>
    %swap3A_1003 = arith.constant 0 : index
    %swap3A_1004 = arith.constant 640 : index
    %swap3A_1005 = vector.load %arg10[%swap3A_1003, %swap3A_1004] : memref<64x1024xf32, #tpu.memory_space<vmem>>, vector<64x1xf32>
    tpu.vector_store %arg10[%swap3A_1003, %swap3A_1004], %select_n3A_1002 {strides = array<i32>} : memref<64x1024xf32, #tpu.memory_space<vmem>>, vector<64x1xf32>,
    %eq3A_1006 = vector.broadcast %broadcast_in_dim3A_998 : vector<64x1xf32> to vector<64x8192xf32>
    %eq3A_1007 = arith.cmpf oeq, %select_n3A_995, %eq3A_1006 : vector<64x8192xf32>
    %jit3A_1008 = arith.constant 8.192000e+03 : f32
    %broadcast_in_dim3A_1009 = vector.broadcast %jit3A_1008 : f32 to vector<64x8192xf32>
    %select_n3A_1010 = arith.select %eq3A_1007, %broadcast_in_dim3A_1009, %select_n3A_995 : vector<64x8192xi1>, vector<64x8192xf32>
    %reduce_min3A_1011 = arith.constant dense<0x7F800000> : vector<64xf32>
    %reduce_min3A_1012 = vector.multi_reduction <minimumf>, %select_n3A_1010, %reduce_min3A_1011 [1] : vector<64x8192xf32> to vector<64xf32>
    %broadcast_in_dim3A_1013 = vector.shape_cast %reduce_min3A_1012 : vector<64xf32> to vector<64x1xf32>
    %eq3A_1014 = arith.constant 8.192000e+03 : f32
    %eq3A_1015 = vector.broadcast %eq3A_1014 : f32 to vector<64x1xf32>
    %eq3A_1016 = arith.cmpf oeq, %broadcast_in_dim3A_1013, %eq3A_1015 : vector<64x1xf32>
    %select_n3A_1017 = arith.select %eq3A_1016, %broadcast_in_dim3A_923, %broadcast_in_dim3A_1013 : vector<64x1xi1>, vector<64x1xf32>
    %swap3A_1018 = arith.constant 0 : index
    %swap3A_1019 = arith.constant 768 : index
    %swap3A_1020 = vector.load %arg10[%swap3A_1018, %swap3A_1019] : memref<64x1024xf32, #tpu.memory_space<vmem>>, vector<64x1xf32>
    tpu.vector_store %arg10[%swap3A_1018, %swap3A_1019], %select_n3A_1017 {strides = array<i32>} : memref<64x1024xf32, #tpu.memory_space<vmem>>, vector<64x1xf32>,
    %eq3A_1021 = vector.broadcast %broadcast_in_dim3A_1013 : vector<64x1xf32> to vector<64x8192xf32>
    %eq3A_1022 = arith.cmpf oeq, %select_n3A_1010, %eq3A_1021 : vector<64x8192xf32>
    %jit3A_1023 = arith.constant 8.192000e+03 : f32
    %broadcast_in_dim3A_1024 = vector.broadcast %jit3A_1023 : f32 to vector<64x8192xf32>
    %select_n3A_1025 = arith.select %eq3A_1022, %broadcast_in_dim3A_1024, %select_n3A_1010 : vector<64x8192xi1>, vector<64x8192xf32>
    %reduce_min3A_1026 = arith.constant dense<0x7F800000> : vector<64xf32>
    %reduce_min3A_1027 = vector.multi_reduction <minimumf>, %select_n3A_1025, %reduce_min3A_1026 [1] : vector<64x8192xf32> to vector<64xf32>
    %broadcast_in_dim3A_1028 = vector.shape_cast %reduce_min3A_1027 : vector<64xf32> to vector<64x1xf32>
    %eq3A_1029 = arith.constant 8.192000e+03 : f32
    %eq3A_1030 = vector.broadcast %eq3A_1029 : f32 to vector<64x1xf32>
    %eq3A_1031 = arith.cmpf oeq, %broadcast_in_dim3A_1028, %eq3A_1030 : vector<64x1xf32>
    %select_n3A_1032 = arith.select %eq3A_1031, %broadcast_in_dim3A_923, %broadcast_in_dim3A_1028 : vector<64x1xi1>, vector<64x1xf32>
    %swap3A_1033 = arith.constant 0 : index
    %swap3A_1034 = arith.constant 896 : index
    %swap3A_1035 = vector.load %arg10[%swap3A_1033, %swap3A_1034] : memref<64x1024xf32, #tpu.memory_space<vmem>>, vector<64x1xf32>
    tpu.vector_store %arg10[%swap3A_1033, %swap3A_1034], %select_n3A_1032 {strides = array<i32>} : memref<64x1024xf32, #tpu.memory_space<vmem>>, vector<64x1xf32>,
    %eq3A_1036 = vector.broadcast %broadcast_in_dim3A_1028 : vector<64x1xf32> to vector<64x8192xf32>
    %eq3A_1037 = arith.cmpf oeq, %select_n3A_1025, %eq3A_1036 : vector<64x8192xf32>
    %jit3A_1038 = arith.constant 8.192000e+03 : f32
    %broadcast_in_dim3A_1039 = vector.broadcast %jit3A_1038 : f32 to vector<64x8192xf32>
    %select_n3A_1040 = arith.select %eq3A_1037, %broadcast_in_dim3A_1039, %select_n3A_1025 : vector<64x8192xi1>, vector<64x8192xf32>
    %get3A_1041 = arith.constant 0 : index
    %get3A_1042 = arith.constant 0 : index
    %get3A_1043 = vector.load %arg10[%get3A_1041, %get3A_1042] : memref<64x1024xf32, #tpu.memory_space<vmem>>, vector<64x1024xf32>
    %reshape3A_1044 = vector.shape_cast %get3A_1043 : vector<64x1024xf32> to vector<64x8x128xf32>
    %reduce_max3A_1045 = arith.constant dense<0xFF800000> : vector<64x8xf32>
    %reduce_max3A_1046 = vector.multi_reduction <maximumf>, %reshape3A_1044, %reduce_max3A_1045 [2] : vector<64x8x128xf32> to vector<64x8xf32>
    %convert_element_type3A_1047 = arith.fptosi %reduce_max3A_1046 : vector<64x8xf32> to vector<64x8xi32>
    %mul3A_1048 = arith.constant 8192 : i32
    %mul3A_1049 = arith.muli %add3A_863, %mul3A_1048 : i32
    %add3A_1050 = vector.broadcast %mul3A_1049 : i32 to vector<64x8xi32>
    %add3A_1051 = arith.addi %convert_element_type3A_1047, %add3A_1050 : vector<64x8xi32>
    %swap3A_1052 = arith.constant 3 : index
    %swap3A_1053 = arith.constant 0 : index
    %swap3A_1054 = arith.constant 0 : index
    %swap3A_1055 = vector.load %arg8[%swap3A_1052, %swap3A_1053, %swap3A_1054] : memref<4x64x8xi32, #tpu.memory_space<vmem>>, vector<1x64x8xi32>
    %swap3A_1056 = vector.shape_cast %swap3A_1055 : vector<1x64x8xi32> to vector<64x8xi32>
    %swap3A_1057 = vector.shape_cast %add3A_1051 : vector<64x8xi32> to vector<1x64x8xi32>
    tpu.vector_store %arg8[%swap3A_1052, %swap3A_1053, %swap3A_1054], %swap3A_1057 {strides = array<i32>} : memref<4x64x8xi32, #tpu.memory_space<vmem>>, vector<1x64x8xi32>,
    %eq3A_1058 = arith.constant 8.192000e+03 : f32
    %eq3A_1059 = vector.broadcast %eq3A_1058 : f32 to vector<64x8192xf32>
    %eq3A_1060 = arith.cmpf oeq, %select_n3A_1040, %eq3A_1059 : vector<64x8192xf32>
    %and3A_1061 = arith.andi %not3A_912, %eq3A_1060 : vector<64x8192xi1>
    %jit3A_1062 = arith.constant 1.000000e+00 : f32
    %jit3A_1063 = arith.constant 0.000000e+00 : f32
    %broadcast_in_dim3A_1064 = vector.broadcast %jit3A_1062 : f32 to vector<64x8192xf32>
    %broadcast_in_dim3A_1065 = vector.broadcast %jit3A_1063 : f32 to vector<64x8192xf32>
    %select_n3A_1066 = arith.select %and3A_1061, %broadcast_in_dim3A_1064, %broadcast_in_dim3A_1065 : vector<64x8192xi1>, vector<64x8192xf32>
    %eq3A_1067 = vector.broadcast %broadcast_in_dim3A_923 : vector<64x1xf32> to vector<64x8192xf32>
    %eq3A_1068 = arith.cmpf oeq, %convert_element_type3A, %eq3A_1067 : vector<64x8192xf32>
    %jit3A_1069 = arith.constant 1.000000e+00 : f32
    %jit3A_1070 = arith.constant 0.000000e+00 : f32
    %broadcast_in_dim3A_1071 = vector.broadcast %jit3A_1069 : f32 to vector<64x8192xf32>
    %broadcast_in_dim3A_1072 = vector.broadcast %jit3A_1070 : f32 to vector<64x8192xf32>
    %select_n3A_1073 = arith.select %eq3A_1068, %broadcast_in_dim3A_1071, %broadcast_in_dim3A_1072 : vector<64x8192xi1>, vector<64x8192xf32>
    %concatenate3A_1074 = tpu.concatenate %select_n3A_1066, %select_n3A_1073 in 0 : vector<64x8192xf32>, vector<64x8192xf32> -> vector<128x8192xf32>
    %get3A_1075 = arith.constant 3 : index
    %get3A_1076 = arith.constant 0 : index
    %get3A_1077 = arith.constant 0 : index
    %get3A_1078 = vector.load %arg7[%get3A_1075, %get3A_1076, %get3A_1077] : memref<4x4x8192xf32, #tpu.memory_space<vmem>>, vector<1x4x8192xf32>
    %get3A_1079 = vector.shape_cast %get3A_1078 : vector<1x4x8192xf32> to vector<4x8192xf32>
    %dot_general3A_1080 = arith.constant dense<0.000000e+00> : vector<128x4xf32>
    %dot_general3A_1081 = tpu.matmul %concatenate3A_1074, %get3A_1079, %dot_general3A_1080 {dimension_numbers = #tpu.dot_dimension_numbers<[1], [1], [0], [0], [0, 0, 1, 0], [], []>, transpose_lhs_hint = false} : vector<128x8192xf32>, vector<4x8192xf32>, vector<128x4xf32> -> vector<128x4xf32>
    %slice3A_1082 = vector.extract_strided_slice %dot_general3A_1081 {offsets = [0, 0], sizes = [64, 4], strides = [1, 1]} : vector<128x4xf32> to vector<64x4xf32>
    %slice3A_1083 = vector.extract_strided_slice %dot_general3A_1081 {offsets = [64, 0], sizes = [64, 4], strides = [1, 1]} : vector<128x4xf32> to vector<64x4xf32>
    %slice3A_1084 = vector.extract_strided_slice %slice3A_1082 {offsets = [0, 3], sizes = [64, 1], strides = [1, 1]} : vector<64x4xf32> to vector<64x1xf32>
    %broadcast_in_dim3A_1085 = arith.constant -1.000000e+30 : f32
    %broadcast_in_dim3A_1086 = vector.broadcast %broadcast_in_dim3A_1085 : f32 to vector<64x1024xf32>
    %swap3A_1087 = arith.constant 0 : index
    %swap3A_1088 = arith.constant 0 : index
    %swap3A_1089 = vector.load %arg11[%swap3A_1087, %swap3A_1088] : memref<64x1024xf32, #tpu.memory_space<vmem>>, vector<64x1024xf32>
    tpu.vector_store %arg11[%swap3A_1087, %swap3A_1088], %broadcast_in_dim3A_1086 {strides = array<i32>} : memref<64x1024xf32, #tpu.memory_space<vmem>>, vector<64x1024xf32>,
    %swap3A_1090 = arith.constant 0 : index
    %swap3A_1091 = arith.constant 0 : index
    %swap3A_1092 = vector.load %arg11[%swap3A_1090, %swap3A_1091] : memref<64x1024xf32, #tpu.memory_space<vmem>>, vector<64x1xf32>
    tpu.vector_store %arg11[%swap3A_1090, %swap3A_1091], %get3A_883 {strides = array<i32>} : memref<64x1024xf32, #tpu.memory_space<vmem>>, vector<64x1xf32>,
    %swap3A_1093 = arith.constant 0 : index
    %swap3A_1094 = arith.constant 128 : index
    %swap3A_1095 = vector.load %arg11[%swap3A_1093, %swap3A_1094] : memref<64x1024xf32, #tpu.memory_space<vmem>>, vector<64x1xf32>
    tpu.vector_store %arg11[%swap3A_1093, %swap3A_1094], %get3A_888 {strides = array<i32>} : memref<64x1024xf32, #tpu.memory_space<vmem>>, vector<64x1xf32>,
    %swap3A_1096 = arith.constant 0 : index
    %swap3A_1097 = arith.constant 256 : index
    %swap3A_1098 = vector.load %arg11[%swap3A_1096, %swap3A_1097] : memref<64x1024xf32, #tpu.memory_space<vmem>>, vector<64x1xf32>
    tpu.vector_store %arg11[%swap3A_1096, %swap3A_1097], %get3A_893 {strides = array<i32>} : memref<64x1024xf32, #tpu.memory_space<vmem>>, vector<64x1xf32>,
    %slice3A_1099 = vector.extract_strided_slice %slice3A_1082 {offsets = [0, 0], sizes = [64, 1], strides = [1, 1]} : vector<64x4xf32> to vector<64x1xf32>
    %sub3A_1100 = arith.constant 8.000000e+00 : f32
    %sub3A_1101 = vector.broadcast %sub3A_1100 : f32 to vector<64x1xf32>
    %sub3A_1102 = arith.subf %sub3A_1101, %slice3A_1084 : vector<64x1xf32>
    %slice3A_1103 = vector.extract_strided_slice %slice3A_1083 {offsets = [0, 0], sizes = [64, 1], strides = [1, 1]} : vector<64x4xf32> to vector<64x1xf32>
    %mul3A_1104 = arith.mulf %sub3A_1102, %slice3A_1103 : vector<64x1xf32>
    %add3A_1105 = arith.addf %slice3A_1099, %mul3A_1104 : vector<64x1xf32>
    %mul3A_1106 = arith.constant 1.250000e-01 : f32
    %mul3A_1107 = vector.broadcast %mul3A_1106 : f32 to vector<64x1xf32>
    %mul3A_1108 = arith.mulf %add3A_1105, %mul3A_1107 : vector<64x1xf32>
    %sub3A_1109 = arith.subf %mul3A_1108, %get3A_883 : vector<64x1xf32>
    %swap3A_1110 = arith.constant 0 : index
    %swap3A_1111 = arith.constant 384 : index
    %swap3A_1112 = vector.load %arg11[%swap3A_1110, %swap3A_1111] : memref<64x1024xf32, #tpu.memory_space<vmem>>, vector<64x1xf32>
    tpu.vector_store %arg11[%swap3A_1110, %swap3A_1111], %sub3A_1109 {strides = array<i32>} : memref<64x1024xf32, #tpu.memory_space<vmem>>, vector<64x1xf32>,
    %slice3A_1113 = vector.extract_strided_slice %slice3A_1082 {offsets = [0, 1], sizes = [64, 1], strides = [1, 1]} : vector<64x4xf32> to vector<64x1xf32>
    %sub3A_1114 = arith.constant 8.000000e+00 : f32
    %sub3A_1115 = vector.broadcast %sub3A_1114 : f32 to vector<64x1xf32>
    %sub3A_1116 = arith.subf %sub3A_1115, %slice3A_1084 : vector<64x1xf32>
    %slice3A_1117 = vector.extract_strided_slice %slice3A_1083 {offsets = [0, 1], sizes = [64, 1], strides = [1, 1]} : vector<64x4xf32> to vector<64x1xf32>
    %mul3A_1118 = arith.mulf %sub3A_1116, %slice3A_1117 : vector<64x1xf32>
    %add3A_1119 = arith.addf %slice3A_1113, %mul3A_1118 : vector<64x1xf32>
    %mul3A_1120 = arith.constant 1.250000e-01 : f32
    %mul3A_1121 = vector.broadcast %mul3A_1120 : f32 to vector<64x1xf32>
    %mul3A_1122 = arith.mulf %add3A_1119, %mul3A_1121 : vector<64x1xf32>
    %sub3A_1123 = arith.subf %mul3A_1122, %get3A_888 : vector<64x1xf32>
    %swap3A_1124 = arith.constant 0 : index
    %swap3A_1125 = arith.constant 512 : index
    %swap3A_1126 = vector.load %arg11[%swap3A_1124, %swap3A_1125] : memref<64x1024xf32, #tpu.memory_space<vmem>>, vector<64x1xf32>
    tpu.vector_store %arg11[%swap3A_1124, %swap3A_1125], %sub3A_1123 {strides = array<i32>} : memref<64x1024xf32, #tpu.memory_space<vmem>>, vector<64x1xf32>,
    %slice3A_1127 = vector.extract_strided_slice %slice3A_1082 {offsets = [0, 2], sizes = [64, 1], strides = [1, 1]} : vector<64x4xf32> to vector<64x1xf32>
    %sub3A_1128 = arith.constant 8.000000e+00 : f32
    %sub3A_1129 = vector.broadcast %sub3A_1128 : f32 to vector<64x1xf32>
    %sub3A_1130 = arith.subf %sub3A_1129, %slice3A_1084 : vector<64x1xf32>
    %slice3A_1131 = vector.extract_strided_slice %slice3A_1083 {offsets = [0, 2], sizes = [64, 1], strides = [1, 1]} : vector<64x4xf32> to vector<64x1xf32>
    %mul3A_1132 = arith.mulf %sub3A_1130, %slice3A_1131 : vector<64x1xf32>
    %add3A_1133 = arith.addf %slice3A_1127, %mul3A_1132 : vector<64x1xf32>
    %mul3A_1134 = arith.constant 1.250000e-01 : f32
    %mul3A_1135 = vector.broadcast %mul3A_1134 : f32 to vector<64x1xf32>
    %mul3A_1136 = arith.mulf %add3A_1133, %mul3A_1135 : vector<64x1xf32>
    %sub3A_1137 = arith.subf %mul3A_1136, %get3A_893 : vector<64x1xf32>
    %swap3A_1138 = arith.constant 0 : index
    %swap3A_1139 = arith.constant 640 : index
    %swap3A_1140 = vector.load %arg11[%swap3A_1138, %swap3A_1139] : memref<64x1024xf32, #tpu.memory_space<vmem>>, vector<64x1xf32>
    tpu.vector_store %arg11[%swap3A_1138, %swap3A_1139], %sub3A_1137 {strides = array<i32>} : memref<64x1024xf32, #tpu.memory_space<vmem>>, vector<64x1xf32>,
    %get3A_1141 = arith.constant 0 : index
    %get3A_1142 = arith.constant 0 : index
    %get3A_1143 = vector.load %arg11[%get3A_1141, %get3A_1142] : memref<64x1024xf32, #tpu.memory_space<vmem>>, vector<64x1024xf32>
    %reshape3A_1144 = vector.shape_cast %get3A_1143 : vector<64x1024xf32> to vector<64x8x128xf32>
    %reduce_max3A_1145 = arith.constant dense<0xFF800000> : vector<64x8xf32>
    %reduce_max3A_1146 = vector.multi_reduction <maximumf>, %reshape3A_1144, %reduce_max3A_1145 [2] : vector<64x8x128xf32> to vector<64x8xf32>
    %swap3A_1147 = arith.constant 3 : index
    %swap3A_1148 = arith.constant 0 : index
    %swap3A_1149 = arith.constant 0 : index
    %swap3A_1150 = vector.load %arg9[%swap3A_1147, %swap3A_1148, %swap3A_1149] : memref<4x64x8xf32, #tpu.memory_space<vmem>>, vector<1x64x8xf32>
    %swap3A_1151 = vector.shape_cast %swap3A_1150 : vector<1x64x8xf32> to vector<64x8xf32>
    %swap3A_1152 = vector.shape_cast %reduce_max3A_1146 : vector<64x8xf32> to vector<1x64x8xf32>
    tpu.vector_store %arg9[%swap3A_1147, %swap3A_1148, %swap3A_1149], %swap3A_1152 {strides = array<i32>} : memref<4x64x8xf32, #tpu.memory_space<vmem>>, vector<1x64x8xf32>,
    return
  }
  func.func @transform_0(%arg0: i32) -> (i32, i32, i32) {
    %c0_i32 = arith.constant 0 : i32
    %c0_i32_0 = arith.constant 0 : i32
    %c0_i32_1 = arith.constant 0 : i32
    return %arg0, %c0_i32, %c0_i32_0 : i32, i32, i32
  }
  func.func @transform_1(%arg0: i32) -> (i32, i32, i32) {
    %c0_i32 = arith.constant 0 : i32
    %c0_i32_0 = arith.constant 0 : i32
    %c0_i32_1 = arith.constant 0 : i32
    return %arg0, %c0_i32, %c0_i32_0 : i32, i32, i32
  }
  func.func @transform_2(%arg0: i32) -> (i32, i32, i32) {
    %c0_i32 = arith.constant 0 : i32
    %c0_i32_0 = arith.constant 0 : i32
    %c0_i32_1 = arith.constant 0 : i32
    return %arg0, %c0_i32, %c0_i32_0 : i32, i32, i32
  }
  func.func @transform_3(%arg0: i32) -> (i32, i32, i32) {
    %c0_i32 = arith.constant 0 : i32
    %c0_i32_0 = arith.constant 0 : i32
    %c0_i32_1 = arith.constant 0 : i32
    return %arg0, %c0_i32, %c0_i32_0 : i32, i32, i32
  }
  func.func @transform_4(%arg0: i32) -> (i32, i32, i32) {
    %c0_i32 = arith.constant 0 : i32
    %c0_i32_0 = arith.constant 0 : i32
    %c0_i32_1 = arith.constant 0 : i32
    return %arg0, %c0_i32, %c0_i32_0 : i32, i32, i32
  }
  func.func @transform_5(%arg0: i32) -> (i32, i32, i32) {
    %c0_i32 = arith.constant 0 : i32
    %c0_i32_0 = arith.constant 0 : i32
    %c0_i32_1 = arith.constant 0 : i32
    return %arg0, %c0_i32, %c0_i32_0 : i32, i32, i32
  }
  func.func @transform_6(%arg0: i32) -> (i32, i32, i32) {
    %c0_i32 = arith.constant 0 : i32
    %c0_i32_0 = arith.constant 0 : i32
    %c0_i32_1 = arith.constant 0 : i32
    return %arg0, %c0_i32, %c0_i32_0 : i32, i32, i32
  }
  func.func @transform_7(%arg0: i32) -> (i32, i32, i32) {
    %c0_i32 = arith.constant 0 : i32
    %c0_i32_0 = arith.constant 0 : i32
    %c0_i32_1 = arith.constant 0 : i32
    return %arg0, %c0_i32, %c0_i32_0 : i32, i32, i32
  }
  func.func @transform_8(%arg0: i32) -> (i32, i32, i32) {
    %c0_i32 = arith.constant 0 : i32
    %c0_i32_0 = arith.constant 0 : i32
    %c0_i32_1 = arith.constant 0 : i32
    return %arg0, %c0_i32, %c0_i32_0 : i32, i32, i32
  }
}

module attributes {stable_mosaic.version = 14 : i64} {
  func.func @_attn_kernel(%arg0: i32, %arg1: memref<4x64x256xf32, #tpu.memory_space<vmem>>, %arg2: memref<4x64x256xf32, #tpu.memory_space<vmem>>, %arg3: memref<256x256xf32, #tpu.memory_space<vmem>>, %arg4: memref<256x256xf32, #tpu.memory_space<vmem>>, %arg5: memref<4x256xf32, #tpu.memory_space<vmem>>, %arg6: memref<4x64x8xf32, #tpu.memory_space<vmem>>, %arg7: memref<4x64x8xf32, #tpu.memory_space<vmem>>, %arg8: memref<4x64x256xf32, #tpu.memory_space<vmem>>, %arg9: memref<4x64x8xf32, #tpu.memory_space<vmem>>) attributes {dimension_semantics = [#tpu.dimension_semantics<arbitrary>], iteration_bounds = array<i64: 4>, scalar_prefetch = 0 : i64, scratch_operands = 0 : i64, tpu.core_type = #tpu.core_type<tc>, window_params = [{transform_indices = @transform_0, window_bounds = array<i64: 4, 64, 256>}, {transform_indices = @transform_1, window_bounds = array<i64: 4, 64, 256>}, {pipeline_mode = #tpu.pipeline_mode<synchronous>, transform_indices = @transform_2, window_bounds = array<i64: 256, 256>}, {pipeline_mode = #tpu.pipeline_mode<synchronous>, transform_indices = @transform_3, window_bounds = array<i64: 256, 256>}, {pipeline_mode = #tpu.pipeline_mode<synchronous>, transform_indices = @transform_4, window_bounds = array<i64: 4, 256>}, {transform_indices = @transform_5, window_bounds = array<i64: 4, 64, 8>}, {transform_indices = @transform_6, window_bounds = array<i64: 4, 64, 8>}, {transform_indices = @transform_7, window_bounds = array<i64: 4, 64, 256>}, {transform_indices = @transform_8, window_bounds = array<i64: 4, 64, 8>}]} {
    %get3A = arith.constant 0 : index
    %get3A_0 = arith.constant 0 : index
    %get3A_1 = arith.constant 0 : index
    %get3A_2 = vector.load %arg1[%get3A, %get3A_0, %get3A_1] : memref<4x64x256xf32, #tpu.memory_space<vmem>>, vector<1x64x256xf32>
    %get3A_3 = vector.shape_cast %get3A_2 : vector<1x64x256xf32> to vector<64x256xf32>
    %get3A_4 = arith.constant 0 : index
    %get3A_5 = arith.constant 0 : index
    %get3A_6 = arith.constant 0 : index
    %get3A_7 = vector.load %arg2[%get3A_4, %get3A_5, %get3A_6] : memref<4x64x256xf32, #tpu.memory_space<vmem>>, vector<1x64x256xf32>
    %get3A_8 = vector.shape_cast %get3A_7 : vector<1x64x256xf32> to vector<64x256xf32>
    %sub3A = arith.subf %get3A_8, %get3A_3 : vector<64x256xf32>
    %add3A = arith.addf %get3A_3, %sub3A : vector<64x256xf32>
    %swap3A = arith.constant 0 : index
    %swap3A_9 = arith.constant 0 : index
    %swap3A_10 = arith.constant 0 : index
    %swap3A_11 = vector.load %arg8[%swap3A, %swap3A_9, %swap3A_10] : memref<4x64x256xf32, #tpu.memory_space<vmem>>, vector<1x64x256xf32>
    %swap3A_12 = vector.shape_cast %swap3A_11 : vector<1x64x256xf32> to vector<64x256xf32>
    %swap3A_13 = vector.shape_cast %add3A : vector<64x256xf32> to vector<1x64x256xf32>
    tpu.vector_store %arg8[%swap3A, %swap3A_9, %swap3A_10], %swap3A_13 {strides = array<i32>} : memref<4x64x256xf32, #tpu.memory_space<vmem>>, vector<1x64x256xf32>,
    %get3A_14 = arith.constant 0 : index
    %get3A_15 = arith.constant 0 : index
    %get3A_16 = vector.load %arg5[%get3A_14, %get3A_15] : memref<4x256xf32, #tpu.memory_space<vmem>>, vector<1x256xf32>
    %get3A_17 = arith.constant 1 : index
    %get3A_18 = arith.constant 0 : index
    %get3A_19 = vector.load %arg5[%get3A_17, %get3A_18] : memref<4x256xf32, #tpu.memory_space<vmem>>, vector<1x256xf32>
    %reduce_sum3A = arith.constant dense<0.000000e+00> : vector<64xf32>
    %reduce_sum3A_20 = vector.multi_reduction <add>, %sub3A, %reduce_sum3A [1] : vector<64x256xf32> to vector<64xf32>
    %broadcast_in_dim3A = vector.shape_cast %reduce_sum3A_20 : vector<64xf32> to vector<64x1xf32>
    %div3A = arith.constant 2.560000e+02 : f32
    %div3A_21 = vector.broadcast %div3A : f32 to vector<64x1xf32>
    %div3A_22 = arith.divf %broadcast_in_dim3A, %div3A_21 : vector<64x1xf32>
    %sub3A_23 = vector.broadcast %div3A_22 : vector<64x1xf32> to vector<64x256xf32>
    %sub3A_24 = arith.subf %sub3A, %sub3A_23 : vector<64x256xf32>
    %integer_pow3A = arith.mulf %sub3A_24, %sub3A_24 : vector<64x256xf32>
    %reduce_sum3A_25 = arith.constant dense<0.000000e+00> : vector<64xf32>
    %reduce_sum3A_26 = vector.multi_reduction <add>, %integer_pow3A, %reduce_sum3A_25 [1] : vector<64x256xf32> to vector<64xf32>
    %broadcast_in_dim3A_27 = vector.shape_cast %reduce_sum3A_26 : vector<64xf32> to vector<64x1xf32>
    %div3A_28 = arith.constant 2.560000e+02 : f32
    %div3A_29 = vector.broadcast %div3A_28 : f32 to vector<64x1xf32>
    %div3A_30 = arith.divf %broadcast_in_dim3A_27, %div3A_29 : vector<64x1xf32>
    %sub3A_31 = vector.broadcast %div3A_22 : vector<64x1xf32> to vector<64x256xf32>
    %sub3A_32 = arith.subf %sub3A, %sub3A_31 : vector<64x256xf32>
    %add3A_33 = arith.constant 9.99999974E-6 : f32
    %add3A_34 = vector.broadcast %add3A_33 : f32 to vector<64x1xf32>
    %add3A_35 = arith.addf %div3A_30, %add3A_34 : vector<64x1xf32>
    %sqrt3A = math.sqrt %add3A_35 : vector<64x1xf32>
    %div3A_36 = vector.broadcast %sqrt3A : vector<64x1xf32> to vector<64x256xf32>
    %div3A_37 = arith.divf %sub3A_32, %div3A_36 : vector<64x256xf32>
    %mul3A = vector.broadcast %get3A_16 : vector<1x256xf32> to vector<64x256xf32>
    %mul3A_38 = arith.mulf %div3A_37, %mul3A : vector<64x256xf32>
    %add3A_39 = vector.broadcast %get3A_19 : vector<1x256xf32> to vector<64x256xf32>
    %add3A_40 = arith.addf %mul3A_38, %add3A_39 : vector<64x256xf32>
    %get3A_41 = arith.constant 2 : index
    %get3A_42 = arith.constant 0 : index
    %get3A_43 = vector.load %arg5[%get3A_41, %get3A_42] : memref<4x256xf32, #tpu.memory_space<vmem>>, vector<1x256xf32>
    %get3A_44 = arith.constant 3 : index
    %get3A_45 = arith.constant 0 : index
    %get3A_46 = vector.load %arg5[%get3A_44, %get3A_45] : memref<4x256xf32, #tpu.memory_space<vmem>>, vector<1x256xf32>
    %reduce_sum3A_47 = arith.constant dense<0.000000e+00> : vector<64xf32>
    %reduce_sum3A_48 = vector.multi_reduction <add>, %get3A_3, %reduce_sum3A_47 [1] : vector<64x256xf32> to vector<64xf32>
    %broadcast_in_dim3A_49 = vector.shape_cast %reduce_sum3A_48 : vector<64xf32> to vector<64x1xf32>
    %div3A_50 = arith.constant 2.560000e+02 : f32
    %div3A_51 = vector.broadcast %div3A_50 : f32 to vector<64x1xf32>
    %div3A_52 = arith.divf %broadcast_in_dim3A_49, %div3A_51 : vector<64x1xf32>
    %sub3A_53 = vector.broadcast %div3A_52 : vector<64x1xf32> to vector<64x256xf32>
    %sub3A_54 = arith.subf %get3A_3, %sub3A_53 : vector<64x256xf32>
    %integer_pow3A_55 = arith.mulf %sub3A_54, %sub3A_54 : vector<64x256xf32>
    %reduce_sum3A_56 = arith.constant dense<0.000000e+00> : vector<64xf32>
    %reduce_sum3A_57 = vector.multi_reduction <add>, %integer_pow3A_55, %reduce_sum3A_56 [1] : vector<64x256xf32> to vector<64xf32>
    %broadcast_in_dim3A_58 = vector.shape_cast %reduce_sum3A_57 : vector<64xf32> to vector<64x1xf32>
    %div3A_59 = arith.constant 2.560000e+02 : f32
    %div3A_60 = vector.broadcast %div3A_59 : f32 to vector<64x1xf32>
    %div3A_61 = arith.divf %broadcast_in_dim3A_58, %div3A_60 : vector<64x1xf32>
    %sub3A_62 = vector.broadcast %div3A_52 : vector<64x1xf32> to vector<64x256xf32>
    %sub3A_63 = arith.subf %get3A_3, %sub3A_62 : vector<64x256xf32>
    %add3A_64 = arith.constant 9.99999974E-6 : f32
    %add3A_65 = vector.broadcast %add3A_64 : f32 to vector<64x1xf32>
    %add3A_66 = arith.addf %div3A_61, %add3A_65 : vector<64x1xf32>
    %sqrt3A_67 = math.sqrt %add3A_66 : vector<64x1xf32>
    %div3A_68 = vector.broadcast %sqrt3A_67 : vector<64x1xf32> to vector<64x256xf32>
    %div3A_69 = arith.divf %sub3A_63, %div3A_68 : vector<64x256xf32>
    %mul3A_70 = vector.broadcast %get3A_43 : vector<1x256xf32> to vector<64x256xf32>
    %mul3A_71 = arith.mulf %div3A_69, %mul3A_70 : vector<64x256xf32>
    %add3A_72 = vector.broadcast %get3A_46 : vector<1x256xf32> to vector<64x256xf32>
    %add3A_73 = arith.addf %mul3A_71, %add3A_72 : vector<64x256xf32>
    %get3A_74 = arith.constant 0 : index
    %get3A_75 = arith.constant 0 : index
    %get3A_76 = vector.load %arg3[%get3A_74, %get3A_75] : memref<256x256xf32, #tpu.memory_space<vmem>>, vector<256x256xf32>
    %dot_general3A = arith.constant dense<0.000000e+00> : vector<64x256xf32>
    %dot_general3A_77 = tpu.matmul %add3A_40, %get3A_76, %dot_general3A {dimension_numbers = #tpu.dot_dimension_numbers<[1], [1], [0], [0], [0, 0, 1, 0], [], []>, transpose_lhs_hint = false} : vector<64x256xf32>, vector<256x256xf32>, vector<64x256xf32> -> vector<64x256xf32>
    %get3A_78 = arith.constant 0 : index
    %get3A_79 = arith.constant 0 : index
    %get3A_80 = vector.load %arg4[%get3A_78, %get3A_79] : memref<256x256xf32, #tpu.memory_space<vmem>>, vector<256x256xf32>
    %dot_general3A_81 = arith.constant dense<0.000000e+00> : vector<64x256xf32>
    %dot_general3A_82 = tpu.matmul %add3A_73, %get3A_80, %dot_general3A_81 {dimension_numbers = #tpu.dot_dimension_numbers<[1], [1], [0], [0], [0, 0, 1, 0], [], []>, transpose_lhs_hint = false} : vector<64x256xf32>, vector<256x256xf32>, vector<64x256xf32> -> vector<64x256xf32>
    %dot_general3A_83 = arith.constant dense<0.000000e+00> : vector<64x64xf32>
    %dot_general3A_84 = tpu.matmul %dot_general3A_77, %dot_general3A_82, %dot_general3A_83 {dimension_numbers = #tpu.dot_dimension_numbers<[1], [1], [0], [0], [0, 0, 1, 0], [], []>, transpose_lhs_hint = false} : vector<64x256xf32>, vector<64x256xf32>, vector<64x64xf32> -> vector<64x64xf32>
    %mul3A_85 = arith.constant 6.250000e-02 : f32
    %mul3A_86 = vector.broadcast %mul3A_85 : f32 to vector<64x64xf32>
    %mul3A_87 = arith.mulf %dot_general3A_84, %mul3A_86 : vector<64x64xf32>
    %reduce_max3A = arith.constant dense<0xFF800000> : vector<64xf32>
    %reduce_max3A_88 = vector.multi_reduction <maximumf>, %mul3A_87, %reduce_max3A [1] : vector<64x64xf32> to vector<64xf32>
    %broadcast_in_dim3A_89 = vector.shape_cast %reduce_max3A_88 : vector<64xf32> to vector<64x1xf32>
    %sub3A_90 = vector.broadcast %broadcast_in_dim3A_89 : vector<64x1xf32> to vector<64x64xf32>
    %sub3A_91 = arith.subf %mul3A_87, %sub3A_90 : vector<64x64xf32>
    %exp3A = math.exp %sub3A_91 : vector<64x64xf32>
    %reduce_sum3A_92 = arith.constant dense<0.000000e+00> : vector<64xf32>
    %reduce_sum3A_93 = vector.multi_reduction <add>, %exp3A, %reduce_sum3A_92 [1] : vector<64x64xf32> to vector<64xf32>
    %broadcast_in_dim3A_94 = vector.shape_cast %reduce_sum3A_93 : vector<64xf32> to vector<64x1xf32>
    %div3A_95 = vector.broadcast %broadcast_in_dim3A_94 : vector<64x1xf32> to vector<64x64xf32>
    %div3A_96 = arith.divf %exp3A, %div3A_95 : vector<64x64xf32>
    %get3A_97 = arith.constant 0 : index
    %get3A_98 = arith.constant 0 : index
    %get3A_99 = arith.constant 0 : index
    %get3A_100 = vector.load %arg6[%get3A_97, %get3A_98, %get3A_99] : memref<4x64x8xf32, #tpu.memory_space<vmem>>, vector<1x64x8xf32>
    %get3A_101 = vector.shape_cast %get3A_100 : vector<1x64x8xf32> to vector<64x8xf32>
    %dot_general3A_102 = arith.constant dense<0.000000e+00> : vector<64x8xf32>
    %dot_general3A_103 = tpu.matmul %div3A_96, %get3A_101, %dot_general3A_102 {dimension_numbers = #tpu.dot_dimension_numbers<[1], [0], [0], [1], [0, 0, 1, 1], [], []>, transpose_lhs_hint = false} : vector<64x64xf32>, vector<64x8xf32>, vector<64x8xf32> -> vector<64x8xf32>
    %get3A_104 = arith.constant 0 : index
    %get3A_105 = arith.constant 0 : index
    %get3A_106 = arith.constant 0 : index
    %get3A_107 = vector.load %arg7[%get3A_104, %get3A_105, %get3A_106] : memref<4x64x8xf32, #tpu.memory_space<vmem>>, vector<1x64x8xf32>
    %get3A_108 = vector.shape_cast %get3A_107 : vector<1x64x8xf32> to vector<64x8xf32>
    %add3A_109 = arith.addf %get3A_108, %dot_general3A_103 : vector<64x8xf32>
    %swap3A_110 = arith.constant 0 : index
    %swap3A_111 = arith.constant 0 : index
    %swap3A_112 = arith.constant 0 : index
    %swap3A_113 = vector.load %arg9[%swap3A_110, %swap3A_111, %swap3A_112] : memref<4x64x8xf32, #tpu.memory_space<vmem>>, vector<1x64x8xf32>
    %swap3A_114 = vector.shape_cast %swap3A_113 : vector<1x64x8xf32> to vector<64x8xf32>
    %swap3A_115 = vector.shape_cast %add3A_109 : vector<64x8xf32> to vector<1x64x8xf32>
    tpu.vector_store %arg9[%swap3A_110, %swap3A_111, %swap3A_112], %swap3A_115 {strides = array<i32>} : memref<4x64x8xf32, #tpu.memory_space<vmem>>, vector<1x64x8xf32>,
    %get3A_116 = arith.constant 1 : index
    %get3A_117 = arith.constant 0 : index
    %get3A_118 = arith.constant 0 : index
    %get3A_119 = vector.load %arg1[%get3A_116, %get3A_117, %get3A_118] : memref<4x64x256xf32, #tpu.memory_space<vmem>>, vector<1x64x256xf32>
    %get3A_120 = vector.shape_cast %get3A_119 : vector<1x64x256xf32> to vector<64x256xf32>
    %get3A_121 = arith.constant 1 : index
    %get3A_122 = arith.constant 0 : index
    %get3A_123 = arith.constant 0 : index
    %get3A_124 = vector.load %arg2[%get3A_121, %get3A_122, %get3A_123] : memref<4x64x256xf32, #tpu.memory_space<vmem>>, vector<1x64x256xf32>
    %get3A_125 = vector.shape_cast %get3A_124 : vector<1x64x256xf32> to vector<64x256xf32>
    %sub3A_126 = arith.subf %get3A_125, %get3A_120 : vector<64x256xf32>
    %add3A_127 = arith.addf %get3A_120, %sub3A_126 : vector<64x256xf32>
    %swap3A_128 = arith.constant 1 : index
    %swap3A_129 = arith.constant 0 : index
    %swap3A_130 = arith.constant 0 : index
    %swap3A_131 = vector.load %arg8[%swap3A_128, %swap3A_129, %swap3A_130] : memref<4x64x256xf32, #tpu.memory_space<vmem>>, vector<1x64x256xf32>
    %swap3A_132 = vector.shape_cast %swap3A_131 : vector<1x64x256xf32> to vector<64x256xf32>
    %swap3A_133 = vector.shape_cast %add3A_127 : vector<64x256xf32> to vector<1x64x256xf32>
    tpu.vector_store %arg8[%swap3A_128, %swap3A_129, %swap3A_130], %swap3A_133 {strides = array<i32>} : memref<4x64x256xf32, #tpu.memory_space<vmem>>, vector<1x64x256xf32>,
    %get3A_134 = arith.constant 0 : index
    %get3A_135 = arith.constant 0 : index
    %get3A_136 = vector.load %arg5[%get3A_134, %get3A_135] : memref<4x256xf32, #tpu.memory_space<vmem>>, vector<1x256xf32>
    %get3A_137 = arith.constant 1 : index
    %get3A_138 = arith.constant 0 : index
    %get3A_139 = vector.load %arg5[%get3A_137, %get3A_138] : memref<4x256xf32, #tpu.memory_space<vmem>>, vector<1x256xf32>
    %reduce_sum3A_140 = arith.constant dense<0.000000e+00> : vector<64xf32>
    %reduce_sum3A_141 = vector.multi_reduction <add>, %sub3A_126, %reduce_sum3A_140 [1] : vector<64x256xf32> to vector<64xf32>
    %broadcast_in_dim3A_142 = vector.shape_cast %reduce_sum3A_141 : vector<64xf32> to vector<64x1xf32>
    %div3A_143 = arith.constant 2.560000e+02 : f32
    %div3A_144 = vector.broadcast %div3A_143 : f32 to vector<64x1xf32>
    %div3A_145 = arith.divf %broadcast_in_dim3A_142, %div3A_144 : vector<64x1xf32>
    %sub3A_146 = vector.broadcast %div3A_145 : vector<64x1xf32> to vector<64x256xf32>
    %sub3A_147 = arith.subf %sub3A_126, %sub3A_146 : vector<64x256xf32>
    %integer_pow3A_148 = arith.mulf %sub3A_147, %sub3A_147 : vector<64x256xf32>
    %reduce_sum3A_149 = arith.constant dense<0.000000e+00> : vector<64xf32>
    %reduce_sum3A_150 = vector.multi_reduction <add>, %integer_pow3A_148, %reduce_sum3A_149 [1] : vector<64x256xf32> to vector<64xf32>
    %broadcast_in_dim3A_151 = vector.shape_cast %reduce_sum3A_150 : vector<64xf32> to vector<64x1xf32>
    %div3A_152 = arith.constant 2.560000e+02 : f32
    %div3A_153 = vector.broadcast %div3A_152 : f32 to vector<64x1xf32>
    %div3A_154 = arith.divf %broadcast_in_dim3A_151, %div3A_153 : vector<64x1xf32>
    %sub3A_155 = vector.broadcast %div3A_145 : vector<64x1xf32> to vector<64x256xf32>
    %sub3A_156 = arith.subf %sub3A_126, %sub3A_155 : vector<64x256xf32>
    %add3A_157 = arith.constant 9.99999974E-6 : f32
    %add3A_158 = vector.broadcast %add3A_157 : f32 to vector<64x1xf32>
    %add3A_159 = arith.addf %div3A_154, %add3A_158 : vector<64x1xf32>
    %sqrt3A_160 = math.sqrt %add3A_159 : vector<64x1xf32>
    %div3A_161 = vector.broadcast %sqrt3A_160 : vector<64x1xf32> to vector<64x256xf32>
    %div3A_162 = arith.divf %sub3A_156, %div3A_161 : vector<64x256xf32>
    %mul3A_163 = vector.broadcast %get3A_136 : vector<1x256xf32> to vector<64x256xf32>
    %mul3A_164 = arith.mulf %div3A_162, %mul3A_163 : vector<64x256xf32>
    %add3A_165 = vector.broadcast %get3A_139 : vector<1x256xf32> to vector<64x256xf32>
    %add3A_166 = arith.addf %mul3A_164, %add3A_165 : vector<64x256xf32>
    %get3A_167 = arith.constant 2 : index
    %get3A_168 = arith.constant 0 : index
    %get3A_169 = vector.load %arg5[%get3A_167, %get3A_168] : memref<4x256xf32, #tpu.memory_space<vmem>>, vector<1x256xf32>
    %get3A_170 = arith.constant 3 : index
    %get3A_171 = arith.constant 0 : index
    %get3A_172 = vector.load %arg5[%get3A_170, %get3A_171] : memref<4x256xf32, #tpu.memory_space<vmem>>, vector<1x256xf32>
    %reduce_sum3A_173 = arith.constant dense<0.000000e+00> : vector<64xf32>
    %reduce_sum3A_174 = vector.multi_reduction <add>, %get3A_120, %reduce_sum3A_173 [1] : vector<64x256xf32> to vector<64xf32>
    %broadcast_in_dim3A_175 = vector.shape_cast %reduce_sum3A_174 : vector<64xf32> to vector<64x1xf32>
    %div3A_176 = arith.constant 2.560000e+02 : f32
    %div3A_177 = vector.broadcast %div3A_176 : f32 to vector<64x1xf32>
    %div3A_178 = arith.divf %broadcast_in_dim3A_175, %div3A_177 : vector<64x1xf32>
    %sub3A_179 = vector.broadcast %div3A_178 : vector<64x1xf32> to vector<64x256xf32>
    %sub3A_180 = arith.subf %get3A_120, %sub3A_179 : vector<64x256xf32>
    %integer_pow3A_181 = arith.mulf %sub3A_180, %sub3A_180 : vector<64x256xf32>
    %reduce_sum3A_182 = arith.constant dense<0.000000e+00> : vector<64xf32>
    %reduce_sum3A_183 = vector.multi_reduction <add>, %integer_pow3A_181, %reduce_sum3A_182 [1] : vector<64x256xf32> to vector<64xf32>
    %broadcast_in_dim3A_184 = vector.shape_cast %reduce_sum3A_183 : vector<64xf32> to vector<64x1xf32>
    %div3A_185 = arith.constant 2.560000e+02 : f32
    %div3A_186 = vector.broadcast %div3A_185 : f32 to vector<64x1xf32>
    %div3A_187 = arith.divf %broadcast_in_dim3A_184, %div3A_186 : vector<64x1xf32>
    %sub3A_188 = vector.broadcast %div3A_178 : vector<64x1xf32> to vector<64x256xf32>
    %sub3A_189 = arith.subf %get3A_120, %sub3A_188 : vector<64x256xf32>
    %add3A_190 = arith.constant 9.99999974E-6 : f32
    %add3A_191 = vector.broadcast %add3A_190 : f32 to vector<64x1xf32>
    %add3A_192 = arith.addf %div3A_187, %add3A_191 : vector<64x1xf32>
    %sqrt3A_193 = math.sqrt %add3A_192 : vector<64x1xf32>
    %div3A_194 = vector.broadcast %sqrt3A_193 : vector<64x1xf32> to vector<64x256xf32>
    %div3A_195 = arith.divf %sub3A_189, %div3A_194 : vector<64x256xf32>
    %mul3A_196 = vector.broadcast %get3A_169 : vector<1x256xf32> to vector<64x256xf32>
    %mul3A_197 = arith.mulf %div3A_195, %mul3A_196 : vector<64x256xf32>
    %add3A_198 = vector.broadcast %get3A_172 : vector<1x256xf32> to vector<64x256xf32>
    %add3A_199 = arith.addf %mul3A_197, %add3A_198 : vector<64x256xf32>
    %get3A_200 = arith.constant 0 : index
    %get3A_201 = arith.constant 0 : index
    %get3A_202 = vector.load %arg3[%get3A_200, %get3A_201] : memref<256x256xf32, #tpu.memory_space<vmem>>, vector<256x256xf32>
    %dot_general3A_203 = arith.constant dense<0.000000e+00> : vector<64x256xf32>
    %dot_general3A_204 = tpu.matmul %add3A_166, %get3A_202, %dot_general3A_203 {dimension_numbers = #tpu.dot_dimension_numbers<[1], [1], [0], [0], [0, 0, 1, 0], [], []>, transpose_lhs_hint = false} : vector<64x256xf32>, vector<256x256xf32>, vector<64x256xf32> -> vector<64x256xf32>
    %get3A_205 = arith.constant 0 : index
    %get3A_206 = arith.constant 0 : index
    %get3A_207 = vector.load %arg4[%get3A_205, %get3A_206] : memref<256x256xf32, #tpu.memory_space<vmem>>, vector<256x256xf32>
    %dot_general3A_208 = arith.constant dense<0.000000e+00> : vector<64x256xf32>
    %dot_general3A_209 = tpu.matmul %add3A_199, %get3A_207, %dot_general3A_208 {dimension_numbers = #tpu.dot_dimension_numbers<[1], [1], [0], [0], [0, 0, 1, 0], [], []>, transpose_lhs_hint = false} : vector<64x256xf32>, vector<256x256xf32>, vector<64x256xf32> -> vector<64x256xf32>
    %dot_general3A_210 = arith.constant dense<0.000000e+00> : vector<64x64xf32>
    %dot_general3A_211 = tpu.matmul %dot_general3A_204, %dot_general3A_209, %dot_general3A_210 {dimension_numbers = #tpu.dot_dimension_numbers<[1], [1], [0], [0], [0, 0, 1, 0], [], []>, transpose_lhs_hint = false} : vector<64x256xf32>, vector<64x256xf32>, vector<64x64xf32> -> vector<64x64xf32>
    %mul3A_212 = arith.constant 6.250000e-02 : f32
    %mul3A_213 = vector.broadcast %mul3A_212 : f32 to vector<64x64xf32>
    %mul3A_214 = arith.mulf %dot_general3A_211, %mul3A_213 : vector<64x64xf32>
    %reduce_max3A_215 = arith.constant dense<0xFF800000> : vector<64xf32>
    %reduce_max3A_216 = vector.multi_reduction <maximumf>, %mul3A_214, %reduce_max3A_215 [1] : vector<64x64xf32> to vector<64xf32>
    %broadcast_in_dim3A_217 = vector.shape_cast %reduce_max3A_216 : vector<64xf32> to vector<64x1xf32>
    %sub3A_218 = vector.broadcast %broadcast_in_dim3A_217 : vector<64x1xf32> to vector<64x64xf32>
    %sub3A_219 = arith.subf %mul3A_214, %sub3A_218 : vector<64x64xf32>
    %exp3A_220 = math.exp %sub3A_219 : vector<64x64xf32>
    %reduce_sum3A_221 = arith.constant dense<0.000000e+00> : vector<64xf32>
    %reduce_sum3A_222 = vector.multi_reduction <add>, %exp3A_220, %reduce_sum3A_221 [1] : vector<64x64xf32> to vector<64xf32>
    %broadcast_in_dim3A_223 = vector.shape_cast %reduce_sum3A_222 : vector<64xf32> to vector<64x1xf32>
    %div3A_224 = vector.broadcast %broadcast_in_dim3A_223 : vector<64x1xf32> to vector<64x64xf32>
    %div3A_225 = arith.divf %exp3A_220, %div3A_224 : vector<64x64xf32>
    %get3A_226 = arith.constant 1 : index
    %get3A_227 = arith.constant 0 : index
    %get3A_228 = arith.constant 0 : index
    %get3A_229 = vector.load %arg6[%get3A_226, %get3A_227, %get3A_228] : memref<4x64x8xf32, #tpu.memory_space<vmem>>, vector<1x64x8xf32>
    %get3A_230 = vector.shape_cast %get3A_229 : vector<1x64x8xf32> to vector<64x8xf32>
    %dot_general3A_231 = arith.constant dense<0.000000e+00> : vector<64x8xf32>
    %dot_general3A_232 = tpu.matmul %div3A_225, %get3A_230, %dot_general3A_231 {dimension_numbers = #tpu.dot_dimension_numbers<[1], [0], [0], [1], [0, 0, 1, 1], [], []>, transpose_lhs_hint = false} : vector<64x64xf32>, vector<64x8xf32>, vector<64x8xf32> -> vector<64x8xf32>
    %get3A_233 = arith.constant 1 : index
    %get3A_234 = arith.constant 0 : index
    %get3A_235 = arith.constant 0 : index
    %get3A_236 = vector.load %arg7[%get3A_233, %get3A_234, %get3A_235] : memref<4x64x8xf32, #tpu.memory_space<vmem>>, vector<1x64x8xf32>
    %get3A_237 = vector.shape_cast %get3A_236 : vector<1x64x8xf32> to vector<64x8xf32>
    %add3A_238 = arith.addf %get3A_237, %dot_general3A_232 : vector<64x8xf32>
    %swap3A_239 = arith.constant 1 : index
    %swap3A_240 = arith.constant 0 : index
    %swap3A_241 = arith.constant 0 : index
    %swap3A_242 = vector.load %arg9[%swap3A_239, %swap3A_240, %swap3A_241] : memref<4x64x8xf32, #tpu.memory_space<vmem>>, vector<1x64x8xf32>
    %swap3A_243 = vector.shape_cast %swap3A_242 : vector<1x64x8xf32> to vector<64x8xf32>
    %swap3A_244 = vector.shape_cast %add3A_238 : vector<64x8xf32> to vector<1x64x8xf32>
    tpu.vector_store %arg9[%swap3A_239, %swap3A_240, %swap3A_241], %swap3A_244 {strides = array<i32>} : memref<4x64x8xf32, #tpu.memory_space<vmem>>, vector<1x64x8xf32>,
    %get3A_245 = arith.constant 2 : index
    %get3A_246 = arith.constant 0 : index
    %get3A_247 = arith.constant 0 : index
    %get3A_248 = vector.load %arg1[%get3A_245, %get3A_246, %get3A_247] : memref<4x64x256xf32, #tpu.memory_space<vmem>>, vector<1x64x256xf32>
    %get3A_249 = vector.shape_cast %get3A_248 : vector<1x64x256xf32> to vector<64x256xf32>
    %get3A_250 = arith.constant 2 : index
    %get3A_251 = arith.constant 0 : index
    %get3A_252 = arith.constant 0 : index
    %get3A_253 = vector.load %arg2[%get3A_250, %get3A_251, %get3A_252] : memref<4x64x256xf32, #tpu.memory_space<vmem>>, vector<1x64x256xf32>
    %get3A_254 = vector.shape_cast %get3A_253 : vector<1x64x256xf32> to vector<64x256xf32>
    %sub3A_255 = arith.subf %get3A_254, %get3A_249 : vector<64x256xf32>
    %add3A_256 = arith.addf %get3A_249, %sub3A_255 : vector<64x256xf32>
    %swap3A_257 = arith.constant 2 : index
    %swap3A_258 = arith.constant 0 : index
    %swap3A_259 = arith.constant 0 : index
    %swap3A_260 = vector.load %arg8[%swap3A_257, %swap3A_258, %swap3A_259] : memref<4x64x256xf32, #tpu.memory_space<vmem>>, vector<1x64x256xf32>
    %swap3A_261 = vector.shape_cast %swap3A_260 : vector<1x64x256xf32> to vector<64x256xf32>
    %swap3A_262 = vector.shape_cast %add3A_256 : vector<64x256xf32> to vector<1x64x256xf32>
    tpu.vector_store %arg8[%swap3A_257, %swap3A_258, %swap3A_259], %swap3A_262 {strides = array<i32>} : memref<4x64x256xf32, #tpu.memory_space<vmem>>, vector<1x64x256xf32>,
    %get3A_263 = arith.constant 0 : index
    %get3A_264 = arith.constant 0 : index
    %get3A_265 = vector.load %arg5[%get3A_263, %get3A_264] : memref<4x256xf32, #tpu.memory_space<vmem>>, vector<1x256xf32>
    %get3A_266 = arith.constant 1 : index
    %get3A_267 = arith.constant 0 : index
    %get3A_268 = vector.load %arg5[%get3A_266, %get3A_267] : memref<4x256xf32, #tpu.memory_space<vmem>>, vector<1x256xf32>
    %reduce_sum3A_269 = arith.constant dense<0.000000e+00> : vector<64xf32>
    %reduce_sum3A_270 = vector.multi_reduction <add>, %sub3A_255, %reduce_sum3A_269 [1] : vector<64x256xf32> to vector<64xf32>
    %broadcast_in_dim3A_271 = vector.shape_cast %reduce_sum3A_270 : vector<64xf32> to vector<64x1xf32>
    %div3A_272 = arith.constant 2.560000e+02 : f32
    %div3A_273 = vector.broadcast %div3A_272 : f32 to vector<64x1xf32>
    %div3A_274 = arith.divf %broadcast_in_dim3A_271, %div3A_273 : vector<64x1xf32>
    %sub3A_275 = vector.broadcast %div3A_274 : vector<64x1xf32> to vector<64x256xf32>
    %sub3A_276 = arith.subf %sub3A_255, %sub3A_275 : vector<64x256xf32>
    %integer_pow3A_277 = arith.mulf %sub3A_276, %sub3A_276 : vector<64x256xf32>
    %reduce_sum3A_278 = arith.constant dense<0.000000e+00> : vector<64xf32>
    %reduce_sum3A_279 = vector.multi_reduction <add>, %integer_pow3A_277, %reduce_sum3A_278 [1] : vector<64x256xf32> to vector<64xf32>
    %broadcast_in_dim3A_280 = vector.shape_cast %reduce_sum3A_279 : vector<64xf32> to vector<64x1xf32>
    %div3A_281 = arith.constant 2.560000e+02 : f32
    %div3A_282 = vector.broadcast %div3A_281 : f32 to vector<64x1xf32>
    %div3A_283 = arith.divf %broadcast_in_dim3A_280, %div3A_282 : vector<64x1xf32>
    %sub3A_284 = vector.broadcast %div3A_274 : vector<64x1xf32> to vector<64x256xf32>
    %sub3A_285 = arith.subf %sub3A_255, %sub3A_284 : vector<64x256xf32>
    %add3A_286 = arith.constant 9.99999974E-6 : f32
    %add3A_287 = vector.broadcast %add3A_286 : f32 to vector<64x1xf32>
    %add3A_288 = arith.addf %div3A_283, %add3A_287 : vector<64x1xf32>
    %sqrt3A_289 = math.sqrt %add3A_288 : vector<64x1xf32>
    %div3A_290 = vector.broadcast %sqrt3A_289 : vector<64x1xf32> to vector<64x256xf32>
    %div3A_291 = arith.divf %sub3A_285, %div3A_290 : vector<64x256xf32>
    %mul3A_292 = vector.broadcast %get3A_265 : vector<1x256xf32> to vector<64x256xf32>
    %mul3A_293 = arith.mulf %div3A_291, %mul3A_292 : vector<64x256xf32>
    %add3A_294 = vector.broadcast %get3A_268 : vector<1x256xf32> to vector<64x256xf32>
    %add3A_295 = arith.addf %mul3A_293, %add3A_294 : vector<64x256xf32>
    %get3A_296 = arith.constant 2 : index
    %get3A_297 = arith.constant 0 : index
    %get3A_298 = vector.load %arg5[%get3A_296, %get3A_297] : memref<4x256xf32, #tpu.memory_space<vmem>>, vector<1x256xf32>
    %get3A_299 = arith.constant 3 : index
    %get3A_300 = arith.constant 0 : index
    %get3A_301 = vector.load %arg5[%get3A_299, %get3A_300] : memref<4x256xf32, #tpu.memory_space<vmem>>, vector<1x256xf32>
    %reduce_sum3A_302 = arith.constant dense<0.000000e+00> : vector<64xf32>
    %reduce_sum3A_303 = vector.multi_reduction <add>, %get3A_249, %reduce_sum3A_302 [1] : vector<64x256xf32> to vector<64xf32>
    %broadcast_in_dim3A_304 = vector.shape_cast %reduce_sum3A_303 : vector<64xf32> to vector<64x1xf32>
    %div3A_305 = arith.constant 2.560000e+02 : f32
    %div3A_306 = vector.broadcast %div3A_305 : f32 to vector<64x1xf32>
    %div3A_307 = arith.divf %broadcast_in_dim3A_304, %div3A_306 : vector<64x1xf32>
    %sub3A_308 = vector.broadcast %div3A_307 : vector<64x1xf32> to vector<64x256xf32>
    %sub3A_309 = arith.subf %get3A_249, %sub3A_308 : vector<64x256xf32>
    %integer_pow3A_310 = arith.mulf %sub3A_309, %sub3A_309 : vector<64x256xf32>
    %reduce_sum3A_311 = arith.constant dense<0.000000e+00> : vector<64xf32>
    %reduce_sum3A_312 = vector.multi_reduction <add>, %integer_pow3A_310, %reduce_sum3A_311 [1] : vector<64x256xf32> to vector<64xf32>
    %broadcast_in_dim3A_313 = vector.shape_cast %reduce_sum3A_312 : vector<64xf32> to vector<64x1xf32>
    %div3A_314 = arith.constant 2.560000e+02 : f32
    %div3A_315 = vector.broadcast %div3A_314 : f32 to vector<64x1xf32>
    %div3A_316 = arith.divf %broadcast_in_dim3A_313, %div3A_315 : vector<64x1xf32>
    %sub3A_317 = vector.broadcast %div3A_307 : vector<64x1xf32> to vector<64x256xf32>
    %sub3A_318 = arith.subf %get3A_249, %sub3A_317 : vector<64x256xf32>
    %add3A_319 = arith.constant 9.99999974E-6 : f32
    %add3A_320 = vector.broadcast %add3A_319 : f32 to vector<64x1xf32>
    %add3A_321 = arith.addf %div3A_316, %add3A_320 : vector<64x1xf32>
    %sqrt3A_322 = math.sqrt %add3A_321 : vector<64x1xf32>
    %div3A_323 = vector.broadcast %sqrt3A_322 : vector<64x1xf32> to vector<64x256xf32>
    %div3A_324 = arith.divf %sub3A_318, %div3A_323 : vector<64x256xf32>
    %mul3A_325 = vector.broadcast %get3A_298 : vector<1x256xf32> to vector<64x256xf32>
    %mul3A_326 = arith.mulf %div3A_324, %mul3A_325 : vector<64x256xf32>
    %add3A_327 = vector.broadcast %get3A_301 : vector<1x256xf32> to vector<64x256xf32>
    %add3A_328 = arith.addf %mul3A_326, %add3A_327 : vector<64x256xf32>
    %get3A_329 = arith.constant 0 : index
    %get3A_330 = arith.constant 0 : index
    %get3A_331 = vector.load %arg3[%get3A_329, %get3A_330] : memref<256x256xf32, #tpu.memory_space<vmem>>, vector<256x256xf32>
    %dot_general3A_332 = arith.constant dense<0.000000e+00> : vector<64x256xf32>
    %dot_general3A_333 = tpu.matmul %add3A_295, %get3A_331, %dot_general3A_332 {dimension_numbers = #tpu.dot_dimension_numbers<[1], [1], [0], [0], [0, 0, 1, 0], [], []>, transpose_lhs_hint = false} : vector<64x256xf32>, vector<256x256xf32>, vector<64x256xf32> -> vector<64x256xf32>
    %get3A_334 = arith.constant 0 : index
    %get3A_335 = arith.constant 0 : index
    %get3A_336 = vector.load %arg4[%get3A_334, %get3A_335] : memref<256x256xf32, #tpu.memory_space<vmem>>, vector<256x256xf32>
    %dot_general3A_337 = arith.constant dense<0.000000e+00> : vector<64x256xf32>
    %dot_general3A_338 = tpu.matmul %add3A_328, %get3A_336, %dot_general3A_337 {dimension_numbers = #tpu.dot_dimension_numbers<[1], [1], [0], [0], [0, 0, 1, 0], [], []>, transpose_lhs_hint = false} : vector<64x256xf32>, vector<256x256xf32>, vector<64x256xf32> -> vector<64x256xf32>
    %dot_general3A_339 = arith.constant dense<0.000000e+00> : vector<64x64xf32>
    %dot_general3A_340 = tpu.matmul %dot_general3A_333, %dot_general3A_338, %dot_general3A_339 {dimension_numbers = #tpu.dot_dimension_numbers<[1], [1], [0], [0], [0, 0, 1, 0], [], []>, transpose_lhs_hint = false} : vector<64x256xf32>, vector<64x256xf32>, vector<64x64xf32> -> vector<64x64xf32>
    %mul3A_341 = arith.constant 6.250000e-02 : f32
    %mul3A_342 = vector.broadcast %mul3A_341 : f32 to vector<64x64xf32>
    %mul3A_343 = arith.mulf %dot_general3A_340, %mul3A_342 : vector<64x64xf32>
    %reduce_max3A_344 = arith.constant dense<0xFF800000> : vector<64xf32>
    %reduce_max3A_345 = vector.multi_reduction <maximumf>, %mul3A_343, %reduce_max3A_344 [1] : vector<64x64xf32> to vector<64xf32>
    %broadcast_in_dim3A_346 = vector.shape_cast %reduce_max3A_345 : vector<64xf32> to vector<64x1xf32>
    %sub3A_347 = vector.broadcast %broadcast_in_dim3A_346 : vector<64x1xf32> to vector<64x64xf32>
    %sub3A_348 = arith.subf %mul3A_343, %sub3A_347 : vector<64x64xf32>
    %exp3A_349 = math.exp %sub3A_348 : vector<64x64xf32>
    %reduce_sum3A_350 = arith.constant dense<0.000000e+00> : vector<64xf32>
    %reduce_sum3A_351 = vector.multi_reduction <add>, %exp3A_349, %reduce_sum3A_350 [1] : vector<64x64xf32> to vector<64xf32>
    %broadcast_in_dim3A_352 = vector.shape_cast %reduce_sum3A_351 : vector<64xf32> to vector<64x1xf32>
    %div3A_353 = vector.broadcast %broadcast_in_dim3A_352 : vector<64x1xf32> to vector<64x64xf32>
    %div3A_354 = arith.divf %exp3A_349, %div3A_353 : vector<64x64xf32>
    %get3A_355 = arith.constant 2 : index
    %get3A_356 = arith.constant 0 : index
    %get3A_357 = arith.constant 0 : index
    %get3A_358 = vector.load %arg6[%get3A_355, %get3A_356, %get3A_357] : memref<4x64x8xf32, #tpu.memory_space<vmem>>, vector<1x64x8xf32>
    %get3A_359 = vector.shape_cast %get3A_358 : vector<1x64x8xf32> to vector<64x8xf32>
    %dot_general3A_360 = arith.constant dense<0.000000e+00> : vector<64x8xf32>
    %dot_general3A_361 = tpu.matmul %div3A_354, %get3A_359, %dot_general3A_360 {dimension_numbers = #tpu.dot_dimension_numbers<[1], [0], [0], [1], [0, 0, 1, 1], [], []>, transpose_lhs_hint = false} : vector<64x64xf32>, vector<64x8xf32>, vector<64x8xf32> -> vector<64x8xf32>
    %get3A_362 = arith.constant 2 : index
    %get3A_363 = arith.constant 0 : index
    %get3A_364 = arith.constant 0 : index
    %get3A_365 = vector.load %arg7[%get3A_362, %get3A_363, %get3A_364] : memref<4x64x8xf32, #tpu.memory_space<vmem>>, vector<1x64x8xf32>
    %get3A_366 = vector.shape_cast %get3A_365 : vector<1x64x8xf32> to vector<64x8xf32>
    %add3A_367 = arith.addf %get3A_366, %dot_general3A_361 : vector<64x8xf32>
    %swap3A_368 = arith.constant 2 : index
    %swap3A_369 = arith.constant 0 : index
    %swap3A_370 = arith.constant 0 : index
    %swap3A_371 = vector.load %arg9[%swap3A_368, %swap3A_369, %swap3A_370] : memref<4x64x8xf32, #tpu.memory_space<vmem>>, vector<1x64x8xf32>
    %swap3A_372 = vector.shape_cast %swap3A_371 : vector<1x64x8xf32> to vector<64x8xf32>
    %swap3A_373 = vector.shape_cast %add3A_367 : vector<64x8xf32> to vector<1x64x8xf32>
    tpu.vector_store %arg9[%swap3A_368, %swap3A_369, %swap3A_370], %swap3A_373 {strides = array<i32>} : memref<4x64x8xf32, #tpu.memory_space<vmem>>, vector<1x64x8xf32>,
    %get3A_374 = arith.constant 3 : index
    %get3A_375 = arith.constant 0 : index
    %get3A_376 = arith.constant 0 : index
    %get3A_377 = vector.load %arg1[%get3A_374, %get3A_375, %get3A_376] : memref<4x64x256xf32, #tpu.memory_space<vmem>>, vector<1x64x256xf32>
    %get3A_378 = vector.shape_cast %get3A_377 : vector<1x64x256xf32> to vector<64x256xf32>
    %get3A_379 = arith.constant 3 : index
    %get3A_380 = arith.constant 0 : index
    %get3A_381 = arith.constant 0 : index
    %get3A_382 = vector.load %arg2[%get3A_379, %get3A_380, %get3A_381] : memref<4x64x256xf32, #tpu.memory_space<vmem>>, vector<1x64x256xf32>
    %get3A_383 = vector.shape_cast %get3A_382 : vector<1x64x256xf32> to vector<64x256xf32>
    %sub3A_384 = arith.subf %get3A_383, %get3A_378 : vector<64x256xf32>
    %add3A_385 = arith.addf %get3A_378, %sub3A_384 : vector<64x256xf32>
    %swap3A_386 = arith.constant 3 : index
    %swap3A_387 = arith.constant 0 : index
    %swap3A_388 = arith.constant 0 : index
    %swap3A_389 = vector.load %arg8[%swap3A_386, %swap3A_387, %swap3A_388] : memref<4x64x256xf32, #tpu.memory_space<vmem>>, vector<1x64x256xf32>
    %swap3A_390 = vector.shape_cast %swap3A_389 : vector<1x64x256xf32> to vector<64x256xf32>
    %swap3A_391 = vector.shape_cast %add3A_385 : vector<64x256xf32> to vector<1x64x256xf32>
    tpu.vector_store %arg8[%swap3A_386, %swap3A_387, %swap3A_388], %swap3A_391 {strides = array<i32>} : memref<4x64x256xf32, #tpu.memory_space<vmem>>, vector<1x64x256xf32>,
    %get3A_392 = arith.constant 0 : index
    %get3A_393 = arith.constant 0 : index
    %get3A_394 = vector.load %arg5[%get3A_392, %get3A_393] : memref<4x256xf32, #tpu.memory_space<vmem>>, vector<1x256xf32>
    %get3A_395 = arith.constant 1 : index
    %get3A_396 = arith.constant 0 : index
    %get3A_397 = vector.load %arg5[%get3A_395, %get3A_396] : memref<4x256xf32, #tpu.memory_space<vmem>>, vector<1x256xf32>
    %reduce_sum3A_398 = arith.constant dense<0.000000e+00> : vector<64xf32>
    %reduce_sum3A_399 = vector.multi_reduction <add>, %sub3A_384, %reduce_sum3A_398 [1] : vector<64x256xf32> to vector<64xf32>
    %broadcast_in_dim3A_400 = vector.shape_cast %reduce_sum3A_399 : vector<64xf32> to vector<64x1xf32>
    %div3A_401 = arith.constant 2.560000e+02 : f32
    %div3A_402 = vector.broadcast %div3A_401 : f32 to vector<64x1xf32>
    %div3A_403 = arith.divf %broadcast_in_dim3A_400, %div3A_402 : vector<64x1xf32>
    %sub3A_404 = vector.broadcast %div3A_403 : vector<64x1xf32> to vector<64x256xf32>
    %sub3A_405 = arith.subf %sub3A_384, %sub3A_404 : vector<64x256xf32>
    %integer_pow3A_406 = arith.mulf %sub3A_405, %sub3A_405 : vector<64x256xf32>
    %reduce_sum3A_407 = arith.constant dense<0.000000e+00> : vector<64xf32>
    %reduce_sum3A_408 = vector.multi_reduction <add>, %integer_pow3A_406, %reduce_sum3A_407 [1] : vector<64x256xf32> to vector<64xf32>
    %broadcast_in_dim3A_409 = vector.shape_cast %reduce_sum3A_408 : vector<64xf32> to vector<64x1xf32>
    %div3A_410 = arith.constant 2.560000e+02 : f32
    %div3A_411 = vector.broadcast %div3A_410 : f32 to vector<64x1xf32>
    %div3A_412 = arith.divf %broadcast_in_dim3A_409, %div3A_411 : vector<64x1xf32>
    %sub3A_413 = vector.broadcast %div3A_403 : vector<64x1xf32> to vector<64x256xf32>
    %sub3A_414 = arith.subf %sub3A_384, %sub3A_413 : vector<64x256xf32>
    %add3A_415 = arith.constant 9.99999974E-6 : f32
    %add3A_416 = vector.broadcast %add3A_415 : f32 to vector<64x1xf32>
    %add3A_417 = arith.addf %div3A_412, %add3A_416 : vector<64x1xf32>
    %sqrt3A_418 = math.sqrt %add3A_417 : vector<64x1xf32>
    %div3A_419 = vector.broadcast %sqrt3A_418 : vector<64x1xf32> to vector<64x256xf32>
    %div3A_420 = arith.divf %sub3A_414, %div3A_419 : vector<64x256xf32>
    %mul3A_421 = vector.broadcast %get3A_394 : vector<1x256xf32> to vector<64x256xf32>
    %mul3A_422 = arith.mulf %div3A_420, %mul3A_421 : vector<64x256xf32>
    %add3A_423 = vector.broadcast %get3A_397 : vector<1x256xf32> to vector<64x256xf32>
    %add3A_424 = arith.addf %mul3A_422, %add3A_423 : vector<64x256xf32>
    %get3A_425 = arith.constant 2 : index
    %get3A_426 = arith.constant 0 : index
    %get3A_427 = vector.load %arg5[%get3A_425, %get3A_426] : memref<4x256xf32, #tpu.memory_space<vmem>>, vector<1x256xf32>
    %get3A_428 = arith.constant 3 : index
    %get3A_429 = arith.constant 0 : index
    %get3A_430 = vector.load %arg5[%get3A_428, %get3A_429] : memref<4x256xf32, #tpu.memory_space<vmem>>, vector<1x256xf32>
    %reduce_sum3A_431 = arith.constant dense<0.000000e+00> : vector<64xf32>
    %reduce_sum3A_432 = vector.multi_reduction <add>, %get3A_378, %reduce_sum3A_431 [1] : vector<64x256xf32> to vector<64xf32>
    %broadcast_in_dim3A_433 = vector.shape_cast %reduce_sum3A_432 : vector<64xf32> to vector<64x1xf32>
    %div3A_434 = arith.constant 2.560000e+02 : f32
    %div3A_435 = vector.broadcast %div3A_434 : f32 to vector<64x1xf32>
    %div3A_436 = arith.divf %broadcast_in_dim3A_433, %div3A_435 : vector<64x1xf32>
    %sub3A_437 = vector.broadcast %div3A_436 : vector<64x1xf32> to vector<64x256xf32>
    %sub3A_438 = arith.subf %get3A_378, %sub3A_437 : vector<64x256xf32>
    %integer_pow3A_439 = arith.mulf %sub3A_438, %sub3A_438 : vector<64x256xf32>
    %reduce_sum3A_440 = arith.constant dense<0.000000e+00> : vector<64xf32>
    %reduce_sum3A_441 = vector.multi_reduction <add>, %integer_pow3A_439, %reduce_sum3A_440 [1] : vector<64x256xf32> to vector<64xf32>
    %broadcast_in_dim3A_442 = vector.shape_cast %reduce_sum3A_441 : vector<64xf32> to vector<64x1xf32>
    %div3A_443 = arith.constant 2.560000e+02 : f32
    %div3A_444 = vector.broadcast %div3A_443 : f32 to vector<64x1xf32>
    %div3A_445 = arith.divf %broadcast_in_dim3A_442, %div3A_444 : vector<64x1xf32>
    %sub3A_446 = vector.broadcast %div3A_436 : vector<64x1xf32> to vector<64x256xf32>
    %sub3A_447 = arith.subf %get3A_378, %sub3A_446 : vector<64x256xf32>
    %add3A_448 = arith.constant 9.99999974E-6 : f32
    %add3A_449 = vector.broadcast %add3A_448 : f32 to vector<64x1xf32>
    %add3A_450 = arith.addf %div3A_445, %add3A_449 : vector<64x1xf32>
    %sqrt3A_451 = math.sqrt %add3A_450 : vector<64x1xf32>
    %div3A_452 = vector.broadcast %sqrt3A_451 : vector<64x1xf32> to vector<64x256xf32>
    %div3A_453 = arith.divf %sub3A_447, %div3A_452 : vector<64x256xf32>
    %mul3A_454 = vector.broadcast %get3A_427 : vector<1x256xf32> to vector<64x256xf32>
    %mul3A_455 = arith.mulf %div3A_453, %mul3A_454 : vector<64x256xf32>
    %add3A_456 = vector.broadcast %get3A_430 : vector<1x256xf32> to vector<64x256xf32>
    %add3A_457 = arith.addf %mul3A_455, %add3A_456 : vector<64x256xf32>
    %get3A_458 = arith.constant 0 : index
    %get3A_459 = arith.constant 0 : index
    %get3A_460 = vector.load %arg3[%get3A_458, %get3A_459] : memref<256x256xf32, #tpu.memory_space<vmem>>, vector<256x256xf32>
    %dot_general3A_461 = arith.constant dense<0.000000e+00> : vector<64x256xf32>
    %dot_general3A_462 = tpu.matmul %add3A_424, %get3A_460, %dot_general3A_461 {dimension_numbers = #tpu.dot_dimension_numbers<[1], [1], [0], [0], [0, 0, 1, 0], [], []>, transpose_lhs_hint = false} : vector<64x256xf32>, vector<256x256xf32>, vector<64x256xf32> -> vector<64x256xf32>
    %get3A_463 = arith.constant 0 : index
    %get3A_464 = arith.constant 0 : index
    %get3A_465 = vector.load %arg4[%get3A_463, %get3A_464] : memref<256x256xf32, #tpu.memory_space<vmem>>, vector<256x256xf32>
    %dot_general3A_466 = arith.constant dense<0.000000e+00> : vector<64x256xf32>
    %dot_general3A_467 = tpu.matmul %add3A_457, %get3A_465, %dot_general3A_466 {dimension_numbers = #tpu.dot_dimension_numbers<[1], [1], [0], [0], [0, 0, 1, 0], [], []>, transpose_lhs_hint = false} : vector<64x256xf32>, vector<256x256xf32>, vector<64x256xf32> -> vector<64x256xf32>
    %dot_general3A_468 = arith.constant dense<0.000000e+00> : vector<64x64xf32>
    %dot_general3A_469 = tpu.matmul %dot_general3A_462, %dot_general3A_467, %dot_general3A_468 {dimension_numbers = #tpu.dot_dimension_numbers<[1], [1], [0], [0], [0, 0, 1, 0], [], []>, transpose_lhs_hint = false} : vector<64x256xf32>, vector<64x256xf32>, vector<64x64xf32> -> vector<64x64xf32>
    %mul3A_470 = arith.constant 6.250000e-02 : f32
    %mul3A_471 = vector.broadcast %mul3A_470 : f32 to vector<64x64xf32>
    %mul3A_472 = arith.mulf %dot_general3A_469, %mul3A_471 : vector<64x64xf32>
    %reduce_max3A_473 = arith.constant dense<0xFF800000> : vector<64xf32>
    %reduce_max3A_474 = vector.multi_reduction <maximumf>, %mul3A_472, %reduce_max3A_473 [1] : vector<64x64xf32> to vector<64xf32>
    %broadcast_in_dim3A_475 = vector.shape_cast %reduce_max3A_474 : vector<64xf32> to vector<64x1xf32>
    %sub3A_476 = vector.broadcast %broadcast_in_dim3A_475 : vector<64x1xf32> to vector<64x64xf32>
    %sub3A_477 = arith.subf %mul3A_472, %sub3A_476 : vector<64x64xf32>
    %exp3A_478 = math.exp %sub3A_477 : vector<64x64xf32>
    %reduce_sum3A_479 = arith.constant dense<0.000000e+00> : vector<64xf32>
    %reduce_sum3A_480 = vector.multi_reduction <add>, %exp3A_478, %reduce_sum3A_479 [1] : vector<64x64xf32> to vector<64xf32>
    %broadcast_in_dim3A_481 = vector.shape_cast %reduce_sum3A_480 : vector<64xf32> to vector<64x1xf32>
    %div3A_482 = vector.broadcast %broadcast_in_dim3A_481 : vector<64x1xf32> to vector<64x64xf32>
    %div3A_483 = arith.divf %exp3A_478, %div3A_482 : vector<64x64xf32>
    %get3A_484 = arith.constant 3 : index
    %get3A_485 = arith.constant 0 : index
    %get3A_486 = arith.constant 0 : index
    %get3A_487 = vector.load %arg6[%get3A_484, %get3A_485, %get3A_486] : memref<4x64x8xf32, #tpu.memory_space<vmem>>, vector<1x64x8xf32>
    %get3A_488 = vector.shape_cast %get3A_487 : vector<1x64x8xf32> to vector<64x8xf32>
    %dot_general3A_489 = arith.constant dense<0.000000e+00> : vector<64x8xf32>
    %dot_general3A_490 = tpu.matmul %div3A_483, %get3A_488, %dot_general3A_489 {dimension_numbers = #tpu.dot_dimension_numbers<[1], [0], [0], [1], [0, 0, 1, 1], [], []>, transpose_lhs_hint = false} : vector<64x64xf32>, vector<64x8xf32>, vector<64x8xf32> -> vector<64x8xf32>
    %get3A_491 = arith.constant 3 : index
    %get3A_492 = arith.constant 0 : index
    %get3A_493 = arith.constant 0 : index
    %get3A_494 = vector.load %arg7[%get3A_491, %get3A_492, %get3A_493] : memref<4x64x8xf32, #tpu.memory_space<vmem>>, vector<1x64x8xf32>
    %get3A_495 = vector.shape_cast %get3A_494 : vector<1x64x8xf32> to vector<64x8xf32>
    %add3A_496 = arith.addf %get3A_495, %dot_general3A_490 : vector<64x8xf32>
    %swap3A_497 = arith.constant 3 : index
    %swap3A_498 = arith.constant 0 : index
    %swap3A_499 = arith.constant 0 : index
    %swap3A_500 = vector.load %arg9[%swap3A_497, %swap3A_498, %swap3A_499] : memref<4x64x8xf32, #tpu.memory_space<vmem>>, vector<1x64x8xf32>
    %swap3A_501 = vector.shape_cast %swap3A_500 : vector<1x64x8xf32> to vector<64x8xf32>
    %swap3A_502 = vector.shape_cast %add3A_496 : vector<64x8xf32> to vector<1x64x8xf32>
    tpu.vector_store %arg9[%swap3A_497, %swap3A_498, %swap3A_499], %swap3A_502 {strides = array<i32>} : memref<4x64x8xf32, #tpu.memory_space<vmem>>, vector<1x64x8xf32>,
    return
  }
  func.func @transform_0(%arg0: i32) -> (i32, i32, i32) {
    %c0_i32 = arith.constant 0 : i32
    %c0_i32_0 = arith.constant 0 : i32
    %c0_i32_1 = arith.constant 0 : i32
    return %arg0, %c0_i32, %c0_i32_0 : i32, i32, i32
  }
  func.func @transform_1(%arg0: i32) -> (i32, i32, i32) {
    %c0_i32 = arith.constant 0 : i32
    %c0_i32_0 = arith.constant 0 : i32
    %c0_i32_1 = arith.constant 0 : i32
    return %arg0, %c0_i32, %c0_i32_0 : i32, i32, i32
  }
  func.func @transform_2(%arg0: i32) -> (i32, i32) {
    %c0_i32 = arith.constant 0 : i32
    %c0_i32_0 = arith.constant 0 : i32
    %c0_i32_1 = arith.constant 0 : i32
    return %c0_i32, %c0_i32_0 : i32, i32
  }
  func.func @transform_3(%arg0: i32) -> (i32, i32) {
    %c0_i32 = arith.constant 0 : i32
    %c0_i32_0 = arith.constant 0 : i32
    %c0_i32_1 = arith.constant 0 : i32
    return %c0_i32, %c0_i32_0 : i32, i32
  }
  func.func @transform_4(%arg0: i32) -> (i32, i32) {
    %c0_i32 = arith.constant 0 : i32
    %c0_i32_0 = arith.constant 0 : i32
    %c0_i32_1 = arith.constant 0 : i32
    return %c0_i32, %c0_i32_0 : i32, i32
  }
  func.func @transform_5(%arg0: i32) -> (i32, i32, i32) {
    %c0_i32 = arith.constant 0 : i32
    %c0_i32_0 = arith.constant 0 : i32
    %c0_i32_1 = arith.constant 0 : i32
    return %arg0, %c0_i32, %c0_i32_0 : i32, i32, i32
  }
  func.func @transform_6(%arg0: i32) -> (i32, i32, i32) {
    %c0_i32 = arith.constant 0 : i32
    %c0_i32_0 = arith.constant 0 : i32
    %c0_i32_1 = arith.constant 0 : i32
    return %arg0, %c0_i32, %c0_i32_0 : i32, i32, i32
  }
  func.func @transform_7(%arg0: i32) -> (i32, i32, i32) {
    %c0_i32 = arith.constant 0 : i32
    %c0_i32_0 = arith.constant 0 : i32
    %c0_i32_1 = arith.constant 0 : i32
    return %arg0, %c0_i32, %c0_i32_0 : i32, i32, i32
  }
  func.func @transform_8(%arg0: i32) -> (i32, i32, i32) {
    %c0_i32 = arith.constant 0 : i32
    %c0_i32_0 = arith.constant 0 : i32
    %c0_i32_1 = arith.constant 0 : i32
    return %arg0, %c0_i32, %c0_i32_0 : i32, i32, i32
  }
}

</mosaic_0001>

<sc_bundles>
// kernel: kernel.6.cloned.1.call-start
scs
__scs_entry_jumppad:
0x0: {  	(pc) =	sbr.rel $0x88, $3  }
0x1: {  	(tag) =	ssettag $0x0;
	lr =	simm.s32 $0x1  }
0x2: {  	[smem:$0x3F99] =	sst lr;
	_ =	strace $0xD0000000  }
0x3: {  	_ = 	snop  }
0x4: {  	_ = 	snop  }
0x5: {  	_ = 	snop  }
0x6: {  	_ = 	snop  }
0x7: {  	_ = 	snop  }
__scs_overlays_trampoline_lowered:
0x8: {  	[smem:$0x3FA8] =	sst s0  }
0x9: {  	[smem:$0x3FA9] =	sst s1  }
0xa: {  	[smem:$0x3FAA] =	sst s2  }
0xb: {  	[smem:$0x3FAB] =	sst s3  }
0xc: {  	[smem:$0x3FAC] =	sst s4  }
0xd: {  	[smem:$0x3FAD] =	sst s5  }
0xe: {  	[smem:$0x3FAE] =	sst s6  }
0xf: {  	[smem:$0x3FAF] =	sst s7  }
0x10: {  	[smem:$0x3FB0] =	sst s8  }
0x11: {  	[smem:$0x3FB1] =	sst s9;
	s0 =	simm.s32 @!p0 $0x0  }
0x12: {  	s1 =	sld [smem:$0x3F97];
	s0 =	simm.s32 @p0 $0x1  }
0x13: {  	[smem:$0x3FB2] =	sst s0;
	s0 =	simm.s32 @!p1 $0x0  }
0x14: {  	s2 =	sld [smem:$0x3F96];
	s0 =	simm.s32 @p1 $0x1  }
0x15: {  	[smem:$0x3FB3] =	sst s0;
	s0 =	simm.s32 @!p2 $0x0  }
0x16: {  	s3 =	sld [smem:$0x3FDB];
	s0 =	simm.s32 @p2 $0x1  }
0x17: {  	s4 =	simm.s32 $0x1BF5;
	[smem:$0x3FB5] =	sst s0  }
0x18: {  	s0 =	sld [smem:$0x3F98];
	_ =	swait.ge [sflag:s4], $0x0  }
0x19: {  	s7 =	sld [smem:$0x3F99]  }
0x1a: {  	s8 =	sadd.s32 $0xFFFFE003, lr  }
0x1b: {  	s9 =	sadd.s32 $0xFFFFFEF7, lr;
	s5 =	simm.s32 $0xFFFFFFFF;
	p2 =	slt.u32 s8, $0xFFFFF086  }
0x1c: {  	p1 =	slt.u32 s9, $0xF7A;
	s5 =	simm.s32 @!p2 $0x0  }
0x1d: {  	s5 =	simm.s32 @p1 $0x1;
	p0 =	seq.s32 s7, s2  }
0x1e: {  	s7 =	smul.u32 @!p0 $0xF7A, s2;
	p2 =	seq.s32 @!p0 s5, $0x0  }
0x1f: {  	s9 =	smul.u32 $0xF7A, s1;
	s8 =	simm.s32 @!p0 $0x1BF5;
	p2 =	por !p2, p0  }
0x20: {  	[sflag:s8] =	ssyncset.s32 @!p0 $0xFFFFF086;
	s6 =	sadd.s32 @!p0 s3, s7;
	s7 =	simm.s32 @!p0 $0x108  }
0x21: {  	s3 =	sadd.s32 s3, s9;
	s6 =	sadd.s32 @!p0 $0x88, s6;
	s7 =	simm.s32 @p2 $0x1082  }
0x22: {  	[simem:s7], [sflag:s8] =	dma.local @!p0 [hbm:s6], $0xF7A  }
0x23: {  	s9 =	sor.u32 $0xD0000000, s2;
	s6 =	simm.s32 $0x108;
	_ =	swait.ge @!p0 [sflag:s8], $0x0  }
0x24: {  	s3 =	sadd.s32 $0x88, s3;
	s6 =	simm.s32 @!p1 $0x1082;
	[sflag:s4] =	ssyncset.s32 $0xFFFFF086  }
0x25: {  	[simem:s6], [sflag:s4] =	dma.local [hbm:s3], $0xF7A  }
0x26: {  	[smem:$0x3F99] =	sst s1;
	(tag) =	ssettag s2;
	_ =	strace s9  }
0x27: {  	s1 =	sld [smem:$0x3FA9]  }
0x28: {  	s2 =	sld [smem:$0x3FAA]  }
0x29: {  	s4 =	sld [smem:$0x3FAC]  }
0x2a: {  	p0 =	seq.s32 s5, $0x0;
	s5 =	sld [smem:$0x3FAD]  }
0x2b: {  	s6 =	sld [smem:$0x3FAE]  }
0x2c: {  	s7 =	sld [smem:$0x3FAF]  }
0x2d: {  	s3 =	simm.s32 $0x108;
	s8 =	sld [smem:$0x3FB0]  }
0x2e: {  	s3 =	simm.s32 @!p0 $0x1082;
	s9 =	sld [smem:$0x3FB1]  }
0x2f: {  	lr =	sadd.s32 s0, s3;
	s0 =	sld [smem:$0x3FA8]  }
0x30: {  	s3 =	sld [smem:$0x3FAB]  }
0x31: {  	[smem:$0x3FB4] =	sst s10  }
0x32: {  	s10 =	sld [smem:$0x3FB2];
	_ =	sdelay $0x3  }
0x33: {  	p0 =	seq.s32 s10, $0x1;
	s10 =	sld [smem:$0x3FB4];
	_ =	sdelay $0x3  }
0x34: {  	[smem:$0x3FB4] =	sst s10  }
0x35: {  	s10 =	sld [smem:$0x3FB3];
	_ =	sdelay $0x3  }
0x36: {  	p1 =	seq.s32 s10, $0x1;
	s10 =	sld [smem:$0x3FB4];
	_ =	sdelay $0x3  }
0x37: {  	[smem:$0x3FB4] =	sst s10  }
0x38: {  	s10 =	sld [smem:$0x3FB5]  }
0x39: {  	_ = 	snop;
	(pc) =	sbr.ind lr, $3  }
0x3a: {  	_ = 	snop  }
0x3b: {  	_ = 	snop  }
0x3c: {  	p2 =	seq.s32 s10, $0x1;
	s10 =	sld [smem:$0x3FB4]  }
0x3d: {  	_ =	shalt  }
0x3e: {  	_ =	shalt  }
0x3f: {  	_ =	shalt  }
0x40: {  	_ =	shalt  }
0x41: {  	_ =	shalt  }
0x42: {  	_ =	shalt  }
0x43: {  	_ =	shalt  }
0x44: {  	_ =	shalt  }
0x45: {  	_ =	shalt  }
0x46: {  	_ =	shalt  }
0x47: {  	_ =	shalt  }
0x48: {  	_ =	shalt  }
0x49: {  	_ =	shalt  }
0x4a: {  	_ =	shalt  }
0x4b: {  	_ =	shalt  }
0x4c: {  	_ =	shalt  }
0x4d: {  	_ =	shalt  }
0x4e: {  	_ =	shalt  }
0x4f: {  	_ =	shalt  }
0x50: {  	_ =	shalt  }
0x51: {  	_ =	shalt  }
0x52: {  	_ =	shalt  }
0x53: {  	_ =	shalt  }
0x54: {  	_ =	shalt  }
0x55: {  	_ =	shalt  }
0x56: {  	_ =	shalt  }
0x57: {  	_ =	shalt  }
0x58: {  	_ =	shalt  }
0x59: {  	_ =	shalt  }
0x5a: {  	_ =	shalt  }
0x5b: {  	_ =	shalt  }
0x5c: {  	_ =	shalt  }
0x5d: {  	_ =	shalt  }
0x5e: {  	_ =	shalt  }
0x5f: {  	_ =	shalt  }
0x60: {  	_ =	shalt  }
0x61: {  	_ =	shalt  }
0x62: {  	_ =	shalt  }
0x63: {  	_ =	shalt  }
0x64: {  	_ =	shalt  }
0x65: {  	_ =	shalt  }
0x66: {  	_ =	shalt  }
0x67: {  	_ =	shalt  }
0x68: {  	_ =	shalt  }
0x69: {  	_ =	shalt  }
0x6a: {  	_ =	shalt  }
0x6b: {  	_ =	shalt  }
0x6c: {  	_ =	shalt  }
0x6d: {  	_ =	shalt  }
0x6e: {  	_ =	shalt  }
0x6f: {  	_ =	shalt  }
0x70: {  	_ =	shalt  }
0x71: {  	_ =	shalt  }
0x72: {  	_ =	shalt  }
0x73: {  	_ =	shalt  }
0x74: {  	_ =	shalt  }
0x75: {  	_ =	shalt  }
0x76: {  	_ =	shalt  }
0x77: {  	_ =	shalt  }
0x78: {  	_ =	shalt  }
0x79: {  	_ =	shalt  }
0x7a: {  	_ =	shalt  }
0x7b: {  	_ =	shalt  }
0x7c: {  	_ =	shalt  }
0x7d: {  	_ =	shalt  }
0x7e: {  	_ =	shalt  }
0x7f: {  	_ =	shalt  }
0x80: {  	_ =	shalt  }
0x81: {  	_ =	shalt  }
0x82: {  	_ =	shalt  }
0x83: {  	_ =	shalt  }
0x84: {  	_ =	shalt  }
0x85: {  	_ =	shalt  }
0x86: {  	_ =	shalt  }
0x87: {  	_ =	shalt  }
.Lfunc_end0:
.L_simem_size_0:
called_computation_lowered:
.L_overlay_start_0:
0x88: {  	s2 =	sld [smem:$0x3FD9]  }
0x89: {  	s3 =	sld [smem:$0x3FFE];
	_ =	sdelay $0x1  }
0x8a: {  	s1 =	srdreg.scid  }
0x8b: {  	s0 =	sand.u32 $0x1, s1  }
0x8c: {  	s14 =	sshll.u32 s0, $0xA;
	s2 =	sadd.s32 s3, s2  }
0x8d: {  	s2 =	sadd.s32 s2, s14  }
0x8e: {  	[smem:$0x3FC0] =	sst s2  }
0x8f: {  	_ = 	snop  }
0x90: {  	s2 =	sld [smem:$0x3FD0];
	_ =	sdelay $0x2  }
0x91: {  	s4 =	simm.s32 $0xA;
	s5 =	simm.s32 $0x10;
	s15 =	sld [smem:$0x3FC9]  }
0x92: {  	[smem:s5], [sflag:s4] =	dma.local [hbm:s2], $0x1  }
0x93: {  	_ =	swait.eq [sflag:s4], $0x1  }
0x94: {  	[sflag:s4] =	ssyncset.done $0x0  }
0x95: {  	s16 =	sld [smem:$0x10];
	[sflag:s4] =	ssyncadd.s32 $0xFFFFFFFF  }
0x96: {  	s17 =	sld [smem:$0x11];
	(tm) =	ssettm $0x1  }
0x97: {  	s18 =	sld [smem:$0x3FFB];
	_ =	sdelay $0x3  }
0x98: {  	_ =	strace s18  }
0x99: {  	s5 =	sld [smem:$0x3FFC];
	_ =	sdelay $0x3  }
0x9a: {  	_ =	strace s5  }
0x9b: {  	s5 =	sld [smem:$0x3FFD];
	_ =	sdelay $0x3  }
0x9c: {  	_ =	strace s5  }
0x9d: {  	_ =	strace $0x8FFFFFFF  }
0x9e: {  	s19 =	sld [smem:$0x3FDB];
	_ =	sdelay $0x1  }
0x9f: {  	s6 =	simm.s32 $_scs_section_size  }
0xa0: {  	s7 =	simm.s32 $_size__tile_overlayer_lowered;
	s8 =	simm.s32 $_tile_overlayer_lowered  }
0xa1: {  	s22 =	simm.s32 $0x1BFF;
	s21 =	sshll.u32 s8, $0x1;
	s5 =	sadd.s32 s6, s19  }
0xa2: {  	s9 =	simm.s32 $0x0;
	s20 =	sshll.u32 s7, $0x1;
	s7 =	sadd.s32 s21, s5  }
0xa3: {  	[timem:s9], [sflag:s22] =	dma.local [hbm:s7], s20  }
0xa4: {  	_ =	swait.ge [sflag:s22], s20  }
0xa5: {  	s6 =	ssub.s32 $0x0, s20;
	[sflag:s22] =	ssyncset.done $0x0  }
0xa6: {  	[sflag:s22] =	ssyncadd.s32 s6;
	_ =	sdelay $0x1  }
0xa7: {  	s23 =	simm.s32 $0x1B8B  }
0xa8: {  	_ =	swait.ge [sflag:s23], $0x1  }
0xa9: {  	[sflag:s23] =	ssyncset.done $0x0  }
0xaa: {  	s25 =	simm.s32 $0x1B8E;
	s24 =	sld [smem:$0x3FFE];
	[sflag:s23] =	ssyncadd.s32 $0xFFFFFFFF  }
0xab: {  	s26 =	simm.s32 $execute0_lowered;
	[smem:$0x3FD2] =	sst s25  }
0xac: {  	s7 =	sshll.u32 s26, $0x1;
	_ =	strace $0x80000046;
	[dreg:$0x1] =	wrdreg $0xFFFFFFFF  }
0xad: {  	s28 =	simm.s32 $_size_execute0_lowered;
	s5 =	sadd.s32 s5, s7;
	[dreg:$0x0] =	wrdreg $0x0  }
0xae: {  	s7 =	sshll.u32 s28, $0x1;
	[dreg:$0x2] =	wrdreg s5  }
0xaf: {  	[dreg:$0x3] =	wrdreg s7  }
0xb0: {  	[dreg:$0x4] =	wrdreg $0xC0  }
0xb1: {  	_ =	task [dreg:s9], $0x5FFFF  }
0xb2: {  	[dreg:$0x1] =	wrdreg $0xFFFFFFFF  }
0xb3: {  	[dreg:$0x0] =	wrdreg $0x60  }
0xb4: {  	[dreg:$0x2] =	wrdreg s15  }
0xb5: {  	[dreg:$0x3] =	wrdreg s24  }
0xb6: {  	[dreg:$0x4] =	wrdreg s17  }
0xb7: {  	[dreg:$0x5] =	wrdreg s16  }
0xb8: {  	[dreg:$0x6] =	wrdreg $0x9  }
0xb9: {  	_ =	task.clear_ibuf [dreg:s9], $0x7FFFF;
	_ =	strace $0x90000046  }
0xba: {  	s29 =	simm.s32 $0x9;
	_ =	strace $0x80000048  }
0xbb: {  	_ =	swait.ge [sflag:s29], $0x1  }
0xbc: {  	[sflag:s29] =	ssyncadd.s32 $0xFFFFFFFF  }
0xbd: {  	_ =	strace $0x90000048  }
0xbe: {  	_ =	sfence  }
0xbf: {  	s30 =	sld [smem:$0x0];
	_ =	sdelay $0x2  }
0xc0: {  	s31 =	sshll.u32 s1, $0xD;
	s1 =	sshrl.u32 s1, $0x2  }
0xc1: {  	s3 =	sand.u32 $0x4000, s31;
	s1 =	sadd.s32 s1, s30  }
0xc2: {  	s0 =	sor.u32 s3, s0;
	s1 =	sshll.u32 s1, $0x11  }
0xc3: {  	s0 =	sor.u32 s1, s0  }
0xc4: {  	s0 =	sadd.s32 $0x8F2B, s0  }
0xc5: {  	[sflag:s0] =	ssyncadd.remote.s32 $0x1  }
0xc6: {  	_ =	sfence.sel $0xFFFF  }
0xc7: {  	[dreg:$0x0] =	wrdreg $0xFFFFFFFF;
	(pc) =	sbr.abs _section_cstart, $3  }
0xc8: {  	[dreg:$0x1] =	wrdreg $0xFFFFFFFF  }
0xc9: {  	_ =	task.clear_ibuf [dreg:s9], $0x2FFFF;
	_ =	strace $0x9FFFFFFF  }
0xca: {  	(tm) =	ssettm $0x7FFFFFFF  }
0xcb: {  	_ =	shalt  }
tec
execute0_lowered:
.L_overlay_start_1:
0x0: {  	(tag) =	ssettag $0x1  }
0x1: {  	s1 =	rddreg [dreg:$0x0]  }
0x2: {  	s0 =	rddreg [dreg:$0x1]  }
0x3: {  	s2 =	rddreg [dreg:$0x2]  }
0x4: {  	s6 =	rddreg [dreg:$0x3]  }
0x5: {  	s4 =	srdreg.scid;
	s5 =	stileid.u32  }
0x6: {  	s3 =	simm.s32 $0x0;
	s15 =	simm.s32 $0xD980;
	s16 =	simm.s32 $0xE180  }
0x7: {  	s17 =	simm.s32 $0xE980;
	s18 =	simm.s32 $0xF180;
	s19 =	simm.s32 $0xF980  }
0x8: {  	s20 =	simm.s32 $0x10180;
	s21 =	simm.s32 $0x10980;
	s22 =	simm.s32 $0x11180  }
0x9: {  	s23 =	simm.s32 $0x11980;
	s24 =	simm.s32 $0x1;
	s25 =	simm.s32 $0x2  }
0xa: {  	s26 =	simm.s32 $0x12180;
	s4 =	sand.u32 $0x1, s4;
	s5 =	sshll.u32 s5, $0x1  }
0xb: {  	s28 =	simm.s32 $0x0;
	[smem:$0x7FF] =	sst s3;
	s5 =	sor.u32 s4, s5  }
0xc: {  	_ =	strace $0x80000047;
	s4 =	ssub.s32 $0x2, s4;
	s7 =	sshll.u32 s5, $0x5  }
0xd: {  	s8 =	sshll.u32 s5, $0xA;
	s9 =	sshrl.u32 s4, $0x1;
	s5 =	sshll.u32 s5, $0x4  }
0xe: {  	v2 =	vlaneseq.u32;
	s7 =	sadd.s32 s7, s0;
	s0 =	sadd.s32 s8, s0;
	s9 =	ssub.s32 s4, s9  }
0xf: {  	vm0 =	vmmov $0xffff;
	v1 =	vshrl.u32 v2, $0x3;
	s5 =	sadd.s32 s2, s5;
	s6 =	sadd.s32 s6, s8;
	s4 =	sadd.s32 $0x2400, s7  }
0x10: {  	v0 =	vand.u32 $0x7, v2;
	v2 =	vor.u32 $0x8, v2;
	v1 =	vmul.u32 $0x8, v1;
	s7 =	sadd.s32 $0x2800, s0;
	s8 =	smax.u32 s9, $0x1;
	s9 =	simm.s32 $0x3  }
.LBB2_1:
0x11: {  	[tilespmem:s3], [sflag:$0x3] =	stream.linear.gather [hbm4b:s4+s3], $0x100, $0x38;
	[tilespmem:$0x14180] =	vst v63  }
0x12: {  	_ =	swait.ge [sflag:s9], $0x100  }
0x13: {  	[sflag:s9] =	ssyncset.done $0x0  }
0x14: {  	s0 =	simm.s32 $0x100;
	[sflag:s9] =	ssyncadd.s32 $0xFFFFFF00  }
0x15: {  	[tilespmem:s0], [sflag:$0x3] =	stream.linear.gather [hbm4b:s5+s3], $0x80, $0x38;
	[tilespmem:$0x14180] =	vst v63  }
0x16: {  	_ =	swait.ge [sflag:s9], $0x80  }
0x17: {  	[sflag:s9] =	ssyncset.done $0x0  }
0x18: {  	[sflag:s9] =	ssyncadd.s32 $0xFFFFFF80  }
0x19: {  	v3 =	vld [tilespmem:$0x0];
	_ =	sdelay $0x4  }
0x1a: {  	v4 =	vshll.u32 v3, $0x1  }
0x1b: {  	v3 =	vand.u32 $0x7, v3;
	v4 =	vand.u32 $0xFFFFFFF0, v4  }
0x1c: {  	v3 =	vor.u32 v3, v4  }
0x1d: {  	v4 =	vperm.xlane v3, v0;
	_ =	sdelay $0x1  }
0x1e: {  	v3 =	vperm.xlane v3, v2;
	v4 =	vadd.s32 v1, v4;
	_ =	sdelay $0x1  }
0x1f: {  	v3 =	vadd.s32 v1, v3;
	_ =	sdelay $0x1  }
0x20: {  	s14 =	simm.s32 $0x180  }
0x21: {  	[tilespmem:s14], [sflag:$0x1] =	stream.indirect_vreg.gather [hbm4b:s1+s3], $0x80, v4, vm0, $0xb8;
	[tilespmem:$0x14180] =	vst v63  }
0x22: {  	s30 =	simm.s32 $0x980  }
0x23: {  	[tilespmem:s30], [sflag:$0x1] =	stream.indirect_vreg.gather [hbm4b:s1+s3], $0x80, v3, vm0, $0xb8;
	[tilespmem:$0x14180] =	vst v63  }
0x24: {  	v3 =	vld [tilespmem:$0x10];
	_ =	sdelay $0x4  }
0x25: {  	v47 =	vshll.u32 v3, $0x1  }
0x26: {  	v3 =	vand.u32 $0x7, v3;
	v4 =	vand.u32 $0xFFFFFFF0, v47  }
0x27: {  	v3 =	vor.u32 v3, v4  }
0x28: {  	v4 =	vperm.xlane v3, v0;
	_ =	sdelay $0x1  }
0x29: {  	v3 =	vperm.xlane v3, v2;
	v4 =	vadd.s32 v1, v4;
	_ =	sdelay $0x1  }
0x2a: {  	v3 =	vadd.s32 v1, v3;
	_ =	sdelay $0x1  }
0x2b: {  	s31 =	simm.s32 $0x1180  }
0x2c: {  	[tilespmem:s31], [sflag:$0x1] =	stream.indirect_vreg.gather [hbm4b:s1+s3], $0x80, v4, vm0, $0xb8;
	[tilespmem:$0x14180] =	vst v63  }
0x2d: {  	s2 =	simm.s32 $0x1980  }
0x2e: {  	[tilespmem:s2], [sflag:$0x1] =	stream.indirect_vreg.gather [hbm4b:s1+s3], $0x80, v3, vm0, $0xb8;
	[tilespmem:$0x14180] =	vst v63  }
0x2f: {  	v3 =	vld [tilespmem:$0x20];
	_ =	sdelay $0x4  }
0x30: {  	v48 =	vshll.u32 v3, $0x1  }
0x31: {  	v3 =	vand.u32 $0x7, v3;
	v4 =	vand.u32 $0xFFFFFFF0, v48  }
0x32: {  	v3 =	vor.u32 v3, v4  }
0x33: {  	v4 =	vperm.xlane v3, v0;
	_ =	sdelay $0x1  }
0x34: {  	v3 =	vperm.xlane v3, v2;
	v4 =	vadd.s32 v1, v4;
	_ =	sdelay $0x1  }
0x35: {  	v3 =	vadd.s32 v1, v3;
	_ =	sdelay $0x1  }
0x36: {  	s10 =	simm.s32 $0x2180  }
0x37: {  	[tilespmem:s10], [sflag:$0x1] =	stream.indirect_vreg.gather [hbm4b:s1+s3], $0x80, v4, vm0, $0xb8;
	[tilespmem:$0x14180] =	vst v63  }
0x38: {  	s11 =	simm.s32 $0x2980  }
0x39: {  	[tilespmem:s11], [sflag:$0x1] =	stream.indirect_vreg.gather [hbm4b:s1+s3], $0x80, v3, vm0, $0xb8;
	[tilespmem:$0x14180] =	vst v63  }
0x3a: {  	v3 =	vld [tilespmem:$0x30];
	_ =	sdelay $0x4  }
0x3b: {  	v49 =	vshll.u32 v3, $0x1  }
0x3c: {  	v3 =	vand.u32 $0x7, v3;
	v4 =	vand.u32 $0xFFFFFFF0, v49  }
0x3d: {  	v3 =	vor.u32 v3, v4  }
0x3e: {  	v4 =	vperm.xlane v3, v0;
	_ =	sdelay $0x1  }
0x3f: {  	v3 =	vperm.xlane v3, v2;
	v4 =	vadd.s32 v1, v4;
	_ =	sdelay $0x1  }
0x40: {  	v3 =	vadd.s32 v1, v3;
	_ =	sdelay $0x1  }
0x41: {  	s12 =	simm.s32 $0x3180  }
0x42: {  	[tilespmem:s12], [sflag:$0x1] =	stream.indirect_vreg.gather [hbm4b:s1+s3], $0x80, v4, vm0, $0xb8;
	[tilespmem:$0x14180] =	vst v63  }
0x43: {  	s13 =	simm.s32 $0x3980  }
0x44: {  	[tilespmem:s13], [sflag:$0x1] =	stream.indirect_vreg.gather [hbm4b:s1+s3], $0x80, v3, vm0, $0xb8;
	[tilespmem:$0x14180] =	vst v63  }
0x45: {  	v3 =	vld [tilespmem:$0x40];
	_ =	sdelay $0x4  }
0x46: {  	v50 =	vshll.u32 v3, $0x1  }
0x47: {  	v3 =	vand.u32 $0x7, v3;
	v4 =	vand.u32 $0xFFFFFFF0, v50  }
0x48: {  	v3 =	vor.u32 v3, v4  }
0x49: {  	v4 =	vperm.xlane v3, v0;
	_ =	sdelay $0x1  }
0x4a: {  	v3 =	vperm.xlane v3, v2;
	v4 =	vadd.s32 v1, v4;
	_ =	sdelay $0x1  }
0x4b: {  	v3 =	vadd.s32 v1, v3;
	_ =	sdelay $0x1  }
0x4c: {  	s14 =	simm.s32 $0x4180  }
0x4d: {  	[tilespmem:s14], [sflag:$0x1] =	stream.indirect_vreg.gather [hbm4b:s1+s3], $0x80, v4, vm0, $0xb8;
	[tilespmem:$0x14180] =	vst v63  }
0x4e: {  	s30 =	simm.s32 $0x4980  }
0x4f: {  	[tilespmem:s30], [sflag:$0x1] =	stream.indirect_vreg.gather [hbm4b:s1+s3], $0x80, v3, vm0, $0xb8;
	[tilespmem:$0x14180] =	vst v63  }
0x50: {  	v3 =	vld [tilespmem:$0x50];
	_ =	sdelay $0x4  }
0x51: {  	v51 =	vshll.u32 v3, $0x1  }
0x52: {  	v3 =	vand.u32 $0x7, v3;
	v4 =	vand.u32 $0xFFFFFFF0, v51  }
0x53: {  	v3 =	vor.u32 v3, v4  }
0x54: {  	v4 =	vperm.xlane v3, v0;
	_ =	sdelay $0x1  }
0x55: {  	v3 =	vperm.xlane v3, v2;
	v4 =	vadd.s32 v1, v4;
	_ =	sdelay $0x1  }
0x56: {  	v3 =	vadd.s32 v1, v3;
	_ =	sdelay $0x1  }
0x57: {  	s31 =	simm.s32 $0x5180  }
0x58: {  	[tilespmem:s31], [sflag:$0x1] =	stream.indirect_vreg.gather [hbm4b:s1+s3], $0x80, v4, vm0, $0xb8;
	[tilespmem:$0x14180] =	vst v63  }
0x59: {  	s2 =	simm.s32 $0x5980  }
0x5a: {  	[tilespmem:s2], [sflag:$0x1] =	stream.indirect_vreg.gather [hbm4b:s1+s3], $0x80, v3, vm0, $0xb8;
	[tilespmem:$0x14180] =	vst v63  }
0x5b: {  	v3 =	vld [tilespmem:$0x60];
	_ =	sdelay $0x4  }
0x5c: {  	v52 =	vshll.u32 v3, $0x1  }
0x5d: {  	v3 =	vand.u32 $0x7, v3;
	v4 =	vand.u32 $0xFFFFFFF0, v52  }
0x5e: {  	v3 =	vor.u32 v3, v4  }
0x5f: {  	v4 =	vperm.xlane v3, v0;
	_ =	sdelay $0x1  }
0x60: {  	v3 =	vperm.xlane v3, v2;
	v4 =	vadd.s32 v1, v4;
	_ =	sdelay $0x1  }
0x61: {  	v3 =	vadd.s32 v1, v3;
	_ =	sdelay $0x1  }
0x62: {  	s10 =	simm.s32 $0x6180  }
0x63: {  	[tilespmem:s10], [sflag:$0x1] =	stream.indirect_vreg.gather [hbm4b:s1+s3], $0x80, v4, vm0, $0xb8;
	[tilespmem:$0x14180] =	vst v63  }
0x64: {  	s11 =	simm.s32 $0x6980  }
0x65: {  	[tilespmem:s11], [sflag:$0x1] =	stream.indirect_vreg.gather [hbm4b:s1+s3], $0x80, v3, vm0, $0xb8;
	[tilespmem:$0x14180] =	vst v63  }
0x66: {  	v3 =	vld [tilespmem:$0x70];
	_ =	sdelay $0x4  }
0x67: {  	v53 =	vshll.u32 v3, $0x1  }
0x68: {  	v3 =	vand.u32 $0x7, v3;
	v4 =	vand.u32 $0xFFFFFFF0, v53  }
0x69: {  	v3 =	vor.u32 v3, v4  }
0x6a: {  	v4 =	vperm.xlane v3, v0;
	_ =	sdelay $0x1  }
0x6b: {  	v3 =	vperm.xlane v3, v2;
	v4 =	vadd.s32 v1, v4;
	_ =	sdelay $0x1  }
0x6c: {  	v3 =	vadd.s32 v1, v3;
	_ =	sdelay $0x1  }
0x6d: {  	s12 =	simm.s32 $0x7180  }
0x6e: {  	[tilespmem:s12], [sflag:$0x1] =	stream.indirect_vreg.gather [hbm4b:s1+s3], $0x80, v4, vm0, $0xb8;
	[tilespmem:$0x14180] =	vst v63  }
0x6f: {  	s13 =	simm.s32 $0x7980  }
0x70: {  	[tilespmem:s13], [sflag:$0x1] =	stream.indirect_vreg.gather [hbm4b:s1+s3], $0x80, v3, vm0, $0xb8;
	[tilespmem:$0x14180] =	vst v63  }
0x71: {  	v3 =	vld [tilespmem:$0x80];
	_ =	sdelay $0x4  }
0x72: {  	v54 =	vshll.u32 v3, $0x1  }
0x73: {  	v3 =	vand.u32 $0x7, v3;
	v4 =	vand.u32 $0xFFFFFFF0, v54  }
0x74: {  	v3 =	vor.u32 v3, v4  }
0x75: {  	v4 =	vperm.xlane v3, v0;
	_ =	sdelay $0x1  }
0x76: {  	v3 =	vperm.xlane v3, v2;
	v4 =	vadd.s32 v1, v4;
	_ =	sdelay $0x1  }
0x77: {  	v3 =	vadd.s32 v1, v3;
	_ =	sdelay $0x1  }
0x78: {  	s14 =	simm.s32 $0x8180  }
0x79: {  	[tilespmem:s14], [sflag:$0x1] =	stream.indirect_vreg.gather [hbm4b:s1+s3], $0x80, v4, vm0, $0xb8;
	[tilespmem:$0x14180] =	vst v63  }
0x7a: {  	s30 =	simm.s32 $0x8980  }
0x7b: {  	[tilespmem:s30], [sflag:$0x1] =	stream.indirect_vreg.gather [hbm4b:s1+s3], $0x80, v3, vm0, $0xb8;
	[tilespmem:$0x14180] =	vst v63  }
0x7c: {  	v3 =	vld [tilespmem:$0x90];
	_ =	sdelay $0x4  }
0x7d: {  	v55 =	vshll.u32 v3, $0x1  }
0x7e: {  	v3 =	vand.u32 $0x7, v3;
	v4 =	vand.u32 $0xFFFFFFF0, v55  }
0x7f: {  	v3 =	vor.u32 v3, v4  }
0x80: {  	v4 =	vperm.xlane v3, v0;
	_ =	sdelay $0x1  }
0x81: {  	v3 =	vperm.xlane v3, v2;
	v4 =	vadd.s32 v1, v4;
	_ =	sdelay $0x1  }
0x82: {  	v3 =	vadd.s32 v1, v3;
	_ =	sdelay $0x1  }
0x83: {  	s31 =	simm.s32 $0x9180  }
0x84: {  	[tilespmem:s31], [sflag:$0x1] =	stream.indirect_vreg.gather [hbm4b:s1+s3], $0x80, v4, vm0, $0xb8;
	[tilespmem:$0x14180] =	vst v63  }
0x85: {  	s2 =	simm.s32 $0x9980  }
0x86: {  	[tilespmem:s2], [sflag:$0x1] =	stream.indirect_vreg.gather [hbm4b:s1+s3], $0x80, v3, vm0, $0xb8;
	[tilespmem:$0x14180] =	vst v63  }
0x87: {  	v3 =	vld [tilespmem:$0xA0];
	_ =	sdelay $0x4  }
0x88: {  	v56 =	vshll.u32 v3, $0x1  }
0x89: {  	v3 =	vand.u32 $0x7, v3;
	v4 =	vand.u32 $0xFFFFFFF0, v56  }
0x8a: {  	v3 =	vor.u32 v3, v4  }
0x8b: {  	v4 =	vperm.xlane v3, v0;
	_ =	sdelay $0x1  }
0x8c: {  	v3 =	vperm.xlane v3, v2;
	v4 =	vadd.s32 v1, v4;
	_ =	sdelay $0x1  }
0x8d: {  	v3 =	vadd.s32 v1, v3;
	_ =	sdelay $0x1  }
0x8e: {  	s10 =	simm.s32 $0xA180  }
0x8f: {  	[tilespmem:s10], [sflag:$0x1] =	stream.indirect_vreg.gather [hbm4b:s1+s3], $0x80, v4, vm0, $0xb8;
	[tilespmem:$0x14180] =	vst v63  }
0x90: {  	s11 =	simm.s32 $0xA980  }
0x91: {  	[tilespmem:s11], [sflag:$0x1] =	stream.indirect_vreg.gather [hbm4b:s1+s3], $0x80, v3, vm0, $0xb8;
	[tilespmem:$0x14180] =	vst v63  }
0x92: {  	v3 =	vld [tilespmem:$0xB0];
	_ =	sdelay $0x4  }
0x93: {  	v57 =	vshll.u32 v3, $0x1  }
0x94: {  	v3 =	vand.u32 $0x7, v3;
	v4 =	vand.u32 $0xFFFFFFF0, v57  }
0x95: {  	v3 =	vor.u32 v3, v4  }
0x96: {  	v4 =	vperm.xlane v3, v0;
	_ =	sdelay $0x1  }
0x97: {  	v3 =	vperm.xlane v3, v2;
	v4 =	vadd.s32 v1, v4;
	_ =	sdelay $0x1  }
0x98: {  	v3 =	vadd.s32 v1, v3;
	_ =	sdelay $0x1  }
0x99: {  	s12 =	simm.s32 $0xB180  }
0x9a: {  	[tilespmem:s12], [sflag:$0x1] =	stream.indirect_vreg.gather [hbm4b:s1+s3], $0x80, v4, vm0, $0xb8;
	[tilespmem:$0x14180] =	vst v63  }
0x9b: {  	s13 =	simm.s32 $0xB980  }
0x9c: {  	[tilespmem:s13], [sflag:$0x1] =	stream.indirect_vreg.gather [hbm4b:s1+s3], $0x80, v3, vm0, $0xb8;
	[tilespmem:$0x14180] =	vst v63  }
0x9d: {  	v3 =	vld [tilespmem:$0xC0];
	_ =	sdelay $0x4  }
0x9e: {  	v58 =	vshll.u32 v3, $0x1  }
0x9f: {  	v3 =	vand.u32 $0x7, v3;
	v4 =	vand.u32 $0xFFFFFFF0, v58  }
0xa0: {  	v3 =	vor.u32 v3, v4  }
0xa1: {  	v4 =	vperm.xlane v3, v0;
	_ =	sdelay $0x1  }
0xa2: {  	v3 =	vperm.xlane v3, v2;
	v4 =	vadd.s32 v1, v4;
	_ =	sdelay $0x1  }
0xa3: {  	v3 =	vadd.s32 v1, v3;
	_ =	sdelay $0x1  }
0xa4: {  	s14 =	simm.s32 $0xC180  }
0xa5: {  	[tilespmem:s14], [sflag:$0x1] =	stream.indirect_vreg.gather [hbm4b:s1+s3], $0x80, v4, vm0, $0xb8;
	[tilespmem:$0x14180] =	vst v63  }
0xa6: {  	s30 =	simm.s32 $0xC980  }
0xa7: {  	[tilespmem:s30], [sflag:$0x1] =	stream.indirect_vreg.gather [hbm4b:s1+s3], $0x80, v3, vm0, $0xb8;
	[tilespmem:$0x14180] =	vst v63  }
0xa8: {  	v3 =	vld [tilespmem:$0xD0];
	_ =	sdelay $0x4  }
0xa9: {  	v59 =	vshll.u32 v3, $0x1  }
0xaa: {  	v3 =	vand.u32 $0x7, v3;
	v4 =	vand.u32 $0xFFFFFFF0, v59  }
0xab: {  	v3 =	vor.u32 v3, v4  }
0xac: {  	v4 =	vperm.xlane v3, v0;
	_ =	sdelay $0x1  }
0xad: {  	v3 =	vperm.xlane v3, v2;
	v4 =	vadd.s32 v1, v4;
	_ =	sdelay $0x1  }
0xae: {  	v3 =	vadd.s32 v1, v3;
	_ =	sdelay $0x1  }
0xaf: {  	s31 =	simm.s32 $0xD180  }
0xb0: {  	[tilespmem:s31], [sflag:$0x1] =	stream.indirect_vreg.gather [hbm4b:s1+s3], $0x80, v4, vm0, $0xb8;
	[tilespmem:$0x14180] =	vst v63  }
0xb1: {  	_ = 	snop  }
0xb2: {  	[tilespmem:s15], [sflag:$0x1] =	stream.indirect_vreg.gather [hbm4b:s1+s3], $0x80, v3, vm0, $0xb8;
	[tilespmem:$0x14180] =	vst v63  }
0xb3: {  	v3 =	vld [tilespmem:$0xE0];
	_ =	sdelay $0x4  }
0xb4: {  	v60 =	vshll.u32 v3, $0x1  }
0xb5: {  	v3 =	vand.u32 $0x7, v3;
	v4 =	vand.u32 $0xFFFFFFF0, v60  }
0xb6: {  	v3 =	vor.u32 v3, v4  }
0xb7: {  	v4 =	vperm.xlane v3, v0;
	_ =	sdelay $0x1  }
0xb8: {  	v3 =	vperm.xlane v3, v2;
	v4 =	vadd.s32 v1, v4;
	_ =	sdelay $0x1  }
0xb9: {  	v3 =	vadd.s32 v1, v3;
	_ =	sdelay $0x2  }
0xba: {  	[tilespmem:s16], [sflag:$0x1] =	stream.indirect_vreg.gather [hbm4b:s1+s3], $0x80, v4, vm0, $0xb8;
	[tilespmem:$0x14180] =	vst v63  }
0xbb: {  	_ = 	snop  }
0xbc: {  	[tilespmem:s17], [sflag:$0x1] =	stream.indirect_vreg.gather [hbm4b:s1+s3], $0x80, v3, vm0, $0xb8;
	[tilespmem:$0x14180] =	vst v63  }
0xbd: {  	v3 =	vld [tilespmem:$0xF0];
	_ =	sdelay $0x4  }
0xbe: {  	v61 =	vshll.u32 v3, $0x1  }
0xbf: {  	v3 =	vand.u32 $0x7, v3;
	v4 =	vand.u32 $0xFFFFFFF0, v61  }
0xc0: {  	v3 =	vor.u32 v3, v4  }
0xc1: {  	v4 =	vperm.xlane v3, v0;
	_ =	sdelay $0x1  }
0xc2: {  	v3 =	vperm.xlane v3, v2;
	v4 =	vadd.s32 v1, v4;
	_ =	sdelay $0x1  }
0xc3: {  	v3 =	vadd.s32 v1, v3;
	_ =	sdelay $0x2  }
0xc4: {  	[tilespmem:s18], [sflag:$0x1] =	stream.indirect_vreg.gather [hbm4b:s1+s3], $0x80, v4, vm0, $0xb8;
	[tilespmem:$0x14180] =	vst v63  }
0xc5: {  	_ = 	snop  }
0xc6: {  	[tilespmem:s19], [sflag:$0x1] =	stream.indirect_vreg.gather [hbm4b:s1+s3], $0x80, v3, vm0, $0xb8;
	[tilespmem:$0x14180] =	vst v63  }
0xc7: {  	v3 =	vld [tilespmem:$0x100];
	_ =	sdelay $0x4  }
0xc8: {  	v62 =	vshll.u32 v3, $0x1  }
0xc9: {  	v3 =	vand.u32 $0x7, v3;
	v4 =	vand.u32 $0xFFFFFFF0, v62  }
0xca: {  	v3 =	vor.u32 v3, v4  }
0xcb: {  	v4 =	vperm.xlane v3, v0;
	_ =	sdelay $0x1  }
0xcc: {  	v3 =	vperm.xlane v3, v2;
	v4 =	vadd.s32 v1, v4;
	_ =	sdelay $0x1  }
0xcd: {  	v3 =	vadd.s32 v1, v3;
	_ =	sdelay $0x2  }
0xce: {  	[tilespmem:s20], [sflag:$0x2] =	stream.indirect_vreg.gather [hbm4b:s1+s3], $0x80, v4, vm0, $0xb8;
	[tilespmem:$0x14180] =	vst v63  }
0xcf: {  	_ = 	snop  }
0xd0: {  	[tilespmem:s21], [sflag:$0x2] =	stream.indirect_vreg.gather [hbm4b:s1+s3], $0x80, v3, vm0, $0xb8;
	[tilespmem:$0x14180] =	vst v63  }
0xd1: {  	v3 =	vld [tilespmem:$0x110];
	_ =	sdelay $0x4  }
0xd2: {  	v63 =	vshll.u32 v3, $0x1  }
0xd3: {  	v3 =	vand.u32 $0x7, v3;
	v4 =	vand.u32 $0xFFFFFFF0, v63  }
0xd4: {  	v3 =	vor.u32 v3, v4  }
0xd5: {  	v4 =	vperm.xlane v3, v0;
	_ =	sdelay $0x1  }
0xd6: {  	v3 =	vperm.xlane v3, v2;
	v4 =	vadd.s32 v1, v4;
	_ =	sdelay $0x1  }
0xd7: {  	v3 =	vadd.s32 v1, v3;
	_ =	sdelay $0x2  }
0xd8: {  	[tilespmem:s22], [sflag:$0x2] =	stream.indirect_vreg.gather [hbm4b:s1+s3], $0x80, v4, vm0, $0xb8;
	[tilespmem:$0x14180] =	vst v63  }
0xd9: {  	_ = 	snop  }
0xda: {  	[tilespmem:s23], [sflag:$0x2] =	stream.indirect_vreg.gather [hbm4b:s1+s3], $0x80, v3, vm0, $0xb8;
	[tilespmem:$0x14180] =	vst v63  }
0xdb: {  	_ =	swait.ge [sflag:s24], $0x8000  }
0xdc: {  	[sflag:s24] =	ssyncset.done $0x0  }
0xdd: {  	s29 =	simm.s32 $0x0;
	[sflag:s24] =	ssyncadd.s32 $0xFFFF8000  }
.LBB2_2:
0xde: {  	s0 =	sshll.u32 s29, $0xB  }
0xdf: {  	s2 =	simm.s32 $0x0;
	s0 =	sand.u32 $0x3FFFF800, s0  }
0xe0: {  	s10 =	sand.u32 $0x400, s2;
	s30 =	sor.u32 $0x180, s0  }
0xe1: {  	s13 =	sand.u32 $0x70, s2;
	s0 =	sadd.s32 s10, s30  }
0xe2: {  	s0 =	sadd.s32 s13, s0  }
0xe3: {  	v3 =	vld [tilespmem:s0+$0x80]  }
0xe4: {  	v4 =	vld [tilespmem:s0+$0x0]  }
0xe5: {  	v5 =	vld [tilespmem:s0+$0x100]  }
0xe6: {  	v6 =	vld [tilespmem:s0+$0x180]  }
0xe7: {  	v7 =	vld [tilespmem:s0+$0x200]  }
0xe8: {  	v8 =	vld [tilespmem:s0+$0x280]  }
0xe9: {  	v3 =	vmax.f32 v4, v3;
	v4 =	vld [tilespmem:s0+$0x300]  }
0xea: {  	s14 =	sshll.u32 s29, $0x8;
	s11 =	sshll.u32 s29, $0x7;
	v3 =	vmax.f32 v3, v5;
	v5 =	vld [tilespmem:s0+$0x380]  }
0xeb: {  	s2 =	sand.u32 $0x800, s14;
	s12 =	sand.u32 $0x380, s11;
	v3 =	vmax.f32 v3, v6  }
0xec: {  	s0 =	sor.u32 s12, s2;
	v3 =	vmax.f32 v3, v7  }
0xed: {  	s14 =	simm.s32 $0x10;
	s2 =	simm.s32 $0x80;
	s31 =	sadd.s32 $0x12180, s0;
	v3 =	vmax.f32 v3, v8  }
0xee: {  	s11 =	sand.u32 $0x70, s14;
	s0 =	sand.u32 $0x400, s2;
	s14 =	sadd.s32 s10, s31;
	v3 =	vmax.f32 v3, v4  }
0xef: {  	s12 =	sadd.s32 s0, s30;
	s10 =	simm.s32 $0x20;
	s13 =	sadd.s32 s13, s14;
	v3 =	vmax.f32 v3, v5  }
.LBB2_3:
0xf0: {  	p0 =	sne.s32 s10, $0xF0;
	s12 =	sadd.s32 s11, s12;
	[tilespmem:s13+$0x0] =	vst v3;
	s13 =	smov.u32 s11  }
0xf1: {  	v3 =	vld [tilespmem:s12+$0x80]  }
0xf2: {  	v4 =	vld [tilespmem:s12+$0x0]  }
0xf3: {  	v5 =	vld [tilespmem:s12+$0x100]  }
0xf4: {  	v6 =	vld [tilespmem:s12+$0x180]  }
0xf5: {  	v7 =	vld [tilespmem:s12+$0x200]  }
0xf6: {  	v8 =	vld [tilespmem:s12+$0x280]  }
0xf7: {  	v3 =	vmax.f32 v4, v3;
	v4 =	vld [tilespmem:s12+$0x300]  }
0xf8: {  	v3 =	vmax.f32 v3, v5;
	v5 =	vld [tilespmem:s12+$0x380]  }
.Ltmp0:
0xf9: {  	v3 =	vmax.f32 v3, v6;
	(pc) =	sbr.rel @p0 .LBB2_3-.Ltmp0, $4  }
0xfa: {  	v3 =	vmax.f32 v3, v7  }
0xfb: {  	s2 =	sadd.s32 $0x80, s2;
	v3 =	vmax.f32 v3, v8  }
0xfc: {  	s11 =	sand.u32 $0x70, s10;
	s14 =	sadd.s32 s0, s31;
	s0 =	sand.u32 $0x400, s2;
	v3 =	vmax.f32 v3, v4  }
0xfd: {  	s10 =	sadd.s32 $0x10, s10;
	s13 =	sadd.s32 s13, s14;
	s12 =	sadd.s32 s0, s30;
	v3 =	vmax.f32 v3, v5  }
0xfe: {  	s2 =	sadd.s32 s11, s12;
	[tilespmem:s13+$0x0] =	vst v3  }
0xff: {  	v3 =	vld [tilespmem:s2+$0x80]  }
0x100: {  	v4 =	vld [tilespmem:s2+$0x0]  }
0x101: {  	v5 =	vld [tilespmem:s2+$0x100]  }
0x102: {  	v6 =	vld [tilespmem:s2+$0x180]  }
0x103: {  	v7 =	vld [tilespmem:s2+$0x200]  }
0x104: {  	v8 =	vld [tilespmem:s2+$0x280]  }
0x105: {  	v62 =	vld [tilespmem:s2+$0x300];
	v3 =	vmax.f32 v4, v3  }
0x106: {  	s29 =	sadd.s32 $0x1, s29;
	v63 =	vld [tilespmem:s2+$0x380];
	v3 =	vmax.f32 v3, v5  }
0x107: {  	p0 =	sne.s32 s29, $0x10;
	v3 =	vmax.f32 v3, v6  }
.Ltmp1:
0x108: {  	v3 =	vmax.f32 v3, v7;
	(pc) =	sbr.rel @p0 .LBB2_2-.Ltmp1, $4  }
0x109: {  	v3 =	vmax.f32 v3, v8  }
0x10a: {  	s0 =	sadd.s32 s0, s31;
	v3 =	vmax.f32 v3, v62  }
0x10b: {  	s0 =	sadd.s32 s11, s0;
	v3 =	vmax.f32 v3, v63  }
0x10c: {  	[tilespmem:s0+$0x0] =	vst v3  }
0x10d: {  	_ =	swait.ge [sflag:s24], $0x8000  }
0x10e: {  	[sflag:s24] =	ssyncset.done $0x0  }
0x10f: {  	s29 =	simm.s32 $0x10;
	[sflag:s24] =	ssyncadd.s32 $0xFFFF8000  }
.LBB2_6:
0x110: {  	s0 =	sshll.u32 s29, $0xB  }
0x111: {  	s2 =	simm.s32 $0x0;
	s0 =	sand.u32 $0x3FFFF800, s0  }
0x112: {  	s10 =	sand.u32 $0x400, s2;
	s30 =	sor.u32 $0x180, s0  }
0x113: {  	s13 =	sand.u32 $0x70, s2;
	s0 =	sadd.s32 s10, s30  }
0x114: {  	s0 =	sadd.s32 s13, s0  }
0x115: {  	v3 =	vld [tilespmem:s0+$0x80]  }
0x116: {  	v4 =	vld [tilespmem:s0+$0x0]  }
0x117: {  	v5 =	vld [tilespmem:s0+$0x100]  }
0x118: {  	v6 =	vld [tilespmem:s0+$0x180]  }
0x119: {  	v7 =	vld [tilespmem:s0+$0x200]  }
0x11a: {  	v8 =	vld [tilespmem:s0+$0x280]  }
0x11b: {  	v3 =	vmax.f32 v4, v3;
	v4 =	vld [tilespmem:s0+$0x300]  }
0x11c: {  	s14 =	sshll.u32 s29, $0x8;
	s11 =	sshll.u32 s29, $0x7;
	v3 =	vmax.f32 v3, v5;
	v5 =	vld [tilespmem:s0+$0x380]  }
0x11d: {  	s2 =	sand.u32 $0x1800, s14;
	s12 =	sand.u32 $0x380, s11;
	v3 =	vmax.f32 v3, v6  }
0x11e: {  	s0 =	sor.u32 s12, s2;
	v3 =	vmax.f32 v3, v7  }
0x11f: {  	s14 =	simm.s32 $0x10;
	s2 =	simm.s32 $0x80;
	s31 =	sadd.s32 $0x12180, s0;
	v3 =	vmax.f32 v3, v8  }
0x120: {  	s11 =	sand.u32 $0x70, s14;
	s0 =	sand.u32 $0x400, s2;
	s14 =	sadd.s32 s10, s31;
	v3 =	vmax.f32 v3, v4  }
0x121: {  	s12 =	sadd.s32 s0, s30;
	s10 =	simm.s32 $0x20;
	s13 =	sadd.s32 s13, s14;
	v3 =	vmax.f32 v3, v5  }
.LBB2_7:
0x122: {  	p0 =	sne.s32 s10, $0xF0;
	s12 =	sadd.s32 s11, s12;
	[tilespmem:s13+$0x0] =	vst v3;
	s13 =	smov.u32 s11  }
0x123: {  	v3 =	vld [tilespmem:s12+$0x80]  }
0x124: {  	v4 =	vld [tilespmem:s12+$0x0]  }
0x125: {  	v5 =	vld [tilespmem:s12+$0x100]  }
0x126: {  	v6 =	vld [tilespmem:s12+$0x180]  }
0x127: {  	v7 =	vld [tilespmem:s12+$0x200]  }
0x128: {  	v8 =	vld [tilespmem:s12+$0x280]  }
0x129: {  	v3 =	vmax.f32 v4, v3;
	v4 =	vld [tilespmem:s12+$0x300]  }
0x12a: {  	v3 =	vmax.f32 v3, v5;
	v5 =	vld [tilespmem:s12+$0x380]  }
.Ltmp2:
0x12b: {  	v3 =	vmax.f32 v3, v6;
	(pc) =	sbr.rel @p0 .LBB2_7-.Ltmp2, $4  }
0x12c: {  	v3 =	vmax.f32 v3, v7  }
0x12d: {  	s2 =	sadd.s32 $0x80, s2;
	v3 =	vmax.f32 v3, v8  }
0x12e: {  	s11 =	sand.u32 $0x70, s10;
	s14 =	sadd.s32 s0, s31;
	s0 =	sand.u32 $0x400, s2;
	v3 =	vmax.f32 v3, v4  }
0x12f: {  	s10 =	sadd.s32 $0x10, s10;
	s13 =	sadd.s32 s13, s14;
	s12 =	sadd.s32 s0, s30;
	v3 =	vmax.f32 v3, v5  }
0x130: {  	s2 =	sadd.s32 s11, s12;
	[tilespmem:s13+$0x0] =	vst v3  }
0x131: {  	v3 =	vld [tilespmem:s2+$0x80]  }
0x132: {  	v4 =	vld [tilespmem:s2+$0x0]  }
0x133: {  	v5 =	vld [tilespmem:s2+$0x100]  }
0x134: {  	v6 =	vld [tilespmem:s2+$0x180]  }
0x135: {  	v7 =	vld [tilespmem:s2+$0x200]  }
0x136: {  	v8 =	vld [tilespmem:s2+$0x280]  }
0x137: {  	v62 =	vld [tilespmem:s2+$0x300];
	v3 =	vmax.f32 v4, v3  }
0x138: {  	s29 =	sadd.s32 $0x1, s29;
	v63 =	vld [tilespmem:s2+$0x380];
	v3 =	vmax.f32 v3, v5  }
0x139: {  	p0 =	sne.s32 s29, $0x20;
	v3 =	vmax.f32 v3, v6  }
.Ltmp3:
0x13a: {  	v3 =	vmax.f32 v3, v7;
	(pc) =	sbr.rel @p0 .LBB2_6-.Ltmp3, $4  }
0x13b: {  	v3 =	vmax.f32 v3, v8  }
0x13c: {  	s0 =	sadd.s32 s0, s31;
	v3 =	vmax.f32 v3, v62  }
0x13d: {  	s0 =	sadd.s32 s11, s0;
	v3 =	vmax.f32 v3, v63  }
0x13e: {  	[tilespmem:s0+$0x0] =	vst v3  }
0x13f: {  	_ =	swait.ge [sflag:s25], $0x2000  }
0x140: {  	[sflag:s25] =	ssyncset.done $0x0  }
0x141: {  	[sflag:s25] =	ssyncadd.s32 $0xFFFFE000  }
0x142: {  	[hbm4b:s6+s3] =	stream.linear.scatter [tilespmem:s26], [sflag:$0x3], $0x2000, $0x38;
	[tilespmem:$0x14180] =	vst v63  }
0x143: {  	s28 =	sadd.s32 $0x1, s28;
	_ =	swait.ge [sflag:s9], $0x2000  }
0x144: {  	p0 =	sne.s32 s28, s8;
	[sflag:s9] =	ssyncset.done $0x0  }
.Ltmp4:
0x145: {  	[sflag:s9] =	ssyncadd.s32 $0xFFFFE000;
	(pc) =	sbr.rel @p0 .LBB2_1-.Ltmp4, $4  }
0x146: {  	[hbm4b:s7+s3] =	stream.linear.scatter [tilespmem:s20], [sflag:$0x3], $0x2000, $0x38;
	[tilespmem:$0x14180] =	vst v63  }
0x147: {  	_ =	swait.ge [sflag:s9], $0x2000  }
0x148: {  	[sflag:s9] =	ssyncset.done $0x0  }
0x149: {  	[sflag:s9] =	ssyncadd.s32 $0xFFFFE000  }
0x14a: {  	_ =	sfence.sel $0x180000  }
0x14b: {  	[bflag:$0x0] =	sbarrier.arrive $0xFFFF  }
0x14c: {  	_ =	strace $0x90000047  }
0x14d: {  	s0 =	stileid.u32;
	[bflag:$0x2] =	sbarrier.arrive $0xFFFF  }
0x14e: {  	p0 =	sne.s32 s0, $0x0;
	s0 =	rddreg [dreg:$0x4]  }
0x14f: {  	s0 =	sadd.s32 @!p0 $0x100000, s0  }
0x150: {  	[sflag:s0] =	ssyncadd.tile.s32 @!p0 $0x1;
	_ =	shalt  }
.Lfunc_end2:
_tile_overlayer_lowered:
.L_overlay_start_2:
0x151: {  	(tag) =	ssettag $0x2  }
0x152: {  	s0 =	rddreg [dreg:$0x0];
	s2 =	stileid.u32  }
0x153: {  	s1 =	rddreg [dreg:$0x1];
	p0 =	sne.s32 s2, $0x0  }
0x154: {  	s3 =	rddreg [dreg:$0x2];
	[bflag:$0x3] =	sbarrier.arrive $0xFFFF;
	s2 =	simm.s32 @!p0 $0x1C03  }
0x155: {  	[timem:s3], [sflag:s2] =	dma.local @!p0 [hbm:s0], s1  }
0x156: {  	s0 =	simm.s32 @!p0 $0x3  }
0x157: {  	_ =	swait.ge @!p0 [sflag:s0], s1  }
0x158: {  	s1 =	ssub.s32 @!p0 $0x0, s1;
	[sflag:s0] =	ssyncset.done @!p0 $0x0  }
0x159: {  	[sflag:s0] =	ssyncadd.s32 @!p0 s1  }
0x15a: {  	[bflag:$0x3] =	sbarrier.arrive $0xFFFF  }
0x15b: {  	_ =	shalt  }

</sc_bundles>
